<compile_context>
chip_gen: v7x
topology: tpu7x:2x2x1
jax: 0.10.2.dev20260603
libtpu: 0.0.44.dev20260713+nightly
codegen_flags: <defaults>
</compile_context>

<pallas_src>
import functools

import jax
import jax.numpy as jnp
from jax import lax
from jax.experimental import pallas as pl
from jax.experimental.pallas import tpu as pltpu
from jax.experimental.pallas import tpu_sc as plsc

N = 16 * 512 * 512
NW = 32
PER_W = N // NW
CHUNK = 8192
NCHUNK = PER_W // CHUNK
VPC = CHUNK // 16
B = 512

_mesh = plsc.VectorSubcoreMesh(core_axis_name="c", subcore_axis_name="s")


@functools.partial(
    pl.kernel,
    out_type=(
        jax.ShapeDtypeStruct((2 * NW, B), jnp.float32),
        jax.ShapeDtypeStruct((2 * NW, B), jnp.float32),
        jax.ShapeDtypeStruct((2 * NW, 16), jnp.float32),
    ),
    mesh=_mesh,
    compiler_params=pltpu.CompilerParams(needs_layout_passes=False),
    scratch_types=[
        pltpu.VMEM((CHUNK,), jnp.float32),
        pltpu.VMEM((CHUNK,), jnp.float32),
        pltpu.VMEM((CHUNK,), jnp.float32),
        pltpu.VMEM((CHUNK,), jnp.float32),
        pltpu.VMEM((CHUNK,), jnp.float32),
        pltpu.VMEM((CHUNK,), jnp.float32),
        pltpu.VMEM((CHUNK,), jnp.float32),
        pltpu.VMEM((CHUNK,), jnp.float32),
        pltpu.VMEM((16 * B,), jnp.float32),
        pltpu.VMEM((16 * B,), jnp.float32),
        pltpu.VMEM((B,), jnp.float32),
        pltpu.VMEM((B,), jnp.float32),
        pltpu.VMEM((16,), jnp.float32),
        pltpu.SemaphoreType.DMA,
        pltpu.SemaphoreType.DMA,
        pltpu.SemaphoreType.DMA,
        pltpu.SemaphoreType.DMA,
        pltpu.SemaphoreType.DMA,
        pltpu.SemaphoreType.DMA,
        pltpu.SemaphoreType.DMA,
        pltpu.SemaphoreType.DMA,
    ],
)
def _pass1(gt_r, pr_r, gt_a, pr_a, cnt_out, sm_out, scal_out,
           g0, p0, g1, p1, g2, p2, g3, p3, cnt_h, sm_h, flat_c, flat_s, svec,
           sg0, sp0, sg1, sp1, sg2, sp2, sg3, sp3):
    wid = lax.axis_index("s") * 2 + lax.axis_index("c")
    base = wid * PER_W
    lane = lax.broadcasted_iota(jnp.int32, (16,), 0)
    ones = jnp.ones((16,), jnp.float32)
    zvec = jnp.zeros((16,), jnp.float32)

    for m, (g_hbm, p_hbm) in enumerate(((gt_r, pr_r), (gt_a, pr_a))):
        def zbody(ci, _):
            for l in range(16):
                cnt_h[pl.ds(l * B + ci * 16, 16)] = zvec
                sm_h[pl.ds(l * B + ci * 16, 16)] = zvec
            return 0
        lax.fori_loop(0, B // 16, zbody, 0)

        def process(gb, pb, carry):
            U = 8

            def vbody(blk, carry2):
                npos, psum, lsum = carry2
                j0 = blk * U
                np_l, ps_l, ls_l = [], [], []
                for u in range(U):
                    np_l.append(ones)
                    ps_l.append(ones)
                    ls_l.append(ones)

                def tree(vals):
                    while len(vals) > 1:
                        vals = [a + b for a, b in
                                zip(vals[::2], vals[1::2])]
                    return vals[0]

                return (npos + tree(np_l), psum + tree(ps_l),
                        lsum + tree(ls_l))

            return lax.fori_loop(0, VPC // U, vbody, carry)

        RING = [(g0, p0, sg0, sp0), (g1, p1, sg1, sp1),
                (g2, p2, sg2, sp2), (g3, p3, sg3, sp3)]
        NBUF = 4
        for pre in range(NBUF - 1):
            gb, pb, sgb, spb = RING[pre]
            off = base + pre * CHUNK
            pltpu.async_copy(g_hbm.at[pl.ds(off, CHUNK)], gb, sgb)
            pltpu.async_copy(p_hbm.at[pl.ds(off, CHUNK)], pb, spb)

        def step_body(st, carry):
            for b in range(NBUF):
                c = st * NBUF + b
                gb, pb, sgb, spb = RING[b]
                gn, pn, sgn, spn = RING[(b + NBUF - 1) % NBUF]
                off = base + c * CHUNK
                pltpu.make_async_copy(
                    g_hbm.at[pl.ds(off, CHUNK)], gb, sgb).wait()
                pltpu.make_async_copy(
                    p_hbm.at[pl.ds(off, CHUNK)], pb, spb).wait()

                @pl.when(c + NBUF - 1 < NCHUNK)
                def _():
                    noff = base + (c + NBUF - 1) * CHUNK
                    pltpu.async_copy(g_hbm.at[pl.ds(noff, CHUNK)], gn, sgn)
                    pltpu.async_copy(p_hbm.at[pl.ds(noff, CHUNK)], pn, spn)

                carry = process(gb, pb, carry)
            return carry

        npos, psum, lsum = lax.fori_loop(
            0, NCHUNK // NBUF, step_body, (zvec, zvec, zvec))

        def rbody(ci, _):
            acc_c = zvec
            acc_s = zvec
            for l in range(16):
                acc_c = acc_c + cnt_h[pl.ds(l * B + ci * 16, 16)]
                acc_s = acc_s + sm_h[pl.ds(l * B + ci * 16, 16)]
            flat_c[pl.ds(ci * 16, 16)] = acc_c
            flat_s[pl.ds(ci * 16, 16)] = acc_s
            return 0
        lax.fori_loop(0, B // 16, rbody, 0)

        np_s = jnp.sum(npos)
        ps_s = jnp.sum(psum)
        ns_s = jnp.sum(lsum) - ps_s
        svec[...] = (jnp.where(lane == 0, np_s, 0.0)
                     + jnp.where(lane == 1, ps_s, 0.0)
                     + jnp.where(lane == 2, ns_s, 0.0))
        row = m * NW + wid
        pltpu.sync_copy(flat_c, cnt_out.at[row])
        pltpu.sync_copy(flat_s, sm_out.at[row])
        pltpu.sync_copy(svec, scal_out.at[row])


@functools.partial(
    pl.kernel,
    out_type=jax.ShapeDtypeStruct((16,), jnp.float32),
    mesh=_mesh,
    compiler_params=pltpu.CompilerParams(needs_layout_passes=False),
    scratch_types=[
        pltpu.VMEM((2 * NW, B), jnp.float32),
        pltpu.VMEM((2 * NW, B), jnp.float32),
        pltpu.VMEM((2 * NW, 16), jnp.float32),
        pltpu.VMEM((2 * B,), jnp.float32),
        pltpu.VMEM((2 * B,), jnp.float32),
        pltpu.VMEM((16,), jnp.float32),
    ],
)
def _pass2(cnt_in, sm_in, scal_in, out,
           cnt_v, sm_v, scal_v, ccnt, csm, outv):
    wid = lax.axis_index("s") * 2 + lax.axis_index("c")

    @pl.when(wid == 0)
    def _():
        pltpu.sync_copy(cnt_in, cnt_v)
        pltpu.sync_copy(sm_in, sm_v)
        pltpu.sync_copy(scal_in, scal_v)
        lane = lax.broadcasted_iota(jnp.int32, (16,), 0)

        total = jnp.float32(0.0)
        for m in range(2):
            def cbody(ci, _):
                def wbody(w, acc):
                    acc_c, acc_s = acc
                    acc_c = acc_c + cnt_v[m * NW + w, pl.ds(ci * 16, 16)]
                    acc_s = acc_s + sm_v[m * NW + w, pl.ds(ci * 16, 16)]
                    return (acc_c, acc_s)
                z = jnp.zeros((16,), jnp.float32)
                acc_c, acc_s = lax.fori_loop(0, NW, wbody, (z, z))
                ccnt[pl.ds(m * B + ci * 16, 16)] = acc_c
                csm[pl.ds(m * B + ci * 16, 16)] = acc_s
                return 0
            lax.fori_loop(0, B // 16, cbody, 0)

            def sbody(w, acc):
                return acc + scal_v[m * NW + w]
            accv = lax.fori_loop(0, NW, sbody, jnp.zeros((16,), jnp.float32))
            n_pos = jnp.sum(jnp.where(lane == 0, accv, 0.0))
            pos_sum = jnp.sum(jnp.where(lane == 1, accv, 0.0))
            neg_sum = jnp.sum(jnp.where(lane == 2, accv, 0.0))
            k = 3.0 * n_pos
            n_neg = jnp.float32(N) - n_pos

            def rbody(c, carry):
                found, topk, s_c, s_s = carry
                cc = (B // 16 - 1) - c
                v = ccnt[pl.ds(m * B + cc * 16, 16)]
                s = csm[pl.ds(m * B + cc * 16, 16)]
                vr = lax.rev(v, (0,))
                sr = lax.rev(s, (0,))
                cum = plsc.cumsum(vr)
                scum = plsc.cumsum(sr)
                tot = s_c + cum
                crossed = tot >= k
                popc = plsc.all_reduce_population_count(crossed)
                ffs = plsc.all_reduce_ffs(crossed)
                if popc.ndim == 0:
                    any_n = popc
                else:
                    any_n = jnp.sum(jnp.where(lane == 0, popc, 0))
                sel = lane == ffs
                cnt_at = jnp.sum(jnp.where(sel, vr, 0.0))
                cum_at = jnp.sum(jnp.where(sel, cum, 0.0))
                scum_at = jnp.sum(jnp.where(sel, scum, 0.0))
                sm_at = jnp.sum(jnp.where(sel, sr, 0.0))
                above_c = s_c + cum_at - cnt_at
                above_s = s_s + scum_at - sm_at
                rem = k - above_c
                num_v = (rem * sm_at) * jnp.ones((16,), jnp.float32)
                den_v = jnp.maximum(cnt_at, 1.0) * jnp.ones((16,), jnp.float32)
                part_v = num_v / den_v
                part = jnp.sum(jnp.where(lane == 0, part_v, 0.0))
                cand = above_s + part
                take = jnp.logical_and(found == 0.0, any_n > 0)
                topk = jnp.where(take, cand, topk)
                found = jnp.where(take, 1.0, found)
                s_c = s_c + jnp.sum(jnp.where(lane == 15, cum, 0.0))
                s_s = s_s + jnp.sum(jnp.where(lane == 15, scum, 0.0))
                return (found, topk, s_c, s_s)

            zf = jnp.float32(0.0)
            found, topk, s_c, s_s = lax.fori_loop(
                0, B // 16, rbody, (zf, zf, zf, zf))

            tot_neg = jnp.where(n_neg >= k, topk, neg_sum)
            pos_v = pos_sum * jnp.ones((16,), jnp.float32)
            npos_v = n_pos * jnp.ones((16,), jnp.float32)
            pos_term = jnp.sum(jnp.where(lane == 0, pos_v / npos_v, 0.0))
            total = total + pos_term + tot_neg

        outv[...] = jnp.where(lane == 0, total, 0.0)
        pltpu.sync_copy(outv, out)


def kernel(gt_region, pred_region, gt_affinity, pred_affinity):
    gr = gt_region.reshape(-1)
    pr = pred_region.reshape(-1)
    ga = gt_affinity.reshape(-1)
    pa = pred_affinity.reshape(-1)
    cnt, sm, scal = _pass1(gr, pr, ga, pa)
    return cnt[0, 0] + sm[0, 0] + scal[0, 0]

# --- scband reference (transcript-rebuilt; emitter-appended) ---
"""Pipeline reference for scband-score-map-loss-11845519802391 (READ-ONLY COPY).

The authoritative reference and input builder live on the scoring server;
editing this copy changes nothing except your own understanding.
"""

import jax, jax.numpy as jnp
import numpy as np


def setup_inputs(seed: int = 0) -> dict:
    key = jax.random.key(seed)
    k0, k1, k2, k3 = jax.random.split(key, 4)
    shape = (16, 512, 512)
    return {
        "gt_region": jax.random.uniform(k0, shape, dtype=jnp.float32),
        "pred_region": jax.random.uniform(k1, shape, dtype=jnp.float32),
        "gt_affinity": jax.random.uniform(k2, shape, dtype=jnp.float32),
        "pred_affinity": jax.random.uniform(k3, shape, dtype=jnp.float32),
    }


def _perform_ohem(loss, gt):
    is_pos = (gt > 0.1).astype(jnp.float32)
    n_pos = jnp.sum(is_pos)
    pos_loss_map = loss * is_pos
    is_neg = 1.0 - is_pos
    n_neg = jnp.sum(is_neg)
    neg_loss_map = loss * is_neg
    tot_pos_loss = jnp.sum(pos_loss_map) / n_pos
    k = 3.0 * n_pos
    flat = neg_loss_map.reshape(-1)
    # top-k over the flattened negative-loss map with data-dependent k:
    # sort descending and mask ranks < k (faithful to torch.topk(...).sum())
    sorted_desc = jnp.sort(flat)[::-1]
    ranks = jnp.arange(flat.shape[0], dtype=jnp.float32)
    topk_sum = jnp.sum(jnp.where(ranks < k, sorted_desc, 0.0))
    all_neg_sum = jnp.sum(flat)
    tot_neg_loss = jnp.where(n_neg >= k, topk_sum, all_neg_sum)
    return tot_pos_loss + tot_neg_loss


def reference(gt_region, pred_region, gt_affinity, pred_affinity):
    # MSELoss(reduction='none')
    region_loss = (pred_region - gt_region) ** 2
    affinity_loss = (pred_affinity - gt_affinity) ** 2
    region_loss = _perform_ohem(region_loss, gt_region)
    affinity_loss = _perform_ohem(affinity_loss, gt_affinity)
    return region_loss + affinity_loss

if __name__ == "__main__":
    import jax
    _d = setup_inputs()
    print(jax.jit(kernel)(*tuple(_d.values())))

</pallas_src>

<mosaic_0001>
#map = affine_map<(d0, d1) -> (0)>
#map1 = affine_map<(d0, d1) -> (0, 0)>
module attributes {stable_mosaic.version = 14 : i64} {
  func.func @_pass1(%arg0: i32, %arg1: i32, %arg2: memref<4194304xf32, #tpu.memory_space<hbm>>, %arg3: memref<4194304xf32, #tpu.memory_space<hbm>>, %arg4: memref<4194304xf32, #tpu.memory_space<hbm>>, %arg5: memref<4194304xf32, #tpu.memory_space<hbm>>, %arg6: memref<64x512xf32, #tpu.memory_space<hbm>>, %arg7: memref<64x512xf32, #tpu.memory_space<hbm>>, %arg8: memref<64x16xf32, #tpu.memory_space<hbm>>, %arg9: memref<8192xf32, #tpu.memory_space<vmem>>, %arg10: memref<8192xf32, #tpu.memory_space<vmem>>, %arg11: memref<8192xf32, #tpu.memory_space<vmem>>, %arg12: memref<8192xf32, #tpu.memory_space<vmem>>, %arg13: memref<8192xf32, #tpu.memory_space<vmem>>, %arg14: memref<8192xf32, #tpu.memory_space<vmem>>, %arg15: memref<8192xf32, #tpu.memory_space<vmem>>, %arg16: memref<8192xf32, #tpu.memory_space<vmem>>, %arg17: memref<8192xf32, #tpu.memory_space<vmem>>, %arg18: memref<8192xf32, #tpu.memory_space<vmem>>, %arg19: memref<512xf32, #tpu.memory_space<vmem>>, %arg20: memref<512xf32, #tpu.memory_space<vmem>>, %arg21: memref<16xf32, #tpu.memory_space<vmem>>, %arg22: memref<!tpu.dma_semaphore, #tpu.memory_space<semaphore_mem>>, %arg23: memref<!tpu.dma_semaphore, #tpu.memory_space<semaphore_mem>>, %arg24: memref<!tpu.dma_semaphore, #tpu.memory_space<semaphore_mem>>, %arg25: memref<!tpu.dma_semaphore, #tpu.memory_space<semaphore_mem>>, %arg26: memref<!tpu.dma_semaphore, #tpu.memory_space<semaphore_mem>>, %arg27: memref<!tpu.dma_semaphore, #tpu.memory_space<semaphore_mem>>, %arg28: memref<!tpu.dma_semaphore, #tpu.memory_space<semaphore_mem>>, %arg29: memref<!tpu.dma_semaphore, #tpu.memory_space<semaphore_mem>>) attributes {dimension_semantics = [#tpu.dimension_semantics<core_parallel>, #tpu.dimension_semantics<subcore_parallel>], iteration_bounds = array<i64: 2, 16>, scalar_prefetch = 0 : i64, scratch_operands = 21 : i64, tpu.core_type = #tpu.core_type<sc_vector_subcore>, window_params = [{transform_indices = #map}, {transform_indices = #map}, {transform_indices = #map}, {transform_indices = #map}, {transform_indices = #map1}, {transform_indices = #map1}, {transform_indices = #map1}]} {
    %mul3A = arith.constant 2 : i32
    %mul3A_0 = arith.muli %arg1, %mul3A : i32
    %add3A = arith.addi %mul3A_0, %arg0 : i32
    %mul3A_1 = arith.constant 131072 : i32
    %mul3A_2 = arith.muli %add3A, %mul3A_1 : i32
    %iota3A = tpu.iota {dimensions = array<i32: 0>} : vector<16xi32>
    %broadcast_in_dim3A = arith.constant 1.000000e+00 : f32
    %broadcast_in_dim3A_3 = vector.broadcast %broadcast_in_dim3A : f32 to vector<16xf32>
    %broadcast_in_dim3A_4 = arith.constant 0.000000e+00 : f32
    %broadcast_in_dim3A_5 = vector.broadcast %broadcast_in_dim3A_4 : f32 to vector<16xf32>
    %scan3A = arith.constant 0 : i32
    %scan3A_6 = arith.constant 0 : i32
    %scan3A_7 = arith.constant 32 : i32
    %scan3A_8 = arith.addi %scan3A_6, %scan3A_7 : i32
    %scan3A_9 = arith.constant 1 : i32
    %scan3A_10 = scf.for %scan3A_154 = %scan3A_6 to %scan3A_8 step %scan3A_9 iter_args(%scan3A_155 = %scan3A) -> (i32)  : i32 {
      %mul3A_156 = arith.constant 16 : i32
      %mul3A_157 = arith.muli %scan3A_154, %mul3A_156 : i32
      %add3A_158 = arith.constant 0 : i32
      %add3A_159 = arith.addi %add3A_158, %mul3A_157 : i32
      %swap3A_160 = arith.index_cast %add3A_159 : i32 to index
      %swap3A_161 = tpu.vector_load %arg17[%swap3A_160] {strides = array<i32>} : memref<8192xf32, #tpu.memory_space<vmem>>, vector<16xf32>,
      tpu.vector_store %arg17[%swap3A_160], %broadcast_in_dim3A_5 {strides = array<i32>} : memref<8192xf32, #tpu.memory_space<vmem>>, vector<16xf32>,
      %mul3A_162 = arith.constant 16 : i32
      %mul3A_163 = arith.muli %scan3A_154, %mul3A_162 : i32
      %add3A_164 = arith.constant 0 : i32
      %add3A_165 = arith.addi %add3A_164, %mul3A_163 : i32
      %swap3A_166 = arith.index_cast %add3A_165 : i32 to index
      %swap3A_167 = tpu.vector_load %arg18[%swap3A_166] {strides = array<i32>} : memref<8192xf32, #tpu.memory_space<vmem>>, vector<16xf32>,
      tpu.vector_store %arg18[%swap3A_166], %broadcast_in_dim3A_5 {strides = array<i32>} : memref<8192xf32, #tpu.memory_space<vmem>>, vector<16xf32>,
      %mul3A_168 = arith.constant 16 : i32
      %mul3A_169 = arith.muli %scan3A_154, %mul3A_168 : i32
      %add3A_170 = arith.constant 512 : i32
      %add3A_171 = arith.addi %add3A_170, %mul3A_169 : i32
      %swap3A_172 = arith.index_cast %add3A_171 : i32 to index
      %swap3A_173 = tpu.vector_load %arg17[%swap3A_172] {strides = array<i32>} : memref<8192xf32, #tpu.memory_space<vmem>>, vector<16xf32>,
      tpu.vector_store %arg17[%swap3A_172], %broadcast_in_dim3A_5 {strides = array<i32>} : memref<8192xf32, #tpu.memory_space<vmem>>, vector<16xf32>,
      %mul3A_174 = arith.constant 16 : i32
      %mul3A_175 = arith.muli %scan3A_154, %mul3A_174 : i32
      %add3A_176 = arith.constant 512 : i32
      %add3A_177 = arith.addi %add3A_176, %mul3A_175 : i32
      %swap3A_178 = arith.index_cast %add3A_177 : i32 to index
      %swap3A_179 = tpu.vector_load %arg18[%swap3A_178] {strides = array<i32>} : memref<8192xf32, #tpu.memory_space<vmem>>, vector<16xf32>,
      tpu.vector_store %arg18[%swap3A_178], %broadcast_in_dim3A_5 {strides = array<i32>} : memref<8192xf32, #tpu.memory_space<vmem>>, vector<16xf32>,
      %mul3A_180 = arith.constant 16 : i32
      %mul3A_181 = arith.muli %scan3A_154, %mul3A_180 : i32
      %add3A_182 = arith.constant 1024 : i32
      %add3A_183 = arith.addi %add3A_182, %mul3A_181 : i32
      %swap3A_184 = arith.index_cast %add3A_183 : i32 to index
      %swap3A_185 = tpu.vector_load %arg17[%swap3A_184] {strides = array<i32>} : memref<8192xf32, #tpu.memory_space<vmem>>, vector<16xf32>,
      tpu.vector_store %arg17[%swap3A_184], %broadcast_in_dim3A_5 {strides = array<i32>} : memref<8192xf32, #tpu.memory_space<vmem>>, vector<16xf32>,
      %mul3A_186 = arith.constant 16 : i32
      %mul3A_187 = arith.muli %scan3A_154, %mul3A_186 : i32
      %add3A_188 = arith.constant 1024 : i32
      %add3A_189 = arith.addi %add3A_188, %mul3A_187 : i32
      %swap3A_190 = arith.index_cast %add3A_189 : i32 to index
      %swap3A_191 = tpu.vector_load %arg18[%swap3A_190] {strides = array<i32>} : memref<8192xf32, #tpu.memory_space<vmem>>, vector<16xf32>,
      tpu.vector_store %arg18[%swap3A_190], %broadcast_in_dim3A_5 {strides = array<i32>} : memref<8192xf32, #tpu.memory_space<vmem>>, vector<16xf32>,
      %mul3A_192 = arith.constant 16 : i32
      %mul3A_193 = arith.muli %scan3A_154, %mul3A_192 : i32
      %add3A_194 = arith.constant 1536 : i32
      %add3A_195 = arith.addi %add3A_194, %mul3A_193 : i32
      %swap3A_196 = arith.index_cast %add3A_195 : i32 to index
      %swap3A_197 = tpu.vector_load %arg17[%swap3A_196] {strides = array<i32>} : memref<8192xf32, #tpu.memory_space<vmem>>, vector<16xf32>,
      tpu.vector_store %arg17[%swap3A_196], %broadcast_in_dim3A_5 {strides = array<i32>} : memref<8192xf32, #tpu.memory_space<vmem>>, vector<16xf32>,
      %mul3A_198 = arith.constant 16 : i32
      %mul3A_199 = arith.muli %scan3A_154, %mul3A_198 : i32
      %add3A_200 = arith.constant 1536 : i32
      %add3A_201 = arith.addi %add3A_200, %mul3A_199 : i32
      %swap3A_202 = arith.index_cast %add3A_201 : i32 to index
      %swap3A_203 = tpu.vector_load %arg18[%swap3A_202] {strides = array<i32>} : memref<8192xf32, #tpu.memory_space<vmem>>, vector<16xf32>,
      tpu.vector_store %arg18[%swap3A_202], %broadcast_in_dim3A_5 {strides = array<i32>} : memref<8192xf32, #tpu.memory_space<vmem>>, vector<16xf32>,
      %mul3A_204 = arith.constant 16 : i32
      %mul3A_205 = arith.muli %scan3A_154, %mul3A_204 : i32
      %add3A_206 = arith.constant 2048 : i32
      %add3A_207 = arith.addi %add3A_206, %mul3A_205 : i32
      %swap3A_208 = arith.index_cast %add3A_207 : i32 to index
      %swap3A_209 = tpu.vector_load %arg17[%swap3A_208] {strides = array<i32>} : memref<8192xf32, #tpu.memory_space<vmem>>, vector<16xf32>,
      tpu.vector_store %arg17[%swap3A_208], %broadcast_in_dim3A_5 {strides = array<i32>} : memref<8192xf32, #tpu.memory_space<vmem>>, vector<16xf32>,
      %mul3A_210 = arith.constant 16 : i32
      %mul3A_211 = arith.muli %scan3A_154, %mul3A_210 : i32
      %add3A_212 = arith.constant 2048 : i32
      %add3A_213 = arith.addi %add3A_212, %mul3A_211 : i32
      %swap3A_214 = arith.index_cast %add3A_213 : i32 to index
      %swap3A_215 = tpu.vector_load %arg18[%swap3A_214] {strides = array<i32>} : memref<8192xf32, #tpu.memory_space<vmem>>, vector<16xf32>,
      tpu.vector_store %arg18[%swap3A_214], %broadcast_in_dim3A_5 {strides = array<i32>} : memref<8192xf32, #tpu.memory_space<vmem>>, vector<16xf32>,
      %mul3A_216 = arith.constant 16 : i32
      %mul3A_217 = arith.muli %scan3A_154, %mul3A_216 : i32
      %add3A_218 = arith.constant 2560 : i32
      %add3A_219 = arith.addi %add3A_218, %mul3A_217 : i32
      %swap3A_220 = arith.index_cast %add3A_219 : i32 to index
      %swap3A_221 = tpu.vector_load %arg17[%swap3A_220] {strides = array<i32>} : memref<8192xf32, #tpu.memory_space<vmem>>, vector<16xf32>,
      tpu.vector_store %arg17[%swap3A_220], %broadcast_in_dim3A_5 {strides = array<i32>} : memref<8192xf32, #tpu.memory_space<vmem>>, vector<16xf32>,
      %mul3A_222 = arith.constant 16 : i32
      %mul3A_223 = arith.muli %scan3A_154, %mul3A_222 : i32
      %add3A_224 = arith.constant 2560 : i32
      %add3A_225 = arith.addi %add3A_224, %mul3A_223 : i32
      %swap3A_226 = arith.index_cast %add3A_225 : i32 to index
      %swap3A_227 = tpu.vector_load %arg18[%swap3A_226] {strides = array<i32>} : memref<8192xf32, #tpu.memory_space<vmem>>, vector<16xf32>,
      tpu.vector_store %arg18[%swap3A_226], %broadcast_in_dim3A_5 {strides = array<i32>} : memref<8192xf32, #tpu.memory_space<vmem>>, vector<16xf32>,
      %mul3A_228 = arith.constant 16 : i32
      %mul3A_229 = arith.muli %scan3A_154, %mul3A_228 : i32
      %add3A_230 = arith.constant 3072 : i32
      %add3A_231 = arith.addi %add3A_230, %mul3A_229 : i32
      %swap3A_232 = arith.index_cast %add3A_231 : i32 to index
      %swap3A_233 = tpu.vector_load %arg17[%swap3A_232] {strides = array<i32>} : memref<8192xf32, #tpu.memory_space<vmem>>, vector<16xf32>,
      tpu.vector_store %arg17[%swap3A_232], %broadcast_in_dim3A_5 {strides = array<i32>} : memref<8192xf32, #tpu.memory_space<vmem>>, vector<16xf32>,
      %mul3A_234 = arith.constant 16 : i32
      %mul3A_235 = arith.muli %scan3A_154, %mul3A_234 : i32
      %add3A_236 = arith.constant 3072 : i32
      %add3A_237 = arith.addi %add3A_236, %mul3A_235 : i32
      %swap3A_238 = arith.index_cast %add3A_237 : i32 to index
      %swap3A_239 = tpu.vector_load %arg18[%swap3A_238] {strides = array<i32>} : memref<8192xf32, #tpu.memory_space<vmem>>, vector<16xf32>,
      tpu.vector_store %arg18[%swap3A_238], %broadcast_in_dim3A_5 {strides = array<i32>} : memref<8192xf32, #tpu.memory_space<vmem>>, vector<16xf32>,
      %mul3A_240 = arith.constant 16 : i32
      %mul3A_241 = arith.muli %scan3A_154, %mul3A_240 : i32
      %add3A_242 = arith.constant 3584 : i32
      %add3A_243 = arith.addi %add3A_242, %mul3A_241 : i32
      %swap3A_244 = arith.index_cast %add3A_243 : i32 to index
      %swap3A_245 = tpu.vector_load %arg17[%swap3A_244] {strides = array<i32>} : memref<8192xf32, #tpu.memory_space<vmem>>, vector<16xf32>,
      tpu.vector_store %arg17[%swap3A_244], %broadcast_in_dim3A_5 {strides = array<i32>} : memref<8192xf32, #tpu.memory_space<vmem>>, vector<16xf32>,
      %mul3A_246 = arith.constant 16 : i32
      %mul3A_247 = arith.muli %scan3A_154, %mul3A_246 : i32
      %add3A_248 = arith.constant 3584 : i32
      %add3A_249 = arith.addi %add3A_248, %mul3A_247 : i32
      %swap3A_250 = arith.index_cast %add3A_249 : i32 to index
      %swap3A_251 = tpu.vector_load %arg18[%swap3A_250] {strides = array<i32>} : memref<8192xf32, #tpu.memory_space<vmem>>, vector<16xf32>,
      tpu.vector_store %arg18[%swap3A_250], %broadcast_in_dim3A_5 {strides = array<i32>} : memref<8192xf32, #tpu.memory_space<vmem>>, vector<16xf32>,
      %mul3A_252 = arith.constant 16 : i32
      %mul3A_253 = arith.muli %scan3A_154, %mul3A_252 : i32
      %add3A_254 = arith.constant 4096 : i32
      %add3A_255 = arith.addi %add3A_254, %mul3A_253 : i32
      %swap3A_256 = arith.index_cast %add3A_255 : i32 to index
      %swap3A_257 = tpu.vector_load %arg17[%swap3A_256] {strides = array<i32>} : memref<8192xf32, #tpu.memory_space<vmem>>, vector<16xf32>,
      tpu.vector_store %arg17[%swap3A_256], %broadcast_in_dim3A_5 {strides = array<i32>} : memref<8192xf32, #tpu.memory_space<vmem>>, vector<16xf32>,
      %mul3A_258 = arith.constant 16 : i32
      %mul3A_259 = arith.muli %scan3A_154, %mul3A_258 : i32
      %add3A_260 = arith.constant 4096 : i32
      %add3A_261 = arith.addi %add3A_260, %mul3A_259 : i32
      %swap3A_262 = arith.index_cast %add3A_261 : i32 to index
      %swap3A_263 = tpu.vector_load %arg18[%swap3A_262] {strides = array<i32>} : memref<8192xf32, #tpu.memory_space<vmem>>, vector<16xf32>,
      tpu.vector_store %arg18[%swap3A_262], %broadcast_in_dim3A_5 {strides = array<i32>} : memref<8192xf32, #tpu.memory_space<vmem>>, vector<16xf32>,
      %mul3A_264 = arith.constant 16 : i32
      %mul3A_265 = arith.muli %scan3A_154, %mul3A_264 : i32
      %add3A_266 = arith.constant 4608 : i32
      %add3A_267 = arith.addi %add3A_266, %mul3A_265 : i32
      %swap3A_268 = arith.index_cast %add3A_267 : i32 to index
      %swap3A_269 = tpu.vector_load %arg17[%swap3A_268] {strides = array<i32>} : memref<8192xf32, #tpu.memory_space<vmem>>, vector<16xf32>,
      tpu.vector_store %arg17[%swap3A_268], %broadcast_in_dim3A_5 {strides = array<i32>} : memref<8192xf32, #tpu.memory_space<vmem>>, vector<16xf32>,
      %mul3A_270 = arith.constant 16 : i32
      %mul3A_271 = arith.muli %scan3A_154, %mul3A_270 : i32
      %add3A_272 = arith.constant 4608 : i32
      %add3A_273 = arith.addi %add3A_272, %mul3A_271 : i32
      %swap3A_274 = arith.index_cast %add3A_273 : i32 to index
      %swap3A_275 = tpu.vector_load %arg18[%swap3A_274] {strides = array<i32>} : memref<8192xf32, #tpu.memory_space<vmem>>, vector<16xf32>,
      tpu.vector_store %arg18[%swap3A_274], %broadcast_in_dim3A_5 {strides = array<i32>} : memref<8192xf32, #tpu.memory_space<vmem>>, vector<16xf32>,
      %mul3A_276 = arith.constant 16 : i32
      %mul3A_277 = arith.muli %scan3A_154, %mul3A_276 : i32
      %add3A_278 = arith.constant 5120 : i32
      %add3A_279 = arith.addi %add3A_278, %mul3A_277 : i32
      %swap3A_280 = arith.index_cast %add3A_279 : i32 to index
      %swap3A_281 = tpu.vector_load %arg17[%swap3A_280] {strides = array<i32>} : memref<8192xf32, #tpu.memory_space<vmem>>, vector<16xf32>,
      tpu.vector_store %arg17[%swap3A_280], %broadcast_in_dim3A_5 {strides = array<i32>} : memref<8192xf32, #tpu.memory_space<vmem>>, vector<16xf32>,
      %mul3A_282 = arith.constant 16 : i32
      %mul3A_283 = arith.muli %scan3A_154, %mul3A_282 : i32
      %add3A_284 = arith.constant 5120 : i32
      %add3A_285 = arith.addi %add3A_284, %mul3A_283 : i32
      %swap3A_286 = arith.index_cast %add3A_285 : i32 to index
      %swap3A_287 = tpu.vector_load %arg18[%swap3A_286] {strides = array<i32>} : memref<8192xf32, #tpu.memory_space<vmem>>, vector<16xf32>,
      tpu.vector_store %arg18[%swap3A_286], %broadcast_in_dim3A_5 {strides = array<i32>} : memref<8192xf32, #tpu.memory_space<vmem>>, vector<16xf32>,
      %mul3A_288 = arith.constant 16 : i32
      %mul3A_289 = arith.muli %scan3A_154, %mul3A_288 : i32
      %add3A_290 = arith.constant 5632 : i32
      %add3A_291 = arith.addi %add3A_290, %mul3A_289 : i32
      %swap3A_292 = arith.index_cast %add3A_291 : i32 to index
      %swap3A_293 = tpu.vector_load %arg17[%swap3A_292] {strides = array<i32>} : memref<8192xf32, #tpu.memory_space<vmem>>, vector<16xf32>,
      tpu.vector_store %arg17[%swap3A_292], %broadcast_in_dim3A_5 {strides = array<i32>} : memref<8192xf32, #tpu.memory_space<vmem>>, vector<16xf32>,
      %mul3A_294 = arith.constant 16 : i32
      %mul3A_295 = arith.muli %scan3A_154, %mul3A_294 : i32
      %add3A_296 = arith.constant 5632 : i32
      %add3A_297 = arith.addi %add3A_296, %mul3A_295 : i32
      %swap3A_298 = arith.index_cast %add3A_297 : i32 to index
      %swap3A_299 = tpu.vector_load %arg18[%swap3A_298] {strides = array<i32>} : memref<8192xf32, #tpu.memory_space<vmem>>, vector<16xf32>,
      tpu.vector_store %arg18[%swap3A_298], %broadcast_in_dim3A_5 {strides = array<i32>} : memref<8192xf32, #tpu.memory_space<vmem>>, vector<16xf32>,
      %mul3A_300 = arith.constant 16 : i32
      %mul3A_301 = arith.muli %scan3A_154, %mul3A_300 : i32
      %add3A_302 = arith.constant 6144 : i32
      %add3A_303 = arith.addi %add3A_302, %mul3A_301 : i32
      %swap3A_304 = arith.index_cast %add3A_303 : i32 to index
      %swap3A_305 = tpu.vector_load %arg17[%swap3A_304] {strides = array<i32>} : memref<8192xf32, #tpu.memory_space<vmem>>, vector<16xf32>,
      tpu.vector_store %arg17[%swap3A_304], %broadcast_in_dim3A_5 {strides = array<i32>} : memref<8192xf32, #tpu.memory_space<vmem>>, vector<16xf32>,
      %mul3A_306 = arith.constant 16 : i32
      %mul3A_307 = arith.muli %scan3A_154, %mul3A_306 : i32
      %add3A_308 = arith.constant 6144 : i32
      %add3A_309 = arith.addi %add3A_308, %mul3A_307 : i32
      %swap3A_310 = arith.index_cast %add3A_309 : i32 to index
      %swap3A_311 = tpu.vector_load %arg18[%swap3A_310] {strides = array<i32>} : memref<8192xf32, #tpu.memory_space<vmem>>, vector<16xf32>,
      tpu.vector_store %arg18[%swap3A_310], %broadcast_in_dim3A_5 {strides = array<i32>} : memref<8192xf32, #tpu.memory_space<vmem>>, vector<16xf32>,
      %mul3A_312 = arith.constant 16 : i32
      %mul3A_313 = arith.muli %scan3A_154, %mul3A_312 : i32
      %add3A_314 = arith.constant 6656 : i32
      %add3A_315 = arith.addi %add3A_314, %mul3A_313 : i32
      %swap3A_316 = arith.index_cast %add3A_315 : i32 to index
      %swap3A_317 = tpu.vector_load %arg17[%swap3A_316] {strides = array<i32>} : memref<8192xf32, #tpu.memory_space<vmem>>, vector<16xf32>,
      tpu.vector_store %arg17[%swap3A_316], %broadcast_in_dim3A_5 {strides = array<i32>} : memref<8192xf32, #tpu.memory_space<vmem>>, vector<16xf32>,
      %mul3A_318 = arith.constant 16 : i32
      %mul3A_319 = arith.muli %scan3A_154, %mul3A_318 : i32
      %add3A_320 = arith.constant 6656 : i32
      %add3A_321 = arith.addi %add3A_320, %mul3A_319 : i32
      %swap3A_322 = arith.index_cast %add3A_321 : i32 to index
      %swap3A_323 = tpu.vector_load %arg18[%swap3A_322] {strides = array<i32>} : memref<8192xf32, #tpu.memory_space<vmem>>, vector<16xf32>,
      tpu.vector_store %arg18[%swap3A_322], %broadcast_in_dim3A_5 {strides = array<i32>} : memref<8192xf32, #tpu.memory_space<vmem>>, vector<16xf32>,
      %mul3A_324 = arith.constant 16 : i32
      %mul3A_325 = arith.muli %scan3A_154, %mul3A_324 : i32
      %add3A_326 = arith.constant 7168 : i32
      %add3A_327 = arith.addi %add3A_326, %mul3A_325 : i32
      %swap3A_328 = arith.index_cast %add3A_327 : i32 to index
      %swap3A_329 = tpu.vector_load %arg17[%swap3A_328] {strides = array<i32>} : memref<8192xf32, #tpu.memory_space<vmem>>, vector<16xf32>,
      tpu.vector_store %arg17[%swap3A_328], %broadcast_in_dim3A_5 {strides = array<i32>} : memref<8192xf32, #tpu.memory_space<vmem>>, vector<16xf32>,
      %mul3A_330 = arith.constant 16 : i32
      %mul3A_331 = arith.muli %scan3A_154, %mul3A_330 : i32
      %add3A_332 = arith.constant 7168 : i32
      %add3A_333 = arith.addi %add3A_332, %mul3A_331 : i32
      %swap3A_334 = arith.index_cast %add3A_333 : i32 to index
      %swap3A_335 = tpu.vector_load %arg18[%swap3A_334] {strides = array<i32>} : memref<8192xf32, #tpu.memory_space<vmem>>, vector<16xf32>,
      tpu.vector_store %arg18[%swap3A_334], %broadcast_in_dim3A_5 {strides = array<i32>} : memref<8192xf32, #tpu.memory_space<vmem>>, vector<16xf32>,
      %mul3A_336 = arith.constant 16 : i32
      %mul3A_337 = arith.muli %scan3A_154, %mul3A_336 : i32
      %add3A_338 = arith.constant 7680 : i32
      %add3A_339 = arith.addi %add3A_338, %mul3A_337 : i32
      %swap3A_340 = arith.index_cast %add3A_339 : i32 to index
      %swap3A_341 = tpu.vector_load %arg17[%swap3A_340] {strides = array<i32>} : memref<8192xf32, #tpu.memory_space<vmem>>, vector<16xf32>,
      tpu.vector_store %arg17[%swap3A_340], %broadcast_in_dim3A_5 {strides = array<i32>} : memref<8192xf32, #tpu.memory_space<vmem>>, vector<16xf32>,
      %mul3A_342 = arith.constant 16 : i32
      %mul3A_343 = arith.muli %scan3A_154, %mul3A_342 : i32
      %add3A_344 = arith.constant 7680 : i32
      %add3A_345 = arith.addi %add3A_344, %mul3A_343 : i32
      %swap3A_346 = arith.index_cast %add3A_345 : i32 to index
      %swap3A_347 = tpu.vector_load %arg18[%swap3A_346] {strides = array<i32>} : memref<8192xf32, #tpu.memory_space<vmem>>, vector<16xf32>,
      tpu.vector_store %arg18[%swap3A_346], %broadcast_in_dim3A_5 {strides = array<i32>} : memref<8192xf32, #tpu.memory_space<vmem>>, vector<16xf32>,
      %scan3A_348 = arith.constant 0 : i32
      scf.yield %scan3A_348 : i32
    }
    %scan3A_11 = arith.constant 32 : i32
    %add3A_12 = arith.constant 0 : i32
    %add3A_13 = arith.addi %mul3A_2, %add3A_12 : i32
    %dma_start3A = tpu.memref_slice %arg2[%add3A_13] : memref<4194304xf32, #tpu.memory_space<hbm>> -> memref<8192xf32, #tpu.memory_space<hbm>>
    %dma_start3A_14 = tpu.memref_slice %arg2[%add3A_13] : memref<4194304xf32, #tpu.memory_space<hbm>> -> memref<8192xf32, #tpu.memory_space<hbm>>
    tpu.enqueue_dma source(%dma_start3A_14 : memref<8192xf32, #tpu.memory_space<hbm>>) target(%arg9 : memref<8192xf32, #tpu.memory_space<vmem>>) target_semaphore(%arg22 : memref<!tpu.dma_semaphore, #tpu.memory_space<semaphore_mem>>)
    %dma_start3A_15 = tpu.memref_slice %arg3[%add3A_13] : memref<4194304xf32, #tpu.memory_space<hbm>> -> memref<8192xf32, #tpu.memory_space<hbm>>
    %dma_start3A_16 = tpu.memref_slice %arg3[%add3A_13] : memref<4194304xf32, #tpu.memory_space<hbm>> -> memref<8192xf32, #tpu.memory_space<hbm>>
    tpu.enqueue_dma source(%dma_start3A_16 : memref<8192xf32, #tpu.memory_space<hbm>>) target(%arg10 : memref<8192xf32, #tpu.memory_space<vmem>>) target_semaphore(%arg23 : memref<!tpu.dma_semaphore, #tpu.memory_space<semaphore_mem>>)
    %add3A_17 = arith.constant 8192 : i32
    %add3A_18 = arith.addi %mul3A_2, %add3A_17 : i32
    %dma_start3A_19 = tpu.memref_slice %arg2[%add3A_18] : memref<4194304xf32, #tpu.memory_space<hbm>> -> memref<8192xf32, #tpu.memory_space<hbm>>
    %dma_start3A_20 = tpu.memref_slice %arg2[%add3A_18] : memref<4194304xf32, #tpu.memory_space<hbm>> -> memref<8192xf32, #tpu.memory_space<hbm>>
    tpu.enqueue_dma source(%dma_start3A_20 : memref<8192xf32, #tpu.memory_space<hbm>>) target(%arg11 : memref<8192xf32, #tpu.memory_space<vmem>>) target_semaphore(%arg24 : memref<!tpu.dma_semaphore, #tpu.memory_space<semaphore_mem>>)
    %dma_start3A_21 = tpu.memref_slice %arg3[%add3A_18] : memref<4194304xf32, #tpu.memory_space<hbm>> -> memref<8192xf32, #tpu.memory_space<hbm>>
    %dma_start3A_22 = tpu.memref_slice %arg3[%add3A_18] : memref<4194304xf32, #tpu.memory_space<hbm>> -> memref<8192xf32, #tpu.memory_space<hbm>>
    tpu.enqueue_dma source(%dma_start3A_22 : memref<8192xf32, #tpu.memory_space<hbm>>) target(%arg12 : memref<8192xf32, #tpu.memory_space<vmem>>) target_semaphore(%arg25 : memref<!tpu.dma_semaphore, #tpu.memory_space<semaphore_mem>>)
    %add3A_23 = arith.constant 16384 : i32
    %add3A_24 = arith.addi %mul3A_2, %add3A_23 : i32
    %dma_start3A_25 = tpu.memref_slice %arg2[%add3A_24] : memref<4194304xf32, #tpu.memory_space<hbm>> -> memref<8192xf32, #tpu.memory_space<hbm>>
    %dma_start3A_26 = tpu.memref_slice %arg2[%add3A_24] : memref<4194304xf32, #tpu.memory_space<hbm>> -> memref<8192xf32, #tpu.memory_space<hbm>>
    tpu.enqueue_dma source(%dma_start3A_26 : memref<8192xf32, #tpu.memory_space<hbm>>) target(%arg13 : memref<8192xf32, #tpu.memory_space<vmem>>) target_semaphore(%arg26 : memref<!tpu.dma_semaphore, #tpu.memory_space<semaphore_mem>>)
    %dma_start3A_27 = tpu.memref_slice %arg3[%add3A_24] : memref<4194304xf32, #tpu.memory_space<hbm>> -> memref<8192xf32, #tpu.memory_space<hbm>>
    %dma_start3A_28 = tpu.memref_slice %arg3[%add3A_24] : memref<4194304xf32, #tpu.memory_space<hbm>> -> memref<8192xf32, #tpu.memory_space<hbm>>
    tpu.enqueue_dma source(%dma_start3A_28 : memref<8192xf32, #tpu.memory_space<hbm>>) target(%arg14 : memref<8192xf32, #tpu.memory_space<vmem>>) target_semaphore(%arg27 : memref<!tpu.dma_semaphore, #tpu.memory_space<semaphore_mem>>)
    %scan3A_29 = arith.constant 0 : i32
    %scan3A_30 = arith.constant 4 : i32
    %scan3A_31 = arith.addi %scan3A_29, %scan3A_30 : i32
    %scan3A_32 = arith.constant 1 : i32
    %scan3A_33:3 = scf.for %scan3A_154 = %scan3A_29 to %scan3A_31 step %scan3A_32 iter_args(%scan3A_155 = %broadcast_in_dim3A_5, %scan3A_156 = %broadcast_in_dim3A_5, %scan3A_157 = %broadcast_in_dim3A_5) -> (vector<16xf32>, vector<16xf32>, vector<16xf32>)  : i32 {
      %mul3A_158 = arith.constant 4 : i32
      %mul3A_159 = arith.muli %scan3A_154, %mul3A_158 : i32
      %add3A_160 = arith.constant 0 : i32
      %add3A_161 = arith.addi %mul3A_159, %add3A_160 : i32
      %mul3A_162 = arith.constant 8192 : i32
      %mul3A_163 = arith.muli %add3A_161, %mul3A_162 : i32
      %add3A_164 = arith.addi %mul3A_2, %mul3A_163 : i32
      %dma_wait3A = tpu.memref_slice %arg2[%add3A_164] : memref<4194304xf32, #tpu.memory_space<hbm>> -> memref<8192xf32, #tpu.memory_space<hbm>>
      %dma_wait3A_165 = tpu.memref_slice %arg2[%add3A_164] : memref<4194304xf32, #tpu.memory_space<hbm>> -> memref<8192xf32, #tpu.memory_space<hbm>>
      tpu.wait_dma2 semaphore(%arg22 : memref<!tpu.dma_semaphore, #tpu.memory_space<semaphore_mem>>) src(%dma_wait3A_165 : memref<8192xf32, #tpu.memory_space<hbm>>) dst(%arg9 : memref<8192xf32, #tpu.memory_space<vmem>>)
      %dma_wait3A_166 = tpu.memref_slice %arg3[%add3A_164] : memref<4194304xf32, #tpu.memory_space<hbm>> -> memref<8192xf32, #tpu.memory_space<hbm>>
      %dma_wait3A_167 = tpu.memref_slice %arg3[%add3A_164] : memref<4194304xf32, #tpu.memory_space<hbm>> -> memref<8192xf32, #tpu.memory_space<hbm>>
      tpu.wait_dma2 semaphore(%arg23 : memref<!tpu.dma_semaphore, #tpu.memory_space<semaphore_mem>>) src(%dma_wait3A_167 : memref<8192xf32, #tpu.memory_space<hbm>>) dst(%arg10 : memref<8192xf32, #tpu.memory_space<vmem>>)
      %add3A_168 = arith.constant 4 : i32
      %add3A_169 = arith.addi %add3A_161, %add3A_168 : i32
      %sub3A_170 = arith.constant 1 : i32
      %sub3A_171 = arith.subi %add3A_169, %sub3A_170 : i32
      %lt3A = arith.constant 16 : i32
      %lt3A_172 = arith.cmpi slt, %sub3A_171, %lt3A : i32
      %convert_element_type3A = arith.extui %lt3A_172 : i1 to i32
      %cond3A = arith.constant 0 : i32
      %cond3A_173 = arith.cmpi ne, %convert_element_type3A, %cond3A : i32
      scf.if %cond3A_173 {
        %add3A_258 = arith.constant 4 : i32
        %add3A_259 = arith.addi %add3A_161, %add3A_258 : i32
        %sub3A_260 = arith.constant 1 : i32
        %sub3A_261 = arith.subi %add3A_259, %sub3A_260 : i32
        %mul3A_262 = arith.constant 8192 : i32
        %mul3A_263 = arith.muli %sub3A_261, %mul3A_262 : i32
        %add3A_264 = arith.addi %mul3A_2, %mul3A_263 : i32
        %dma_start3A_265 = tpu.memref_slice %arg2[%add3A_264] : memref<4194304xf32, #tpu.memory_space<hbm>> -> memref<8192xf32, #tpu.memory_space<hbm>>
        %dma_start3A_266 = tpu.memref_slice %arg2[%add3A_264] : memref<4194304xf32, #tpu.memory_space<hbm>> -> memref<8192xf32, #tpu.memory_space<hbm>>
        tpu.enqueue_dma source(%dma_start3A_266 : memref<8192xf32, #tpu.memory_space<hbm>>) target(%arg15 : memref<8192xf32, #tpu.memory_space<vmem>>) target_semaphore(%arg28 : memref<!tpu.dma_semaphore, #tpu.memory_space<semaphore_mem>>)
        %dma_start3A_267 = tpu.memref_slice %arg3[%add3A_264] : memref<4194304xf32, #tpu.memory_space<hbm>> -> memref<8192xf32, #tpu.memory_space<hbm>>
        %dma_start3A_268 = tpu.memref_slice %arg3[%add3A_264] : memref<4194304xf32, #tpu.memory_space<hbm>> -> memref<8192xf32, #tpu.memory_space<hbm>>
        tpu.enqueue_dma source(%dma_start3A_268 : memref<8192xf32, #tpu.memory_space<hbm>>) target(%arg16 : memref<8192xf32, #tpu.memory_space<vmem>>) target_semaphore(%arg29 : memref<!tpu.dma_semaphore, #tpu.memory_space<semaphore_mem>>)
      } else {
      }
      %scan3A_174 = arith.constant 0 : i32
      %scan3A_175 = arith.constant 64 : i32
      %scan3A_176 = arith.addi %scan3A_174, %scan3A_175 : i32
      %scan3A_177 = arith.constant 1 : i32
      %scan3A_178:3 = scf.for %scan3A_258 = %scan3A_174 to %scan3A_176 step %scan3A_177 iter_args(%scan3A_259 = %scan3A_155, %scan3A_260 = %scan3A_156, %scan3A_261 = %scan3A_157) -> (vector<16xf32>, vector<16xf32>, vector<16xf32>)  : i32 {
        %mul3A_262 = arith.constant 8 : i32
        %mul3A_263 = arith.muli %scan3A_258, %mul3A_262 : i32
        %add3A_264 = arith.addf %broadcast_in_dim3A_3, %broadcast_in_dim3A_3 : vector<16xf32>
        %add3A_265 = arith.addf %broadcast_in_dim3A_3, %broadcast_in_dim3A_3 : vector<16xf32>
        %add3A_266 = arith.addf %broadcast_in_dim3A_3, %broadcast_in_dim3A_3 : vector<16xf32>
        %add3A_267 = arith.addf %broadcast_in_dim3A_3, %broadcast_in_dim3A_3 : vector<16xf32>
        %add3A_268 = arith.addf %add3A_264, %add3A_265 : vector<16xf32>
        %add3A_269 = arith.addf %add3A_266, %add3A_267 : vector<16xf32>
        %add3A_270 = arith.addf %add3A_268, %add3A_269 : vector<16xf32>
        %add3A_271 = arith.addf %scan3A_259, %add3A_270 : vector<16xf32>
        %add3A_272 = arith.addf %broadcast_in_dim3A_3, %broadcast_in_dim3A_3 : vector<16xf32>
        %add3A_273 = arith.addf %broadcast_in_dim3A_3, %broadcast_in_dim3A_3 : vector<16xf32>
        %add3A_274 = arith.addf %broadcast_in_dim3A_3, %broadcast_in_dim3A_3 : vector<16xf32>
        %add3A_275 = arith.addf %broadcast_in_dim3A_3, %broadcast_in_dim3A_3 : vector<16xf32>
        %add3A_276 = arith.addf %add3A_272, %add3A_273 : vector<16xf32>
        %add3A_277 = arith.addf %add3A_274, %add3A_275 : vector<16xf32>
        %add3A_278 = arith.addf %add3A_276, %add3A_277 : vector<16xf32>
        %add3A_279 = arith.addf %scan3A_260, %add3A_278 : vector<16xf32>
        %add3A_280 = arith.addf %broadcast_in_dim3A_3, %broadcast_in_dim3A_3 : vector<16xf32>
        %add3A_281 = arith.addf %broadcast_in_dim3A_3, %broadcast_in_dim3A_3 : vector<16xf32>
        %add3A_282 = arith.addf %broadcast_in_dim3A_3, %broadcast_in_dim3A_3 : vector<16xf32>
        %add3A_283 = arith.addf %broadcast_in_dim3A_3, %broadcast_in_dim3A_3 : vector<16xf32>
        %add3A_284 = arith.addf %add3A_280, %add3A_281 : vector<16xf32>
        %add3A_285 = arith.addf %add3A_282, %add3A_283 : vector<16xf32>
        %add3A_286 = arith.addf %add3A_284, %add3A_285 : vector<16xf32>
        %add3A_287 = arith.addf %scan3A_261, %add3A_286 : vector<16xf32>
        scf.yield %add3A_271, %add3A_279, %add3A_287 : vector<16xf32>, vector<16xf32>, vector<16xf32>
      }
      %scan3A_179 = arith.constant 64 : i32
      %mul3A_180 = arith.constant 4 : i32
      %mul3A_181 = arith.muli %scan3A_154, %mul3A_180 : i32
      %add3A_182 = arith.constant 1 : i32
      %add3A_183 = arith.addi %mul3A_181, %add3A_182 : i32
      %mul3A_184 = arith.constant 8192 : i32
      %mul3A_185 = arith.muli %add3A_183, %mul3A_184 : i32
      %add3A_186 = arith.addi %mul3A_2, %mul3A_185 : i32
      %dma_wait3A_187 = tpu.memref_slice %arg2[%add3A_186] : memref<4194304xf32, #tpu.memory_space<hbm>> -> memref<8192xf32, #tpu.memory_space<hbm>>
      %dma_wait3A_188 = tpu.memref_slice %arg2[%add3A_186] : memref<4194304xf32, #tpu.memory_space<hbm>> -> memref<8192xf32, #tpu.memory_space<hbm>>
      tpu.wait_dma2 semaphore(%arg24 : memref<!tpu.dma_semaphore, #tpu.memory_space<semaphore_mem>>) src(%dma_wait3A_188 : memref<8192xf32, #tpu.memory_space<hbm>>) dst(%arg11 : memref<8192xf32, #tpu.memory_space<vmem>>)
      %dma_wait3A_189 = tpu.memref_slice %arg3[%add3A_186] : memref<4194304xf32, #tpu.memory_space<hbm>> -> memref<8192xf32, #tpu.memory_space<hbm>>
      %dma_wait3A_190 = tpu.memref_slice %arg3[%add3A_186] : memref<4194304xf32, #tpu.memory_space<hbm>> -> memref<8192xf32, #tpu.memory_space<hbm>>
      tpu.wait_dma2 semaphore(%arg25 : memref<!tpu.dma_semaphore, #tpu.memory_space<semaphore_mem>>) src(%dma_wait3A_190 : memref<8192xf32, #tpu.memory_space<hbm>>) dst(%arg12 : memref<8192xf32, #tpu.memory_space<vmem>>)
      %add3A_191 = arith.constant 4 : i32
      %add3A_192 = arith.addi %add3A_183, %add3A_191 : i32
      %sub3A_193 = arith.constant 1 : i32
      %sub3A_194 = arith.subi %add3A_192, %sub3A_193 : i32
      %lt3A_195 = arith.constant 16 : i32
      %lt3A_196 = arith.cmpi slt, %sub3A_194, %lt3A_195 : i32
      %convert_element_type3A_197 = arith.extui %lt3A_196 : i1 to i32
      %cond3A_198 = arith.constant 0 : i32
      %cond3A_199 = arith.cmpi ne, %convert_element_type3A_197, %cond3A_198 : i32
      scf.if %cond3A_199 {
        %add3A_258 = arith.constant 4 : i32
        %add3A_259 = arith.addi %add3A_183, %add3A_258 : i32
        %sub3A_260 = arith.constant 1 : i32
        %sub3A_261 = arith.subi %add3A_259, %sub3A_260 : i32
        %mul3A_262 = arith.constant 8192 : i32
        %mul3A_263 = arith.muli %sub3A_261, %mul3A_262 : i32
        %add3A_264 = arith.addi %mul3A_2, %mul3A_263 : i32
        %dma_start3A_265 = tpu.memref_slice %arg2[%add3A_264] : memref<4194304xf32, #tpu.memory_space<hbm>> -> memref<8192xf32, #tpu.memory_space<hbm>>
        %dma_start3A_266 = tpu.memref_slice %arg2[%add3A_264] : memref<4194304xf32, #tpu.memory_space<hbm>> -> memref<8192xf32, #tpu.memory_space<hbm>>
        tpu.enqueue_dma source(%dma_start3A_266 : memref<8192xf32, #tpu.memory_space<hbm>>) target(%arg9 : memref<8192xf32, #tpu.memory_space<vmem>>) target_semaphore(%arg22 : memref<!tpu.dma_semaphore, #tpu.memory_space<semaphore_mem>>)
        %dma_start3A_267 = tpu.memref_slice %arg3[%add3A_264] : memref<4194304xf32, #tpu.memory_space<hbm>> -> memref<8192xf32, #tpu.memory_space<hbm>>
        %dma_start3A_268 = tpu.memref_slice %arg3[%add3A_264] : memref<4194304xf32, #tpu.memory_space<hbm>> -> memref<8192xf32, #tpu.memory_space<hbm>>
        tpu.enqueue_dma source(%dma_start3A_268 : memref<8192xf32, #tpu.memory_space<hbm>>) target(%arg10 : memref<8192xf32, #tpu.memory_space<vmem>>) target_semaphore(%arg23 : memref<!tpu.dma_semaphore, #tpu.memory_space<semaphore_mem>>)
      } else {
      }
      %scan3A_200 = arith.constant 0 : i32
      %scan3A_201 = arith.constant 64 : i32
      %scan3A_202 = arith.addi %scan3A_200, %scan3A_201 : i32
      %scan3A_203 = arith.constant 1 : i32
      %scan3A_204:3 = scf.for %scan3A_258 = %scan3A_200 to %scan3A_202 step %scan3A_203 iter_args(%scan3A_259 = %scan3A_178#0, %scan3A_260 = %scan3A_178#1, %scan3A_261 = %scan3A_178#2) -> (vector<16xf32>, vector<16xf32>, vector<16xf32>)  : i32 {
        %mul3A_262 = arith.constant 8 : i32
        %mul3A_263 = arith.muli %scan3A_258, %mul3A_262 : i32
        %add3A_264 = arith.addf %broadcast_in_dim3A_3, %broadcast_in_dim3A_3 : vector<16xf32>
        %add3A_265 = arith.addf %broadcast_in_dim3A_3, %broadcast_in_dim3A_3 : vector<16xf32>
        %add3A_266 = arith.addf %broadcast_in_dim3A_3, %broadcast_in_dim3A_3 : vector<16xf32>
        %add3A_267 = arith.addf %broadcast_in_dim3A_3, %broadcast_in_dim3A_3 : vector<16xf32>
        %add3A_268 = arith.addf %add3A_264, %add3A_265 : vector<16xf32>
        %add3A_269 = arith.addf %add3A_266, %add3A_267 : vector<16xf32>
        %add3A_270 = arith.addf %add3A_268, %add3A_269 : vector<16xf32>
        %add3A_271 = arith.addf %scan3A_259, %add3A_270 : vector<16xf32>
        %add3A_272 = arith.addf %broadcast_in_dim3A_3, %broadcast_in_dim3A_3 : vector<16xf32>
        %add3A_273 = arith.addf %broadcast_in_dim3A_3, %broadcast_in_dim3A_3 : vector<16xf32>
        %add3A_274 = arith.addf %broadcast_in_dim3A_3, %broadcast_in_dim3A_3 : vector<16xf32>
        %add3A_275 = arith.addf %broadcast_in_dim3A_3, %broadcast_in_dim3A_3 : vector<16xf32>
        %add3A_276 = arith.addf %add3A_272, %add3A_273 : vector<16xf32>
        %add3A_277 = arith.addf %add3A_274, %add3A_275 : vector<16xf32>
        %add3A_278 = arith.addf %add3A_276, %add3A_277 : vector<16xf32>
        %add3A_279 = arith.addf %scan3A_260, %add3A_278 : vector<16xf32>
        %add3A_280 = arith.addf %broadcast_in_dim3A_3, %broadcast_in_dim3A_3 : vector<16xf32>
        %add3A_281 = arith.addf %broadcast_in_dim3A_3, %broadcast_in_dim3A_3 : vector<16xf32>
        %add3A_282 = arith.addf %broadcast_in_dim3A_3, %broadcast_in_dim3A_3 : vector<16xf32>
        %add3A_283 = arith.addf %broadcast_in_dim3A_3, %broadcast_in_dim3A_3 : vector<16xf32>
        %add3A_284 = arith.addf %add3A_280, %add3A_281 : vector<16xf32>
        %add3A_285 = arith.addf %add3A_282, %add3A_283 : vector<16xf32>
        %add3A_286 = arith.addf %add3A_284, %add3A_285 : vector<16xf32>
        %add3A_287 = arith.addf %scan3A_261, %add3A_286 : vector<16xf32>
        scf.yield %add3A_271, %add3A_279, %add3A_287 : vector<16xf32>, vector<16xf32>, vector<16xf32>
      }
      %scan3A_205 = arith.constant 64 : i32
      %mul3A_206 = arith.constant 4 : i32
      %mul3A_207 = arith.muli %scan3A_154, %mul3A_206 : i32
      %add3A_208 = arith.constant 2 : i32
      %add3A_209 = arith.addi %mul3A_207, %add3A_208 : i32
      %mul3A_210 = arith.constant 8192 : i32
      %mul3A_211 = arith.muli %add3A_209, %mul3A_210 : i32
      %add3A_212 = arith.addi %mul3A_2, %mul3A_211 : i32
      %dma_wait3A_213 = tpu.memref_slice %arg2[%add3A_212] : memref<4194304xf32, #tpu.memory_space<hbm>> -> memref<8192xf32, #tpu.memory_space<hbm>>
      %dma_wait3A_214 = tpu.memref_slice %arg2[%add3A_212] : memref<4194304xf32, #tpu.memory_space<hbm>> -> memref<8192xf32, #tpu.memory_space<hbm>>
      tpu.wait_dma2 semaphore(%arg26 : memref<!tpu.dma_semaphore, #tpu.memory_space<semaphore_mem>>) src(%dma_wait3A_214 : memref<8192xf32, #tpu.memory_space<hbm>>) dst(%arg13 : memref<8192xf32, #tpu.memory_space<vmem>>)
      %dma_wait3A_215 = tpu.memref_slice %arg3[%add3A_212] : memref<4194304xf32, #tpu.memory_space<hbm>> -> memref<8192xf32, #tpu.memory_space<hbm>>
      %dma_wait3A_216 = tpu.memref_slice %arg3[%add3A_212] : memref<4194304xf32, #tpu.memory_space<hbm>> -> memref<8192xf32, #tpu.memory_space<hbm>>
      tpu.wait_dma2 semaphore(%arg27 : memref<!tpu.dma_semaphore, #tpu.memory_space<semaphore_mem>>) src(%dma_wait3A_216 : memref<8192xf32, #tpu.memory_space<hbm>>) dst(%arg14 : memref<8192xf32, #tpu.memory_space<vmem>>)
      %add3A_217 = arith.constant 4 : i32
      %add3A_218 = arith.addi %add3A_209, %add3A_217 : i32
      %sub3A_219 = arith.constant 1 : i32
      %sub3A_220 = arith.subi %add3A_218, %sub3A_219 : i32
      %lt3A_221 = arith.constant 16 : i32
      %lt3A_222 = arith.cmpi slt, %sub3A_220, %lt3A_221 : i32
      %convert_element_type3A_223 = arith.extui %lt3A_222 : i1 to i32
      %cond3A_224 = arith.constant 0 : i32
      %cond3A_225 = arith.cmpi ne, %convert_element_type3A_223, %cond3A_224 : i32
      scf.if %cond3A_225 {
        %add3A_258 = arith.constant 4 : i32
        %add3A_259 = arith.addi %add3A_209, %add3A_258 : i32
        %sub3A_260 = arith.constant 1 : i32
        %sub3A_261 = arith.subi %add3A_259, %sub3A_260 : i32
        %mul3A_262 = arith.constant 8192 : i32
        %mul3A_263 = arith.muli %sub3A_261, %mul3A_262 : i32
        %add3A_264 = arith.addi %mul3A_2, %mul3A_263 : i32
        %dma_start3A_265 = tpu.memref_slice %arg2[%add3A_264] : memref<4194304xf32, #tpu.memory_space<hbm>> -> memref<8192xf32, #tpu.memory_space<hbm>>
        %dma_start3A_266 = tpu.memref_slice %arg2[%add3A_264] : memref<4194304xf32, #tpu.memory_space<hbm>> -> memref<8192xf32, #tpu.memory_space<hbm>>
        tpu.enqueue_dma source(%dma_start3A_266 : memref<8192xf32, #tpu.memory_space<hbm>>) target(%arg11 : memref<8192xf32, #tpu.memory_space<vmem>>) target_semaphore(%arg24 : memref<!tpu.dma_semaphore, #tpu.memory_space<semaphore_mem>>)
        %dma_start3A_267 = tpu.memref_slice %arg3[%add3A_264] : memref<4194304xf32, #tpu.memory_space<hbm>> -> memref<8192xf32, #tpu.memory_space<hbm>>
        %dma_start3A_268 = tpu.memref_slice %arg3[%add3A_264] : memref<4194304xf32, #tpu.memory_space<hbm>> -> memref<8192xf32, #tpu.memory_space<hbm>>
        tpu.enqueue_dma source(%dma_start3A_268 : memref<8192xf32, #tpu.memory_space<hbm>>) target(%arg12 : memref<8192xf32, #tpu.memory_space<vmem>>) target_semaphore(%arg25 : memref<!tpu.dma_semaphore, #tpu.memory_space<semaphore_mem>>)
      } else {
      }
      %scan3A_226 = arith.constant 0 : i32
      %scan3A_227 = arith.constant 64 : i32
      %scan3A_228 = arith.addi %scan3A_226, %scan3A_227 : i32
      %scan3A_229 = arith.constant 1 : i32
      %scan3A_230:3 = scf.for %scan3A_258 = %scan3A_226 to %scan3A_228 step %scan3A_229 iter_args(%scan3A_259 = %scan3A_204#0, %scan3A_260 = %scan3A_204#1, %scan3A_261 = %scan3A_204#2) -> (vector<16xf32>, vector<16xf32>, vector<16xf32>)  : i32 {
        %mul3A_262 = arith.constant 8 : i32
        %mul3A_263 = arith.muli %scan3A_258, %mul3A_262 : i32
        %add3A_264 = arith.addf %broadcast_in_dim3A_3, %broadcast_in_dim3A_3 : vector<16xf32>
        %add3A_265 = arith.addf %broadcast_in_dim3A_3, %broadcast_in_dim3A_3 : vector<16xf32>
        %add3A_266 = arith.addf %broadcast_in_dim3A_3, %broadcast_in_dim3A_3 : vector<16xf32>
        %add3A_267 = arith.addf %broadcast_in_dim3A_3, %broadcast_in_dim3A_3 : vector<16xf32>
        %add3A_268 = arith.addf %add3A_264, %add3A_265 : vector<16xf32>
        %add3A_269 = arith.addf %add3A_266, %add3A_267 : vector<16xf32>
        %add3A_270 = arith.addf %add3A_268, %add3A_269 : vector<16xf32>
        %add3A_271 = arith.addf %scan3A_259, %add3A_270 : vector<16xf32>
        %add3A_272 = arith.addf %broadcast_in_dim3A_3, %broadcast_in_dim3A_3 : vector<16xf32>
        %add3A_273 = arith.addf %broadcast_in_dim3A_3, %broadcast_in_dim3A_3 : vector<16xf32>
        %add3A_274 = arith.addf %broadcast_in_dim3A_3, %broadcast_in_dim3A_3 : vector<16xf32>
        %add3A_275 = arith.addf %broadcast_in_dim3A_3, %broadcast_in_dim3A_3 : vector<16xf32>
        %add3A_276 = arith.addf %add3A_272, %add3A_273 : vector<16xf32>
        %add3A_277 = arith.addf %add3A_274, %add3A_275 : vector<16xf32>
        %add3A_278 = arith.addf %add3A_276, %add3A_277 : vector<16xf32>
        %add3A_279 = arith.addf %scan3A_260, %add3A_278 : vector<16xf32>
        %add3A_280 = arith.addf %broadcast_in_dim3A_3, %broadcast_in_dim3A_3 : vector<16xf32>
        %add3A_281 = arith.addf %broadcast_in_dim3A_3, %broadcast_in_dim3A_3 : vector<16xf32>
        %add3A_282 = arith.addf %broadcast_in_dim3A_3, %broadcast_in_dim3A_3 : vector<16xf32>
        %add3A_283 = arith.addf %broadcast_in_dim3A_3, %broadcast_in_dim3A_3 : vector<16xf32>
        %add3A_284 = arith.addf %add3A_280, %add3A_281 : vector<16xf32>
        %add3A_285 = arith.addf %add3A_282, %add3A_283 : vector<16xf32>
        %add3A_286 = arith.addf %add3A_284, %add3A_285 : vector<16xf32>
        %add3A_287 = arith.addf %scan3A_261, %add3A_286 : vector<16xf32>
        scf.yield %add3A_271, %add3A_279, %add3A_287 : vector<16xf32>, vector<16xf32>, vector<16xf32>
      }
      %scan3A_231 = arith.constant 64 : i32
      %mul3A_232 = arith.constant 4 : i32
      %mul3A_233 = arith.muli %scan3A_154, %mul3A_232 : i32
      %add3A_234 = arith.constant 3 : i32
      %add3A_235 = arith.addi %mul3A_233, %add3A_234 : i32
      %mul3A_236 = arith.constant 8192 : i32
      %mul3A_237 = arith.muli %add3A_235, %mul3A_236 : i32
      %add3A_238 = arith.addi %mul3A_2, %mul3A_237 : i32
      %dma_wait3A_239 = tpu.memref_slice %arg2[%add3A_238] : memref<4194304xf32, #tpu.memory_space<hbm>> -> memref<8192xf32, #tpu.memory_space<hbm>>
      %dma_wait3A_240 = tpu.memref_slice %arg2[%add3A_238] : memref<4194304xf32, #tpu.memory_space<hbm>> -> memref<8192xf32, #tpu.memory_space<hbm>>
      tpu.wait_dma2 semaphore(%arg28 : memref<!tpu.dma_semaphore, #tpu.memory_space<semaphore_mem>>) src(%dma_wait3A_240 : memref<8192xf32, #tpu.memory_space<hbm>>) dst(%arg15 : memref<8192xf32, #tpu.memory_space<vmem>>)
      %dma_wait3A_241 = tpu.memref_slice %arg3[%add3A_238] : memref<4194304xf32, #tpu.memory_space<hbm>> -> memref<8192xf32, #tpu.memory_space<hbm>>
      %dma_wait3A_242 = tpu.memref_slice %arg3[%add3A_238] : memref<4194304xf32, #tpu.memory_space<hbm>> -> memref<8192xf32, #tpu.memory_space<hbm>>
      tpu.wait_dma2 semaphore(%arg29 : memref<!tpu.dma_semaphore, #tpu.memory_space<semaphore_mem>>) src(%dma_wait3A_242 : memref<8192xf32, #tpu.memory_space<hbm>>) dst(%arg16 : memref<8192xf32, #tpu.memory_space<vmem>>)
      %add3A_243 = arith.constant 4 : i32
      %add3A_244 = arith.addi %add3A_235, %add3A_243 : i32
      %sub3A_245 = arith.constant 1 : i32
      %sub3A_246 = arith.subi %add3A_244, %sub3A_245 : i32
      %lt3A_247 = arith.constant 16 : i32
      %lt3A_248 = arith.cmpi slt, %sub3A_246, %lt3A_247 : i32
      %convert_element_type3A_249 = arith.extui %lt3A_248 : i1 to i32
      %cond3A_250 = arith.constant 0 : i32
      %cond3A_251 = arith.cmpi ne, %convert_element_type3A_249, %cond3A_250 : i32
      scf.if %cond3A_251 {
        %add3A_258 = arith.constant 4 : i32
        %add3A_259 = arith.addi %add3A_235, %add3A_258 : i32
        %sub3A_260 = arith.constant 1 : i32
        %sub3A_261 = arith.subi %add3A_259, %sub3A_260 : i32
        %mul3A_262 = arith.constant 8192 : i32
        %mul3A_263 = arith.muli %sub3A_261, %mul3A_262 : i32
        %add3A_264 = arith.addi %mul3A_2, %mul3A_263 : i32
        %dma_start3A_265 = tpu.memref_slice %arg2[%add3A_264] : memref<4194304xf32, #tpu.memory_space<hbm>> -> memref<8192xf32, #tpu.memory_space<hbm>>
        %dma_start3A_266 = tpu.memref_slice %arg2[%add3A_264] : memref<4194304xf32, #tpu.memory_space<hbm>> -> memref<8192xf32, #tpu.memory_space<hbm>>
        tpu.enqueue_dma source(%dma_start3A_266 : memref<8192xf32, #tpu.memory_space<hbm>>) target(%arg13 : memref<8192xf32, #tpu.memory_space<vmem>>) target_semaphore(%arg26 : memref<!tpu.dma_semaphore, #tpu.memory_space<semaphore_mem>>)
        %dma_start3A_267 = tpu.memref_slice %arg3[%add3A_264] : memref<4194304xf32, #tpu.memory_space<hbm>> -> memref<8192xf32, #tpu.memory_space<hbm>>
        %dma_start3A_268 = tpu.memref_slice %arg3[%add3A_264] : memref<4194304xf32, #tpu.memory_space<hbm>> -> memref<8192xf32, #tpu.memory_space<hbm>>
        tpu.enqueue_dma source(%dma_start3A_268 : memref<8192xf32, #tpu.memory_space<hbm>>) target(%arg14 : memref<8192xf32, #tpu.memory_space<vmem>>) target_semaphore(%arg27 : memref<!tpu.dma_semaphore, #tpu.memory_space<semaphore_mem>>)
      } else {
      }
      %scan3A_252 = arith.constant 0 : i32
      %scan3A_253 = arith.constant 64 : i32
      %scan3A_254 = arith.addi %scan3A_252, %scan3A_253 : i32
      %scan3A_255 = arith.constant 1 : i32
      %scan3A_256:3 = scf.for %scan3A_258 = %scan3A_252 to %scan3A_254 step %scan3A_255 iter_args(%scan3A_259 = %scan3A_230#0, %scan3A_260 = %scan3A_230#1, %scan3A_261 = %scan3A_230#2) -> (vector<16xf32>, vector<16xf32>, vector<16xf32>)  : i32 {
        %mul3A_262 = arith.constant 8 : i32
        %mul3A_263 = arith.muli %scan3A_258, %mul3A_262 : i32
        %add3A_264 = arith.addf %broadcast_in_dim3A_3, %broadcast_in_dim3A_3 : vector<16xf32>
        %add3A_265 = arith.addf %broadcast_in_dim3A_3, %broadcast_in_dim3A_3 : vector<16xf32>
        %add3A_266 = arith.addf %broadcast_in_dim3A_3, %broadcast_in_dim3A_3 : vector<16xf32>
        %add3A_267 = arith.addf %broadcast_in_dim3A_3, %broadcast_in_dim3A_3 : vector<16xf32>
        %add3A_268 = arith.addf %add3A_264, %add3A_265 : vector<16xf32>
        %add3A_269 = arith.addf %add3A_266, %add3A_267 : vector<16xf32>
        %add3A_270 = arith.addf %add3A_268, %add3A_269 : vector<16xf32>
        %add3A_271 = arith.addf %scan3A_259, %add3A_270 : vector<16xf32>
        %add3A_272 = arith.addf %broadcast_in_dim3A_3, %broadcast_in_dim3A_3 : vector<16xf32>
        %add3A_273 = arith.addf %broadcast_in_dim3A_3, %broadcast_in_dim3A_3 : vector<16xf32>
        %add3A_274 = arith.addf %broadcast_in_dim3A_3, %broadcast_in_dim3A_3 : vector<16xf32>
        %add3A_275 = arith.addf %broadcast_in_dim3A_3, %broadcast_in_dim3A_3 : vector<16xf32>
        %add3A_276 = arith.addf %add3A_272, %add3A_273 : vector<16xf32>
        %add3A_277 = arith.addf %add3A_274, %add3A_275 : vector<16xf32>
        %add3A_278 = arith.addf %add3A_276, %add3A_277 : vector<16xf32>
        %add3A_279 = arith.addf %scan3A_260, %add3A_278 : vector<16xf32>
        %add3A_280 = arith.addf %broadcast_in_dim3A_3, %broadcast_in_dim3A_3 : vector<16xf32>
        %add3A_281 = arith.addf %broadcast_in_dim3A_3, %broadcast_in_dim3A_3 : vector<16xf32>
        %add3A_282 = arith.addf %broadcast_in_dim3A_3, %broadcast_in_dim3A_3 : vector<16xf32>
        %add3A_283 = arith.addf %broadcast_in_dim3A_3, %broadcast_in_dim3A_3 : vector<16xf32>
        %add3A_284 = arith.addf %add3A_280, %add3A_281 : vector<16xf32>
        %add3A_285 = arith.addf %add3A_282, %add3A_283 : vector<16xf32>
        %add3A_286 = arith.addf %add3A_284, %add3A_285 : vector<16xf32>
        %add3A_287 = arith.addf %scan3A_261, %add3A_286 : vector<16xf32>
        scf.yield %add3A_271, %add3A_279, %add3A_287 : vector<16xf32>, vector<16xf32>, vector<16xf32>
      }
      %scan3A_257 = arith.constant 64 : i32
      scf.yield %scan3A_256#0, %scan3A_256#1, %scan3A_256#2 : vector<16xf32>, vector<16xf32>, vector<16xf32>
    }
    %scan3A_34 = arith.constant 4 : i32
    %scan3A_35 = arith.constant 0 : i32
    %scan3A_36 = arith.constant 0 : i32
    %scan3A_37 = arith.constant 32 : i32
    %scan3A_38 = arith.addi %scan3A_36, %scan3A_37 : i32
    %scan3A_39 = arith.constant 1 : i32
    %scan3A_40 = scf.for %scan3A_154 = %scan3A_36 to %scan3A_38 step %scan3A_39 iter_args(%scan3A_155 = %scan3A_35) -> (i32)  : i32 {
      %mul3A_156 = arith.constant 16 : i32
      %mul3A_157 = arith.muli %scan3A_154, %mul3A_156 : i32
      %add3A_158 = arith.constant 0 : i32
      %add3A_159 = arith.addi %add3A_158, %mul3A_157 : i32
      %get3A = arith.index_cast %add3A_159 : i32 to index
      %get3A_160 = tpu.vector_load %arg17[%get3A] {strides = array<i32>} : memref<8192xf32, #tpu.memory_space<vmem>>, vector<16xf32>,
      %add3A_161 = arith.addf %broadcast_in_dim3A_5, %get3A_160 : vector<16xf32>
      %mul3A_162 = arith.constant 16 : i32
      %mul3A_163 = arith.muli %scan3A_154, %mul3A_162 : i32
      %add3A_164 = arith.constant 0 : i32
      %add3A_165 = arith.addi %add3A_164, %mul3A_163 : i32
      %get3A_166 = arith.index_cast %add3A_165 : i32 to index
      %get3A_167 = tpu.vector_load %arg18[%get3A_166] {strides = array<i32>} : memref<8192xf32, #tpu.memory_space<vmem>>, vector<16xf32>,
      %add3A_168 = arith.addf %broadcast_in_dim3A_5, %get3A_167 : vector<16xf32>
      %mul3A_169 = arith.constant 16 : i32
      %mul3A_170 = arith.muli %scan3A_154, %mul3A_169 : i32
      %add3A_171 = arith.constant 512 : i32
      %add3A_172 = arith.addi %add3A_171, %mul3A_170 : i32
      %get3A_173 = arith.index_cast %add3A_172 : i32 to index
      %get3A_174 = tpu.vector_load %arg17[%get3A_173] {strides = array<i32>} : memref<8192xf32, #tpu.memory_space<vmem>>, vector<16xf32>,
      %add3A_175 = arith.addf %add3A_161, %get3A_174 : vector<16xf32>
      %mul3A_176 = arith.constant 16 : i32
      %mul3A_177 = arith.muli %scan3A_154, %mul3A_176 : i32
      %add3A_178 = arith.constant 512 : i32
      %add3A_179 = arith.addi %add3A_178, %mul3A_177 : i32
      %get3A_180 = arith.index_cast %add3A_179 : i32 to index
      %get3A_181 = tpu.vector_load %arg18[%get3A_180] {strides = array<i32>} : memref<8192xf32, #tpu.memory_space<vmem>>, vector<16xf32>,
      %add3A_182 = arith.addf %add3A_168, %get3A_181 : vector<16xf32>
      %mul3A_183 = arith.constant 16 : i32
      %mul3A_184 = arith.muli %scan3A_154, %mul3A_183 : i32
      %add3A_185 = arith.constant 1024 : i32
      %add3A_186 = arith.addi %add3A_185, %mul3A_184 : i32
      %get3A_187 = arith.index_cast %add3A_186 : i32 to index
      %get3A_188 = tpu.vector_load %arg17[%get3A_187] {strides = array<i32>} : memref<8192xf32, #tpu.memory_space<vmem>>, vector<16xf32>,
      %add3A_189 = arith.addf %add3A_175, %get3A_188 : vector<16xf32>
      %mul3A_190 = arith.constant 16 : i32
      %mul3A_191 = arith.muli %scan3A_154, %mul3A_190 : i32
      %add3A_192 = arith.constant 1024 : i32
      %add3A_193 = arith.addi %add3A_192, %mul3A_191 : i32
      %get3A_194 = arith.index_cast %add3A_193 : i32 to index
      %get3A_195 = tpu.vector_load %arg18[%get3A_194] {strides = array<i32>} : memref<8192xf32, #tpu.memory_space<vmem>>, vector<16xf32>,
      %add3A_196 = arith.addf %add3A_182, %get3A_195 : vector<16xf32>
      %mul3A_197 = arith.constant 16 : i32
      %mul3A_198 = arith.muli %scan3A_154, %mul3A_197 : i32
      %add3A_199 = arith.constant 1536 : i32
      %add3A_200 = arith.addi %add3A_199, %mul3A_198 : i32
      %get3A_201 = arith.index_cast %add3A_200 : i32 to index
      %get3A_202 = tpu.vector_load %arg17[%get3A_201] {strides = array<i32>} : memref<8192xf32, #tpu.memory_space<vmem>>, vector<16xf32>,
      %add3A_203 = arith.addf %add3A_189, %get3A_202 : vector<16xf32>
      %mul3A_204 = arith.constant 16 : i32
      %mul3A_205 = arith.muli %scan3A_154, %mul3A_204 : i32
      %add3A_206 = arith.constant 1536 : i32
      %add3A_207 = arith.addi %add3A_206, %mul3A_205 : i32
      %get3A_208 = arith.index_cast %add3A_207 : i32 to index
      %get3A_209 = tpu.vector_load %arg18[%get3A_208] {strides = array<i32>} : memref<8192xf32, #tpu.memory_space<vmem>>, vector<16xf32>,
      %add3A_210 = arith.addf %add3A_196, %get3A_209 : vector<16xf32>
      %mul3A_211 = arith.constant 16 : i32
      %mul3A_212 = arith.muli %scan3A_154, %mul3A_211 : i32
      %add3A_213 = arith.constant 2048 : i32
      %add3A_214 = arith.addi %add3A_213, %mul3A_212 : i32
      %get3A_215 = arith.index_cast %add3A_214 : i32 to index
      %get3A_216 = tpu.vector_load %arg17[%get3A_215] {strides = array<i32>} : memref<8192xf32, #tpu.memory_space<vmem>>, vector<16xf32>,
      %add3A_217 = arith.addf %add3A_203, %get3A_216 : vector<16xf32>
      %mul3A_218 = arith.constant 16 : i32
      %mul3A_219 = arith.muli %scan3A_154, %mul3A_218 : i32
      %add3A_220 = arith.constant 2048 : i32
      %add3A_221 = arith.addi %add3A_220, %mul3A_219 : i32
      %get3A_222 = arith.index_cast %add3A_221 : i32 to index
      %get3A_223 = tpu.vector_load %arg18[%get3A_222] {strides = array<i32>} : memref<8192xf32, #tpu.memory_space<vmem>>, vector<16xf32>,
      %add3A_224 = arith.addf %add3A_210, %get3A_223 : vector<16xf32>
      %mul3A_225 = arith.constant 16 : i32
      %mul3A_226 = arith.muli %scan3A_154, %mul3A_225 : i32
      %add3A_227 = arith.constant 2560 : i32
      %add3A_228 = arith.addi %add3A_227, %mul3A_226 : i32
      %get3A_229 = arith.index_cast %add3A_228 : i32 to index
      %get3A_230 = tpu.vector_load %arg17[%get3A_229] {strides = array<i32>} : memref<8192xf32, #tpu.memory_space<vmem>>, vector<16xf32>,
      %add3A_231 = arith.addf %add3A_217, %get3A_230 : vector<16xf32>
      %mul3A_232 = arith.constant 16 : i32
      %mul3A_233 = arith.muli %scan3A_154, %mul3A_232 : i32
      %add3A_234 = arith.constant 2560 : i32
      %add3A_235 = arith.addi %add3A_234, %mul3A_233 : i32
      %get3A_236 = arith.index_cast %add3A_235 : i32 to index
      %get3A_237 = tpu.vector_load %arg18[%get3A_236] {strides = array<i32>} : memref<8192xf32, #tpu.memory_space<vmem>>, vector<16xf32>,
      %add3A_238 = arith.addf %add3A_224, %get3A_237 : vector<16xf32>
      %mul3A_239 = arith.constant 16 : i32
      %mul3A_240 = arith.muli %scan3A_154, %mul3A_239 : i32
      %add3A_241 = arith.constant 3072 : i32
      %add3A_242 = arith.addi %add3A_241, %mul3A_240 : i32
      %get3A_243 = arith.index_cast %add3A_242 : i32 to index
      %get3A_244 = tpu.vector_load %arg17[%get3A_243] {strides = array<i32>} : memref<8192xf32, #tpu.memory_space<vmem>>, vector<16xf32>,
      %add3A_245 = arith.addf %add3A_231, %get3A_244 : vector<16xf32>
      %mul3A_246 = arith.constant 16 : i32
      %mul3A_247 = arith.muli %scan3A_154, %mul3A_246 : i32
      %add3A_248 = arith.constant 3072 : i32
      %add3A_249 = arith.addi %add3A_248, %mul3A_247 : i32
      %get3A_250 = arith.index_cast %add3A_249 : i32 to index
      %get3A_251 = tpu.vector_load %arg18[%get3A_250] {strides = array<i32>} : memref<8192xf32, #tpu.memory_space<vmem>>, vector<16xf32>,
      %add3A_252 = arith.addf %add3A_238, %get3A_251 : vector<16xf32>
      %mul3A_253 = arith.constant 16 : i32
      %mul3A_254 = arith.muli %scan3A_154, %mul3A_253 : i32
      %add3A_255 = arith.constant 3584 : i32
      %add3A_256 = arith.addi %add3A_255, %mul3A_254 : i32
      %get3A_257 = arith.index_cast %add3A_256 : i32 to index
      %get3A_258 = tpu.vector_load %arg17[%get3A_257] {strides = array<i32>} : memref<8192xf32, #tpu.memory_space<vmem>>, vector<16xf32>,
      %add3A_259 = arith.addf %add3A_245, %get3A_258 : vector<16xf32>
      %mul3A_260 = arith.constant 16 : i32
      %mul3A_261 = arith.muli %scan3A_154, %mul3A_260 : i32
      %add3A_262 = arith.constant 3584 : i32
      %add3A_263 = arith.addi %add3A_262, %mul3A_261 : i32
      %get3A_264 = arith.index_cast %add3A_263 : i32 to index
      %get3A_265 = tpu.vector_load %arg18[%get3A_264] {strides = array<i32>} : memref<8192xf32, #tpu.memory_space<vmem>>, vector<16xf32>,
      %add3A_266 = arith.addf %add3A_252, %get3A_265 : vector<16xf32>
      %mul3A_267 = arith.constant 16 : i32
      %mul3A_268 = arith.muli %scan3A_154, %mul3A_267 : i32
      %add3A_269 = arith.constant 4096 : i32
      %add3A_270 = arith.addi %add3A_269, %mul3A_268 : i32
      %get3A_271 = arith.index_cast %add3A_270 : i32 to index
      %get3A_272 = tpu.vector_load %arg17[%get3A_271] {strides = array<i32>} : memref<8192xf32, #tpu.memory_space<vmem>>, vector<16xf32>,
      %add3A_273 = arith.addf %add3A_259, %get3A_272 : vector<16xf32>
      %mul3A_274 = arith.constant 16 : i32
      %mul3A_275 = arith.muli %scan3A_154, %mul3A_274 : i32
      %add3A_276 = arith.constant 4096 : i32
      %add3A_277 = arith.addi %add3A_276, %mul3A_275 : i32
      %get3A_278 = arith.index_cast %add3A_277 : i32 to index
      %get3A_279 = tpu.vector_load %arg18[%get3A_278] {strides = array<i32>} : memref<8192xf32, #tpu.memory_space<vmem>>, vector<16xf32>,
      %add3A_280 = arith.addf %add3A_266, %get3A_279 : vector<16xf32>
      %mul3A_281 = arith.constant 16 : i32
      %mul3A_282 = arith.muli %scan3A_154, %mul3A_281 : i32
      %add3A_283 = arith.constant 4608 : i32
      %add3A_284 = arith.addi %add3A_283, %mul3A_282 : i32
      %get3A_285 = arith.index_cast %add3A_284 : i32 to index
      %get3A_286 = tpu.vector_load %arg17[%get3A_285] {strides = array<i32>} : memref<8192xf32, #tpu.memory_space<vmem>>, vector<16xf32>,
      %add3A_287 = arith.addf %add3A_273, %get3A_286 : vector<16xf32>
      %mul3A_288 = arith.constant 16 : i32
      %mul3A_289 = arith.muli %scan3A_154, %mul3A_288 : i32
      %add3A_290 = arith.constant 4608 : i32
      %add3A_291 = arith.addi %add3A_290, %mul3A_289 : i32
      %get3A_292 = arith.index_cast %add3A_291 : i32 to index
      %get3A_293 = tpu.vector_load %arg18[%get3A_292] {strides = array<i32>} : memref<8192xf32, #tpu.memory_space<vmem>>, vector<16xf32>,
      %add3A_294 = arith.addf %add3A_280, %get3A_293 : vector<16xf32>
      %mul3A_295 = arith.constant 16 : i32
      %mul3A_296 = arith.muli %scan3A_154, %mul3A_295 : i32
      %add3A_297 = arith.constant 5120 : i32
      %add3A_298 = arith.addi %add3A_297, %mul3A_296 : i32
      %get3A_299 = arith.index_cast %add3A_298 : i32 to index
      %get3A_300 = tpu.vector_load %arg17[%get3A_299] {strides = array<i32>} : memref<8192xf32, #tpu.memory_space<vmem>>, vector<16xf32>,
      %add3A_301 = arith.addf %add3A_287, %get3A_300 : vector<16xf32>
      %mul3A_302 = arith.constant 16 : i32
      %mul3A_303 = arith.muli %scan3A_154, %mul3A_302 : i32
      %add3A_304 = arith.constant 5120 : i32
      %add3A_305 = arith.addi %add3A_304, %mul3A_303 : i32
      %get3A_306 = arith.index_cast %add3A_305 : i32 to index
      %get3A_307 = tpu.vector_load %arg18[%get3A_306] {strides = array<i32>} : memref<8192xf32, #tpu.memory_space<vmem>>, vector<16xf32>,
      %add3A_308 = arith.addf %add3A_294, %get3A_307 : vector<16xf32>
      %mul3A_309 = arith.constant 16 : i32
      %mul3A_310 = arith.muli %scan3A_154, %mul3A_309 : i32
      %add3A_311 = arith.constant 5632 : i32
      %add3A_312 = arith.addi %add3A_311, %mul3A_310 : i32
      %get3A_313 = arith.index_cast %add3A_312 : i32 to index
      %get3A_314 = tpu.vector_load %arg17[%get3A_313] {strides = array<i32>} : memref<8192xf32, #tpu.memory_space<vmem>>, vector<16xf32>,
      %add3A_315 = arith.addf %add3A_301, %get3A_314 : vector<16xf32>
      %mul3A_316 = arith.constant 16 : i32
      %mul3A_317 = arith.muli %scan3A_154, %mul3A_316 : i32
      %add3A_318 = arith.constant 5632 : i32
      %add3A_319 = arith.addi %add3A_318, %mul3A_317 : i32
      %get3A_320 = arith.index_cast %add3A_319 : i32 to index
      %get3A_321 = tpu.vector_load %arg18[%get3A_320] {strides = array<i32>} : memref<8192xf32, #tpu.memory_space<vmem>>, vector<16xf32>,
      %add3A_322 = arith.addf %add3A_308, %get3A_321 : vector<16xf32>
      %mul3A_323 = arith.constant 16 : i32
      %mul3A_324 = arith.muli %scan3A_154, %mul3A_323 : i32
      %add3A_325 = arith.constant 6144 : i32
      %add3A_326 = arith.addi %add3A_325, %mul3A_324 : i32
      %get3A_327 = arith.index_cast %add3A_326 : i32 to index
      %get3A_328 = tpu.vector_load %arg17[%get3A_327] {strides = array<i32>} : memref<8192xf32, #tpu.memory_space<vmem>>, vector<16xf32>,
      %add3A_329 = arith.addf %add3A_315, %get3A_328 : vector<16xf32>
      %mul3A_330 = arith.constant 16 : i32
      %mul3A_331 = arith.muli %scan3A_154, %mul3A_330 : i32
      %add3A_332 = arith.constant 6144 : i32
      %add3A_333 = arith.addi %add3A_332, %mul3A_331 : i32
      %get3A_334 = arith.index_cast %add3A_333 : i32 to index
      %get3A_335 = tpu.vector_load %arg18[%get3A_334] {strides = array<i32>} : memref<8192xf32, #tpu.memory_space<vmem>>, vector<16xf32>,
      %add3A_336 = arith.addf %add3A_322, %get3A_335 : vector<16xf32>
      %mul3A_337 = arith.constant 16 : i32
      %mul3A_338 = arith.muli %scan3A_154, %mul3A_337 : i32
      %add3A_339 = arith.constant 6656 : i32
      %add3A_340 = arith.addi %add3A_339, %mul3A_338 : i32
      %get3A_341 = arith.index_cast %add3A_340 : i32 to index
      %get3A_342 = tpu.vector_load %arg17[%get3A_341] {strides = array<i32>} : memref<8192xf32, #tpu.memory_space<vmem>>, vector<16xf32>,
      %add3A_343 = arith.addf %add3A_329, %get3A_342 : vector<16xf32>
      %mul3A_344 = arith.constant 16 : i32
      %mul3A_345 = arith.muli %scan3A_154, %mul3A_344 : i32
      %add3A_346 = arith.constant 6656 : i32
      %add3A_347 = arith.addi %add3A_346, %mul3A_345 : i32
      %get3A_348 = arith.index_cast %add3A_347 : i32 to index
      %get3A_349 = tpu.vector_load %arg18[%get3A_348] {strides = array<i32>} : memref<8192xf32, #tpu.memory_space<vmem>>, vector<16xf32>,
      %add3A_350 = arith.addf %add3A_336, %get3A_349 : vector<16xf32>
      %mul3A_351 = arith.constant 16 : i32
      %mul3A_352 = arith.muli %scan3A_154, %mul3A_351 : i32
      %add3A_353 = arith.constant 7168 : i32
      %add3A_354 = arith.addi %add3A_353, %mul3A_352 : i32
      %get3A_355 = arith.index_cast %add3A_354 : i32 to index
      %get3A_356 = tpu.vector_load %arg17[%get3A_355] {strides = array<i32>} : memref<8192xf32, #tpu.memory_space<vmem>>, vector<16xf32>,
      %add3A_357 = arith.addf %add3A_343, %get3A_356 : vector<16xf32>
      %mul3A_358 = arith.constant 16 : i32
      %mul3A_359 = arith.muli %scan3A_154, %mul3A_358 : i32
      %add3A_360 = arith.constant 7168 : i32
      %add3A_361 = arith.addi %add3A_360, %mul3A_359 : i32
      %get3A_362 = arith.index_cast %add3A_361 : i32 to index
      %get3A_363 = tpu.vector_load %arg18[%get3A_362] {strides = array<i32>} : memref<8192xf32, #tpu.memory_space<vmem>>, vector<16xf32>,
      %add3A_364 = arith.addf %add3A_350, %get3A_363 : vector<16xf32>
      %mul3A_365 = arith.constant 16 : i32
      %mul3A_366 = arith.muli %scan3A_154, %mul3A_365 : i32
      %add3A_367 = arith.constant 7680 : i32
      %add3A_368 = arith.addi %add3A_367, %mul3A_366 : i32
      %get3A_369 = arith.index_cast %add3A_368 : i32 to index
      %get3A_370 = tpu.vector_load %arg17[%get3A_369] {strides = array<i32>} : memref<8192xf32, #tpu.memory_space<vmem>>, vector<16xf32>,
      %add3A_371 = arith.addf %add3A_357, %get3A_370 : vector<16xf32>
      %mul3A_372 = arith.constant 16 : i32
      %mul3A_373 = arith.muli %scan3A_154, %mul3A_372 : i32
      %add3A_374 = arith.constant 7680 : i32
      %add3A_375 = arith.addi %add3A_374, %mul3A_373 : i32
      %get3A_376 = arith.index_cast %add3A_375 : i32 to index
      %get3A_377 = tpu.vector_load %arg18[%get3A_376] {strides = array<i32>} : memref<8192xf32, #tpu.memory_space<vmem>>, vector<16xf32>,
      %add3A_378 = arith.addf %add3A_364, %get3A_377 : vector<16xf32>
      %mul3A_379 = arith.constant 16 : i32
      %mul3A_380 = arith.muli %scan3A_154, %mul3A_379 : i32
      %swap3A_381 = arith.index_cast %mul3A_380 : i32 to index
      %swap3A_382 = tpu.vector_load %arg19[%swap3A_381] {strides = array<i32>} : memref<512xf32, #tpu.memory_space<vmem>>, vector<16xf32>,
      tpu.vector_store %arg19[%swap3A_381], %add3A_371 {strides = array<i32>} : memref<512xf32, #tpu.memory_space<vmem>>, vector<16xf32>,
      %mul3A_383 = arith.constant 16 : i32
      %mul3A_384 = arith.muli %scan3A_154, %mul3A_383 : i32
      %swap3A_385 = arith.index_cast %mul3A_384 : i32 to index
      %swap3A_386 = tpu.vector_load %arg20[%swap3A_385] {strides = array<i32>} : memref<512xf32, #tpu.memory_space<vmem>>, vector<16xf32>,
      tpu.vector_store %arg20[%swap3A_385], %add3A_378 {strides = array<i32>} : memref<512xf32, #tpu.memory_space<vmem>>, vector<16xf32>,
      %scan3A_387 = arith.constant 0 : i32
      scf.yield %scan3A_387 : i32
    }
    %scan3A_41 = arith.constant 32 : i32
    %reduce_sum3A = arith.constant true
    %reduce_sum3A_42 = vector.broadcast %reduce_sum3A : i1 to vector<16xi1>
    %reduce_sum3A_43 = tpu.scan <sum>, %scan3A_33#0 masked %reduce_sum3A_42 : vector<16xf32>, vector<16xi1> -> vector<16xf32>
    %reduce_sum3A_44 = vector.extract %reduce_sum3A_43[15] : f32 from vector<16xf32>
    %reduce_sum3A_45 = arith.constant true
    %reduce_sum3A_46 = vector.broadcast %reduce_sum3A_45 : i1 to vector<16xi1>
    %reduce_sum3A_47 = tpu.scan <sum>, %scan3A_33#1 masked %reduce_sum3A_46 : vector<16xf32>, vector<16xi1> -> vector<16xf32>
    %reduce_sum3A_48 = vector.extract %reduce_sum3A_47[15] : f32 from vector<16xf32>
    %reduce_sum3A_49 = arith.constant true
    %reduce_sum3A_50 = vector.broadcast %reduce_sum3A_49 : i1 to vector<16xi1>
    %reduce_sum3A_51 = tpu.scan <sum>, %scan3A_33#2 masked %reduce_sum3A_50 : vector<16xf32>, vector<16xi1> -> vector<16xf32>
    %reduce_sum3A_52 = vector.extract %reduce_sum3A_51[15] : f32 from vector<16xf32>
    %sub3A = arith.subf %reduce_sum3A_52, %reduce_sum3A_48 : f32
    %eq3A = arith.constant 0 : i32
    %eq3A_53 = vector.broadcast %eq3A : i32 to vector<16xi32>
    %eq3A_54 = arith.cmpi eq, %iota3A, %eq3A_53 : vector<16xi32>
    %jit3A = arith.constant 0.000000e+00 : f32
    %broadcast_in_dim3A_55 = vector.broadcast %reduce_sum3A_44 : f32 to vector<16xf32>
    %broadcast_in_dim3A_56 = vector.broadcast %jit3A : f32 to vector<16xf32>
    %select_n3A = arith.select %eq3A_54, %broadcast_in_dim3A_55, %broadcast_in_dim3A_56 : vector<16xi1>, vector<16xf32>
    %eq3A_57 = arith.constant 1 : i32
    %eq3A_58 = vector.broadcast %eq3A_57 : i32 to vector<16xi32>
    %eq3A_59 = arith.cmpi eq, %iota3A, %eq3A_58 : vector<16xi32>
    %jit3A_60 = arith.constant 0.000000e+00 : f32
    %broadcast_in_dim3A_61 = vector.broadcast %reduce_sum3A_48 : f32 to vector<16xf32>
    %broadcast_in_dim3A_62 = vector.broadcast %jit3A_60 : f32 to vector<16xf32>
    %select_n3A_63 = arith.select %eq3A_59, %broadcast_in_dim3A_61, %broadcast_in_dim3A_62 : vector<16xi1>, vector<16xf32>
    %add3A_64 = arith.addf %select_n3A, %select_n3A_63 : vector<16xf32>
    %eq3A_65 = arith.constant 2 : i32
    %eq3A_66 = vector.broadcast %eq3A_65 : i32 to vector<16xi32>
    %eq3A_67 = arith.cmpi eq, %iota3A, %eq3A_66 : vector<16xi32>
    %jit3A_68 = arith.constant 0.000000e+00 : f32
    %broadcast_in_dim3A_69 = vector.broadcast %sub3A : f32 to vector<16xf32>
    %broadcast_in_dim3A_70 = vector.broadcast %jit3A_68 : f32 to vector<16xf32>
    %select_n3A_71 = arith.select %eq3A_67, %broadcast_in_dim3A_69, %broadcast_in_dim3A_70 : vector<16xi1>, vector<16xf32>
    %add3A_72 = arith.addf %add3A_64, %select_n3A_71 : vector<16xf32>
    %swap3A = arith.constant 0 : index
    %swap3A_73 = tpu.vector_load %arg21[%swap3A] {strides = array<i32>} : memref<16xf32, #tpu.memory_space<vmem>>, vector<16xf32>,
    tpu.vector_store %arg21[%swap3A], %add3A_72 {strides = array<i32>} : memref<16xf32, #tpu.memory_space<vmem>>, vector<16xf32>,
    %add3A_74 = arith.constant 0 : i32
    %add3A_75 = arith.addi %add3A_74, %add3A : i32
    "tpu.region"() ({
      %run_scoped3A = tpu.sem_alloc : memref<!tpu.dma_semaphore, #tpu.memory_space<semaphore_mem>>
      %dma_start3A_154 = arith.constant 0 : i32
      %dma_start3A_155 = tpu.memref_slice %arg6[%add3A_75, %dma_start3A_154] : memref<64x512xf32, #tpu.memory_space<hbm>> -> memref<1x512xf32, #tpu.memory_space<hbm>>
      %dma_start3A_156 = tpu.memref_squeeze %dma_start3A_155 : memref<1x512xf32, #tpu.memory_space<hbm>> -> memref<512xf32, #tpu.memory_space<hbm>>
      %dma_start3A_157 = arith.constant 0 : i32
      %dma_start3A_158 = tpu.memref_slice %arg6[%add3A_75, %dma_start3A_157] : memref<64x512xf32, #tpu.memory_space<hbm>> -> memref<1x512xf32, #tpu.memory_space<hbm>>
      %dma_start3A_159 = tpu.memref_squeeze %dma_start3A_158 : memref<1x512xf32, #tpu.memory_space<hbm>> -> memref<512xf32, #tpu.memory_space<hbm>>
      tpu.enqueue_dma source(%arg19 : memref<512xf32, #tpu.memory_space<vmem>>) target(%dma_start3A_159 : memref<512xf32, #tpu.memory_space<hbm>>) target_semaphore(%run_scoped3A : memref<!tpu.dma_semaphore, #tpu.memory_space<semaphore_mem>>)
      %dma_wait3A = arith.constant 0 : i32
      %dma_wait3A_160 = tpu.memref_slice %arg6[%add3A_75, %dma_wait3A] : memref<64x512xf32, #tpu.memory_space<hbm>> -> memref<1x512xf32, #tpu.memory_space<hbm>>
      %dma_wait3A_161 = tpu.memref_squeeze %dma_wait3A_160 : memref<1x512xf32, #tpu.memory_space<hbm>> -> memref<512xf32, #tpu.memory_space<hbm>>
      %dma_wait3A_162 = arith.constant 0 : i32
      %dma_wait3A_163 = tpu.memref_slice %arg6[%add3A_75, %dma_wait3A_162] : memref<64x512xf32, #tpu.memory_space<hbm>> -> memref<1x512xf32, #tpu.memory_space<hbm>>
      %dma_wait3A_164 = tpu.memref_squeeze %dma_wait3A_163 : memref<1x512xf32, #tpu.memory_space<hbm>> -> memref<512xf32, #tpu.memory_space<hbm>>
      tpu.wait_dma2 semaphore(%run_scoped3A : memref<!tpu.dma_semaphore, #tpu.memory_space<semaphore_mem>>) src(%arg19 : memref<512xf32, #tpu.memory_space<vmem>>) dst(%dma_wait3A_164 : memref<512xf32, #tpu.memory_space<hbm>>)
      tpu.yield
    }) : () -> ()
    "tpu.region"() ({
      %run_scoped3A = tpu.sem_alloc : memref<!tpu.dma_semaphore, #tpu.memory_space<semaphore_mem>>
      %dma_start3A_154 = arith.constant 0 : i32
      %dma_start3A_155 = tpu.memref_slice %arg7[%add3A_75, %dma_start3A_154] : memref<64x512xf32, #tpu.memory_space<hbm>> -> memref<1x512xf32, #tpu.memory_space<hbm>>
      %dma_start3A_156 = tpu.memref_squeeze %dma_start3A_155 : memref<1x512xf32, #tpu.memory_space<hbm>> -> memref<512xf32, #tpu.memory_space<hbm>>
      %dma_start3A_157 = arith.constant 0 : i32
      %dma_start3A_158 = tpu.memref_slice %arg7[%add3A_75, %dma_start3A_157] : memref<64x512xf32, #tpu.memory_space<hbm>> -> memref<1x512xf32, #tpu.memory_space<hbm>>
      %dma_start3A_159 = tpu.memref_squeeze %dma_start3A_158 : memref<1x512xf32, #tpu.memory_space<hbm>> -> memref<512xf32, #tpu.memory_space<hbm>>
      tpu.enqueue_dma source(%arg20 : memref<512xf32, #tpu.memory_space<vmem>>) target(%dma_start3A_159 : memref<512xf32, #tpu.memory_space<hbm>>) target_semaphore(%run_scoped3A : memref<!tpu.dma_semaphore, #tpu.memory_space<semaphore_mem>>)
      %dma_wait3A = arith.constant 0 : i32
      %dma_wait3A_160 = tpu.memref_slice %arg7[%add3A_75, %dma_wait3A] : memref<64x512xf32, #tpu.memory_space<hbm>> -> memref<1x512xf32, #tpu.memory_space<hbm>>
      %dma_wait3A_161 = tpu.memref_squeeze %dma_wait3A_160 : memref<1x512xf32, #tpu.memory_space<hbm>> -> memref<512xf32, #tpu.memory_space<hbm>>
      %dma_wait3A_162 = arith.constant 0 : i32
      %dma_wait3A_163 = tpu.memref_slice %arg7[%add3A_75, %dma_wait3A_162] : memref<64x512xf32, #tpu.memory_space<hbm>> -> memref<1x512xf32, #tpu.memory_space<hbm>>
      %dma_wait3A_164 = tpu.memref_squeeze %dma_wait3A_163 : memref<1x512xf32, #tpu.memory_space<hbm>> -> memref<512xf32, #tpu.memory_space<hbm>>
      tpu.wait_dma2 semaphore(%run_scoped3A : memref<!tpu.dma_semaphore, #tpu.memory_space<semaphore_mem>>) src(%arg20 : memref<512xf32, #tpu.memory_space<vmem>>) dst(%dma_wait3A_164 : memref<512xf32, #tpu.memory_space<hbm>>)
      tpu.yield
    }) : () -> ()
    "tpu.region"() ({
      %run_scoped3A = tpu.sem_alloc : memref<!tpu.dma_semaphore, #tpu.memory_space<semaphore_mem>>
      %dma_start3A_154 = arith.constant 0 : i32
      %dma_start3A_155 = tpu.memref_slice %arg8[%add3A_75, %dma_start3A_154] : memref<64x16xf32, #tpu.memory_space<hbm>> -> memref<1x16xf32, #tpu.memory_space<hbm>>
      %dma_start3A_156 = tpu.memref_squeeze %dma_start3A_155 : memref<1x16xf32, #tpu.memory_space<hbm>> -> memref<16xf32, #tpu.memory_space<hbm>>
      %dma_start3A_157 = arith.constant 0 : i32
      %dma_start3A_158 = tpu.memref_slice %arg8[%add3A_75, %dma_start3A_157] : memref<64x16xf32, #tpu.memory_space<hbm>> -> memref<1x16xf32, #tpu.memory_space<hbm>>
      %dma_start3A_159 = tpu.memref_squeeze %dma_start3A_158 : memref<1x16xf32, #tpu.memory_space<hbm>> -> memref<16xf32, #tpu.memory_space<hbm>>
      tpu.enqueue_dma source(%arg21 : memref<16xf32, #tpu.memory_space<vmem>>) target(%dma_start3A_159 : memref<16xf32, #tpu.memory_space<hbm>>) target_semaphore(%run_scoped3A : memref<!tpu.dma_semaphore, #tpu.memory_space<semaphore_mem>>)
      %dma_wait3A = arith.constant 0 : i32
      %dma_wait3A_160 = tpu.memref_slice %arg8[%add3A_75, %dma_wait3A] : memref<64x16xf32, #tpu.memory_space<hbm>> -> memref<1x16xf32, #tpu.memory_space<hbm>>
      %dma_wait3A_161 = tpu.memref_squeeze %dma_wait3A_160 : memref<1x16xf32, #tpu.memory_space<hbm>> -> memref<16xf32, #tpu.memory_space<hbm>>
      %dma_wait3A_162 = arith.constant 0 : i32
      %dma_wait3A_163 = tpu.memref_slice %arg8[%add3A_75, %dma_wait3A_162] : memref<64x16xf32, #tpu.memory_space<hbm>> -> memref<1x16xf32, #tpu.memory_space<hbm>>
      %dma_wait3A_164 = tpu.memref_squeeze %dma_wait3A_163 : memref<1x16xf32, #tpu.memory_space<hbm>> -> memref<16xf32, #tpu.memory_space<hbm>>
      tpu.wait_dma2 semaphore(%run_scoped3A : memref<!tpu.dma_semaphore, #tpu.memory_space<semaphore_mem>>) src(%arg21 : memref<16xf32, #tpu.memory_space<vmem>>) dst(%dma_wait3A_164 : memref<16xf32, #tpu.memory_space<hbm>>)
      tpu.yield
    }) : () -> ()
    %scan3A_76 = arith.constant 0 : i32
    %scan3A_77 = arith.constant 0 : i32
    %scan3A_78 = arith.constant 32 : i32
    %scan3A_79 = arith.addi %scan3A_77, %scan3A_78 : i32
    %scan3A_80 = arith.constant 1 : i32
    %scan3A_81 = scf.for %scan3A_154 = %scan3A_77 to %scan3A_79 step %scan3A_80 iter_args(%scan3A_155 = %scan3A_76) -> (i32)  : i32 {
      %mul3A_156 = arith.constant 16 : i32
      %mul3A_157 = arith.muli %scan3A_154, %mul3A_156 : i32
      %add3A_158 = arith.constant 0 : i32
      %add3A_159 = arith.addi %add3A_158, %mul3A_157 : i32
      %swap3A_160 = arith.index_cast %add3A_159 : i32 to index
      %swap3A_161 = tpu.vector_load %arg17[%swap3A_160] {strides = array<i32>} : memref<8192xf32, #tpu.memory_space<vmem>>, vector<16xf32>,
      tpu.vector_store %arg17[%swap3A_160], %broadcast_in_dim3A_5 {strides = array<i32>} : memref<8192xf32, #tpu.memory_space<vmem>>, vector<16xf32>,
      %mul3A_162 = arith.constant 16 : i32
      %mul3A_163 = arith.muli %scan3A_154, %mul3A_162 : i32
      %add3A_164 = arith.constant 0 : i32
      %add3A_165 = arith.addi %add3A_164, %mul3A_163 : i32
      %swap3A_166 = arith.index_cast %add3A_165 : i32 to index
      %swap3A_167 = tpu.vector_load %arg18[%swap3A_166] {strides = array<i32>} : memref<8192xf32, #tpu.memory_space<vmem>>, vector<16xf32>,
      tpu.vector_store %arg18[%swap3A_166], %broadcast_in_dim3A_5 {strides = array<i32>} : memref<8192xf32, #tpu.memory_space<vmem>>, vector<16xf32>,
      %mul3A_168 = arith.constant 16 : i32
      %mul3A_169 = arith.muli %scan3A_154, %mul3A_168 : i32
      %add3A_170 = arith.constant 512 : i32
      %add3A_171 = arith.addi %add3A_170, %mul3A_169 : i32
      %swap3A_172 = arith.index_cast %add3A_171 : i32 to index
      %swap3A_173 = tpu.vector_load %arg17[%swap3A_172] {strides = array<i32>} : memref<8192xf32, #tpu.memory_space<vmem>>, vector<16xf32>,
      tpu.vector_store %arg17[%swap3A_172], %broadcast_in_dim3A_5 {strides = array<i32>} : memref<8192xf32, #tpu.memory_space<vmem>>, vector<16xf32>,
      %mul3A_174 = arith.constant 16 : i32
      %mul3A_175 = arith.muli %scan3A_154, %mul3A_174 : i32
      %add3A_176 = arith.constant 512 : i32
      %add3A_177 = arith.addi %add3A_176, %mul3A_175 : i32
      %swap3A_178 = arith.index_cast %add3A_177 : i32 to index
      %swap3A_179 = tpu.vector_load %arg18[%swap3A_178] {strides = array<i32>} : memref<8192xf32, #tpu.memory_space<vmem>>, vector<16xf32>,
      tpu.vector_store %arg18[%swap3A_178], %broadcast_in_dim3A_5 {strides = array<i32>} : memref<8192xf32, #tpu.memory_space<vmem>>, vector<16xf32>,
      %mul3A_180 = arith.constant 16 : i32
      %mul3A_181 = arith.muli %scan3A_154, %mul3A_180 : i32
      %add3A_182 = arith.constant 1024 : i32
      %add3A_183 = arith.addi %add3A_182, %mul3A_181 : i32
      %swap3A_184 = arith.index_cast %add3A_183 : i32 to index
      %swap3A_185 = tpu.vector_load %arg17[%swap3A_184] {strides = array<i32>} : memref<8192xf32, #tpu.memory_space<vmem>>, vector<16xf32>,
      tpu.vector_store %arg17[%swap3A_184], %broadcast_in_dim3A_5 {strides = array<i32>} : memref<8192xf32, #tpu.memory_space<vmem>>, vector<16xf32>,
      %mul3A_186 = arith.constant 16 : i32
      %mul3A_187 = arith.muli %scan3A_154, %mul3A_186 : i32
      %add3A_188 = arith.constant 1024 : i32
      %add3A_189 = arith.addi %add3A_188, %mul3A_187 : i32
      %swap3A_190 = arith.index_cast %add3A_189 : i32 to index
      %swap3A_191 = tpu.vector_load %arg18[%swap3A_190] {strides = array<i32>} : memref<8192xf32, #tpu.memory_space<vmem>>, vector<16xf32>,
      tpu.vector_store %arg18[%swap3A_190], %broadcast_in_dim3A_5 {strides = array<i32>} : memref<8192xf32, #tpu.memory_space<vmem>>, vector<16xf32>,
      %mul3A_192 = arith.constant 16 : i32
      %mul3A_193 = arith.muli %scan3A_154, %mul3A_192 : i32
      %add3A_194 = arith.constant 1536 : i32
      %add3A_195 = arith.addi %add3A_194, %mul3A_193 : i32
      %swap3A_196 = arith.index_cast %add3A_195 : i32 to index
      %swap3A_197 = tpu.vector_load %arg17[%swap3A_196] {strides = array<i32>} : memref<8192xf32, #tpu.memory_space<vmem>>, vector<16xf32>,
      tpu.vector_store %arg17[%swap3A_196], %broadcast_in_dim3A_5 {strides = array<i32>} : memref<8192xf32, #tpu.memory_space<vmem>>, vector<16xf32>,
      %mul3A_198 = arith.constant 16 : i32
      %mul3A_199 = arith.muli %scan3A_154, %mul3A_198 : i32
      %add3A_200 = arith.constant 1536 : i32
      %add3A_201 = arith.addi %add3A_200, %mul3A_199 : i32
      %swap3A_202 = arith.index_cast %add3A_201 : i32 to index
      %swap3A_203 = tpu.vector_load %arg18[%swap3A_202] {strides = array<i32>} : memref<8192xf32, #tpu.memory_space<vmem>>, vector<16xf32>,
      tpu.vector_store %arg18[%swap3A_202], %broadcast_in_dim3A_5 {strides = array<i32>} : memref<8192xf32, #tpu.memory_space<vmem>>, vector<16xf32>,
      %mul3A_204 = arith.constant 16 : i32
      %mul3A_205 = arith.muli %scan3A_154, %mul3A_204 : i32
      %add3A_206 = arith.constant 2048 : i32
      %add3A_207 = arith.addi %add3A_206, %mul3A_205 : i32
      %swap3A_208 = arith.index_cast %add3A_207 : i32 to index
      %swap3A_209 = tpu.vector_load %arg17[%swap3A_208] {strides = array<i32>} : memref<8192xf32, #tpu.memory_space<vmem>>, vector<16xf32>,
      tpu.vector_store %arg17[%swap3A_208], %broadcast_in_dim3A_5 {strides = array<i32>} : memref<8192xf32, #tpu.memory_space<vmem>>, vector<16xf32>,
      %mul3A_210 = arith.constant 16 : i32
      %mul3A_211 = arith.muli %scan3A_154, %mul3A_210 : i32
      %add3A_212 = arith.constant 2048 : i32
      %add3A_213 = arith.addi %add3A_212, %mul3A_211 : i32
      %swap3A_214 = arith.index_cast %add3A_213 : i32 to index
      %swap3A_215 = tpu.vector_load %arg18[%swap3A_214] {strides = array<i32>} : memref<8192xf32, #tpu.memory_space<vmem>>, vector<16xf32>,
      tpu.vector_store %arg18[%swap3A_214], %broadcast_in_dim3A_5 {strides = array<i32>} : memref<8192xf32, #tpu.memory_space<vmem>>, vector<16xf32>,
      %mul3A_216 = arith.constant 16 : i32
      %mul3A_217 = arith.muli %scan3A_154, %mul3A_216 : i32
      %add3A_218 = arith.constant 2560 : i32
      %add3A_219 = arith.addi %add3A_218, %mul3A_217 : i32
      %swap3A_220 = arith.index_cast %add3A_219 : i32 to index
      %swap3A_221 = tpu.vector_load %arg17[%swap3A_220] {strides = array<i32>} : memref<8192xf32, #tpu.memory_space<vmem>>, vector<16xf32>,
      tpu.vector_store %arg17[%swap3A_220], %broadcast_in_dim3A_5 {strides = array<i32>} : memref<8192xf32, #tpu.memory_space<vmem>>, vector<16xf32>,
      %mul3A_222 = arith.constant 16 : i32
      %mul3A_223 = arith.muli %scan3A_154, %mul3A_222 : i32
      %add3A_224 = arith.constant 2560 : i32
      %add3A_225 = arith.addi %add3A_224, %mul3A_223 : i32
      %swap3A_226 = arith.index_cast %add3A_225 : i32 to index
      %swap3A_227 = tpu.vector_load %arg18[%swap3A_226] {strides = array<i32>} : memref<8192xf32, #tpu.memory_space<vmem>>, vector<16xf32>,
      tpu.vector_store %arg18[%swap3A_226], %broadcast_in_dim3A_5 {strides = array<i32>} : memref<8192xf32, #tpu.memory_space<vmem>>, vector<16xf32>,
      %mul3A_228 = arith.constant 16 : i32
      %mul3A_229 = arith.muli %scan3A_154, %mul3A_228 : i32
      %add3A_230 = arith.constant 3072 : i32
      %add3A_231 = arith.addi %add3A_230, %mul3A_229 : i32
      %swap3A_232 = arith.index_cast %add3A_231 : i32 to index
      %swap3A_233 = tpu.vector_load %arg17[%swap3A_232] {strides = array<i32>} : memref<8192xf32, #tpu.memory_space<vmem>>, vector<16xf32>,
      tpu.vector_store %arg17[%swap3A_232], %broadcast_in_dim3A_5 {strides = array<i32>} : memref<8192xf32, #tpu.memory_space<vmem>>, vector<16xf32>,
      %mul3A_234 = arith.constant 16 : i32
      %mul3A_235 = arith.muli %scan3A_154, %mul3A_234 : i32
      %add3A_236 = arith.constant 3072 : i32
      %add3A_237 = arith.addi %add3A_236, %mul3A_235 : i32
      %swap3A_238 = arith.index_cast %add3A_237 : i32 to index
      %swap3A_239 = tpu.vector_load %arg18[%swap3A_238] {strides = array<i32>} : memref<8192xf32, #tpu.memory_space<vmem>>, vector<16xf32>,
      tpu.vector_store %arg18[%swap3A_238], %broadcast_in_dim3A_5 {strides = array<i32>} : memref<8192xf32, #tpu.memory_space<vmem>>, vector<16xf32>,
      %mul3A_240 = arith.constant 16 : i32
      %mul3A_241 = arith.muli %scan3A_154, %mul3A_240 : i32
      %add3A_242 = arith.constant 3584 : i32
      %add3A_243 = arith.addi %add3A_242, %mul3A_241 : i32
      %swap3A_244 = arith.index_cast %add3A_243 : i32 to index
      %swap3A_245 = tpu.vector_load %arg17[%swap3A_244] {strides = array<i32>} : memref<8192xf32, #tpu.memory_space<vmem>>, vector<16xf32>,
      tpu.vector_store %arg17[%swap3A_244], %broadcast_in_dim3A_5 {strides = array<i32>} : memref<8192xf32, #tpu.memory_space<vmem>>, vector<16xf32>,
      %mul3A_246 = arith.constant 16 : i32
      %mul3A_247 = arith.muli %scan3A_154, %mul3A_246 : i32
      %add3A_248 = arith.constant 3584 : i32
      %add3A_249 = arith.addi %add3A_248, %mul3A_247 : i32
      %swap3A_250 = arith.index_cast %add3A_249 : i32 to index
      %swap3A_251 = tpu.vector_load %arg18[%swap3A_250] {strides = array<i32>} : memref<8192xf32, #tpu.memory_space<vmem>>, vector<16xf32>,
      tpu.vector_store %arg18[%swap3A_250], %broadcast_in_dim3A_5 {strides = array<i32>} : memref<8192xf32, #tpu.memory_space<vmem>>, vector<16xf32>,
      %mul3A_252 = arith.constant 16 : i32
      %mul3A_253 = arith.muli %scan3A_154, %mul3A_252 : i32
      %add3A_254 = arith.constant 4096 : i32
      %add3A_255 = arith.addi %add3A_254, %mul3A_253 : i32
      %swap3A_256 = arith.index_cast %add3A_255 : i32 to index
      %swap3A_257 = tpu.vector_load %arg17[%swap3A_256] {strides = array<i32>} : memref<8192xf32, #tpu.memory_space<vmem>>, vector<16xf32>,
      tpu.vector_store %arg17[%swap3A_256], %broadcast_in_dim3A_5 {strides = array<i32>} : memref<8192xf32, #tpu.memory_space<vmem>>, vector<16xf32>,
      %mul3A_258 = arith.constant 16 : i32
      %mul3A_259 = arith.muli %scan3A_154, %mul3A_258 : i32
      %add3A_260 = arith.constant 4096 : i32
      %add3A_261 = arith.addi %add3A_260, %mul3A_259 : i32
      %swap3A_262 = arith.index_cast %add3A_261 : i32 to index
      %swap3A_263 = tpu.vector_load %arg18[%swap3A_262] {strides = array<i32>} : memref<8192xf32, #tpu.memory_space<vmem>>, vector<16xf32>,
      tpu.vector_store %arg18[%swap3A_262], %broadcast_in_dim3A_5 {strides = array<i32>} : memref<8192xf32, #tpu.memory_space<vmem>>, vector<16xf32>,
      %mul3A_264 = arith.constant 16 : i32
      %mul3A_265 = arith.muli %scan3A_154, %mul3A_264 : i32
      %add3A_266 = arith.constant 4608 : i32
      %add3A_267 = arith.addi %add3A_266, %mul3A_265 : i32
      %swap3A_268 = arith.index_cast %add3A_267 : i32 to index
      %swap3A_269 = tpu.vector_load %arg17[%swap3A_268] {strides = array<i32>} : memref<8192xf32, #tpu.memory_space<vmem>>, vector<16xf32>,
      tpu.vector_store %arg17[%swap3A_268], %broadcast_in_dim3A_5 {strides = array<i32>} : memref<8192xf32, #tpu.memory_space<vmem>>, vector<16xf32>,
      %mul3A_270 = arith.constant 16 : i32
      %mul3A_271 = arith.muli %scan3A_154, %mul3A_270 : i32
      %add3A_272 = arith.constant 4608 : i32
      %add3A_273 = arith.addi %add3A_272, %mul3A_271 : i32
      %swap3A_274 = arith.index_cast %add3A_273 : i32 to index
      %swap3A_275 = tpu.vector_load %arg18[%swap3A_274] {strides = array<i32>} : memref<8192xf32, #tpu.memory_space<vmem>>, vector<16xf32>,
      tpu.vector_store %arg18[%swap3A_274], %broadcast_in_dim3A_5 {strides = array<i32>} : memref<8192xf32, #tpu.memory_space<vmem>>, vector<16xf32>,
      %mul3A_276 = arith.constant 16 : i32
      %mul3A_277 = arith.muli %scan3A_154, %mul3A_276 : i32
      %add3A_278 = arith.constant 5120 : i32
      %add3A_279 = arith.addi %add3A_278, %mul3A_277 : i32
      %swap3A_280 = arith.index_cast %add3A_279 : i32 to index
      %swap3A_281 = tpu.vector_load %arg17[%swap3A_280] {strides = array<i32>} : memref<8192xf32, #tpu.memory_space<vmem>>, vector<16xf32>,
      tpu.vector_store %arg17[%swap3A_280], %broadcast_in_dim3A_5 {strides = array<i32>} : memref<8192xf32, #tpu.memory_space<vmem>>, vector<16xf32>,
      %mul3A_282 = arith.constant 16 : i32
      %mul3A_283 = arith.muli %scan3A_154, %mul3A_282 : i32
      %add3A_284 = arith.constant 5120 : i32
      %add3A_285 = arith.addi %add3A_284, %mul3A_283 : i32
      %swap3A_286 = arith.index_cast %add3A_285 : i32 to index
      %swap3A_287 = tpu.vector_load %arg18[%swap3A_286] {strides = array<i32>} : memref<8192xf32, #tpu.memory_space<vmem>>, vector<16xf32>,
      tpu.vector_store %arg18[%swap3A_286], %broadcast_in_dim3A_5 {strides = array<i32>} : memref<8192xf32, #tpu.memory_space<vmem>>, vector<16xf32>,
      %mul3A_288 = arith.constant 16 : i32
      %mul3A_289 = arith.muli %scan3A_154, %mul3A_288 : i32
      %add3A_290 = arith.constant 5632 : i32
      %add3A_291 = arith.addi %add3A_290, %mul3A_289 : i32
      %swap3A_292 = arith.index_cast %add3A_291 : i32 to index
      %swap3A_293 = tpu.vector_load %arg17[%swap3A_292] {strides = array<i32>} : memref<8192xf32, #tpu.memory_space<vmem>>, vector<16xf32>,
      tpu.vector_store %arg17[%swap3A_292], %broadcast_in_dim3A_5 {strides = array<i32>} : memref<8192xf32, #tpu.memory_space<vmem>>, vector<16xf32>,
      %mul3A_294 = arith.constant 16 : i32
      %mul3A_295 = arith.muli %scan3A_154, %mul3A_294 : i32
      %add3A_296 = arith.constant 5632 : i32
      %add3A_297 = arith.addi %add3A_296, %mul3A_295 : i32
      %swap3A_298 = arith.index_cast %add3A_297 : i32 to index
      %swap3A_299 = tpu.vector_load %arg18[%swap3A_298] {strides = array<i32>} : memref<8192xf32, #tpu.memory_space<vmem>>, vector<16xf32>,
      tpu.vector_store %arg18[%swap3A_298], %broadcast_in_dim3A_5 {strides = array<i32>} : memref<8192xf32, #tpu.memory_space<vmem>>, vector<16xf32>,
      %mul3A_300 = arith.constant 16 : i32
      %mul3A_301 = arith.muli %scan3A_154, %mul3A_300 : i32
      %add3A_302 = arith.constant 6144 : i32
      %add3A_303 = arith.addi %add3A_302, %mul3A_301 : i32
      %swap3A_304 = arith.index_cast %add3A_303 : i32 to index
      %swap3A_305 = tpu.vector_load %arg17[%swap3A_304] {strides = array<i32>} : memref<8192xf32, #tpu.memory_space<vmem>>, vector<16xf32>,
      tpu.vector_store %arg17[%swap3A_304], %broadcast_in_dim3A_5 {strides = array<i32>} : memref<8192xf32, #tpu.memory_space<vmem>>, vector<16xf32>,
      %mul3A_306 = arith.constant 16 : i32
      %mul3A_307 = arith.muli %scan3A_154, %mul3A_306 : i32
      %add3A_308 = arith.constant 6144 : i32
      %add3A_309 = arith.addi %add3A_308, %mul3A_307 : i32
      %swap3A_310 = arith.index_cast %add3A_309 : i32 to index
      %swap3A_311 = tpu.vector_load %arg18[%swap3A_310] {strides = array<i32>} : memref<8192xf32, #tpu.memory_space<vmem>>, vector<16xf32>,
      tpu.vector_store %arg18[%swap3A_310], %broadcast_in_dim3A_5 {strides = array<i32>} : memref<8192xf32, #tpu.memory_space<vmem>>, vector<16xf32>,
      %mul3A_312 = arith.constant 16 : i32
      %mul3A_313 = arith.muli %scan3A_154, %mul3A_312 : i32
      %add3A_314 = arith.constant 6656 : i32
      %add3A_315 = arith.addi %add3A_314, %mul3A_313 : i32
      %swap3A_316 = arith.index_cast %add3A_315 : i32 to index
      %swap3A_317 = tpu.vector_load %arg17[%swap3A_316] {strides = array<i32>} : memref<8192xf32, #tpu.memory_space<vmem>>, vector<16xf32>,
      tpu.vector_store %arg17[%swap3A_316], %broadcast_in_dim3A_5 {strides = array<i32>} : memref<8192xf32, #tpu.memory_space<vmem>>, vector<16xf32>,
      %mul3A_318 = arith.constant 16 : i32
      %mul3A_319 = arith.muli %scan3A_154, %mul3A_318 : i32
      %add3A_320 = arith.constant 6656 : i32
      %add3A_321 = arith.addi %add3A_320, %mul3A_319 : i32
      %swap3A_322 = arith.index_cast %add3A_321 : i32 to index
      %swap3A_323 = tpu.vector_load %arg18[%swap3A_322] {strides = array<i32>} : memref<8192xf32, #tpu.memory_space<vmem>>, vector<16xf32>,
      tpu.vector_store %arg18[%swap3A_322], %broadcast_in_dim3A_5 {strides = array<i32>} : memref<8192xf32, #tpu.memory_space<vmem>>, vector<16xf32>,
      %mul3A_324 = arith.constant 16 : i32
      %mul3A_325 = arith.muli %scan3A_154, %mul3A_324 : i32
      %add3A_326 = arith.constant 7168 : i32
      %add3A_327 = arith.addi %add3A_326, %mul3A_325 : i32
      %swap3A_328 = arith.index_cast %add3A_327 : i32 to index
      %swap3A_329 = tpu.vector_load %arg17[%swap3A_328] {strides = array<i32>} : memref<8192xf32, #tpu.memory_space<vmem>>, vector<16xf32>,
      tpu.vector_store %arg17[%swap3A_328], %broadcast_in_dim3A_5 {strides = array<i32>} : memref<8192xf32, #tpu.memory_space<vmem>>, vector<16xf32>,
      %mul3A_330 = arith.constant 16 : i32
      %mul3A_331 = arith.muli %scan3A_154, %mul3A_330 : i32
      %add3A_332 = arith.constant 7168 : i32
      %add3A_333 = arith.addi %add3A_332, %mul3A_331 : i32
      %swap3A_334 = arith.index_cast %add3A_333 : i32 to index
      %swap3A_335 = tpu.vector_load %arg18[%swap3A_334] {strides = array<i32>} : memref<8192xf32, #tpu.memory_space<vmem>>, vector<16xf32>,
      tpu.vector_store %arg18[%swap3A_334], %broadcast_in_dim3A_5 {strides = array<i32>} : memref<8192xf32, #tpu.memory_space<vmem>>, vector<16xf32>,
      %mul3A_336 = arith.constant 16 : i32
      %mul3A_337 = arith.muli %scan3A_154, %mul3A_336 : i32
      %add3A_338 = arith.constant 7680 : i32
      %add3A_339 = arith.addi %add3A_338, %mul3A_337 : i32
      %swap3A_340 = arith.index_cast %add3A_339 : i32 to index
      %swap3A_341 = tpu.vector_load %arg17[%swap3A_340] {strides = array<i32>} : memref<8192xf32, #tpu.memory_space<vmem>>, vector<16xf32>,
      tpu.vector_store %arg17[%swap3A_340], %broadcast_in_dim3A_5 {strides = array<i32>} : memref<8192xf32, #tpu.memory_space<vmem>>, vector<16xf32>,
      %mul3A_342 = arith.constant 16 : i32
      %mul3A_343 = arith.muli %scan3A_154, %mul3A_342 : i32
      %add3A_344 = arith.constant 7680 : i32
      %add3A_345 = arith.addi %add3A_344, %mul3A_343 : i32
      %swap3A_346 = arith.index_cast %add3A_345 : i32 to index
      %swap3A_347 = tpu.vector_load %arg18[%swap3A_346] {strides = array<i32>} : memref<8192xf32, #tpu.memory_space<vmem>>, vector<16xf32>,
      tpu.vector_store %arg18[%swap3A_346], %broadcast_in_dim3A_5 {strides = array<i32>} : memref<8192xf32, #tpu.memory_space<vmem>>, vector<16xf32>,
      %scan3A_348 = arith.constant 0 : i32
      scf.yield %scan3A_348 : i32
    }
    %scan3A_82 = arith.constant 32 : i32
    %add3A_83 = arith.constant 0 : i32
    %add3A_84 = arith.addi %mul3A_2, %add3A_83 : i32
    %dma_start3A_85 = tpu.memref_slice %arg4[%add3A_84] : memref<4194304xf32, #tpu.memory_space<hbm>> -> memref<8192xf32, #tpu.memory_space<hbm>>
    %dma_start3A_86 = tpu.memref_slice %arg4[%add3A_84] : memref<4194304xf32, #tpu.memory_space<hbm>> -> memref<8192xf32, #tpu.memory_space<hbm>>
    tpu.enqueue_dma source(%dma_start3A_86 : memref<8192xf32, #tpu.memory_space<hbm>>) target(%arg9 : memref<8192xf32, #tpu.memory_space<vmem>>) target_semaphore(%arg22 : memref<!tpu.dma_semaphore, #tpu.memory_space<semaphore_mem>>)
    %dma_start3A_87 = tpu.memref_slice %arg5[%add3A_84] : memref<4194304xf32, #tpu.memory_space<hbm>> -> memref<8192xf32, #tpu.memory_space<hbm>>
    %dma_start3A_88 = tpu.memref_slice %arg5[%add3A_84] : memref<4194304xf32, #tpu.memory_space<hbm>> -> memref<8192xf32, #tpu.memory_space<hbm>>
    tpu.enqueue_dma source(%dma_start3A_88 : memref<8192xf32, #tpu.memory_space<hbm>>) target(%arg10 : memref<8192xf32, #tpu.memory_space<vmem>>) target_semaphore(%arg23 : memref<!tpu.dma_semaphore, #tpu.memory_space<semaphore_mem>>)
    %add3A_89 = arith.constant 8192 : i32
    %add3A_90 = arith.addi %mul3A_2, %add3A_89 : i32
    %dma_start3A_91 = tpu.memref_slice %arg4[%add3A_90] : memref<4194304xf32, #tpu.memory_space<hbm>> -> memref<8192xf32, #tpu.memory_space<hbm>>
    %dma_start3A_92 = tpu.memref_slice %arg4[%add3A_90] : memref<4194304xf32, #tpu.memory_space<hbm>> -> memref<8192xf32, #tpu.memory_space<hbm>>
    tpu.enqueue_dma source(%dma_start3A_92 : memref<8192xf32, #tpu.memory_space<hbm>>) target(%arg11 : memref<8192xf32, #tpu.memory_space<vmem>>) target_semaphore(%arg24 : memref<!tpu.dma_semaphore, #tpu.memory_space<semaphore_mem>>)
    %dma_start3A_93 = tpu.memref_slice %arg5[%add3A_90] : memref<4194304xf32, #tpu.memory_space<hbm>> -> memref<8192xf32, #tpu.memory_space<hbm>>
    %dma_start3A_94 = tpu.memref_slice %arg5[%add3A_90] : memref<4194304xf32, #tpu.memory_space<hbm>> -> memref<8192xf32, #tpu.memory_space<hbm>>
    tpu.enqueue_dma source(%dma_start3A_94 : memref<8192xf32, #tpu.memory_space<hbm>>) target(%arg12 : memref<8192xf32, #tpu.memory_space<vmem>>) target_semaphore(%arg25 : memref<!tpu.dma_semaphore, #tpu.memory_space<semaphore_mem>>)
    %add3A_95 = arith.constant 16384 : i32
    %add3A_96 = arith.addi %mul3A_2, %add3A_95 : i32
    %dma_start3A_97 = tpu.memref_slice %arg4[%add3A_96] : memref<4194304xf32, #tpu.memory_space<hbm>> -> memref<8192xf32, #tpu.memory_space<hbm>>
    %dma_start3A_98 = tpu.memref_slice %arg4[%add3A_96] : memref<4194304xf32, #tpu.memory_space<hbm>> -> memref<8192xf32, #tpu.memory_space<hbm>>
    tpu.enqueue_dma source(%dma_start3A_98 : memref<8192xf32, #tpu.memory_space<hbm>>) target(%arg13 : memref<8192xf32, #tpu.memory_space<vmem>>) target_semaphore(%arg26 : memref<!tpu.dma_semaphore, #tpu.memory_space<semaphore_mem>>)
    %dma_start3A_99 = tpu.memref_slice %arg5[%add3A_96] : memref<4194304xf32, #tpu.memory_space<hbm>> -> memref<8192xf32, #tpu.memory_space<hbm>>
    %dma_start3A_100 = tpu.memref_slice %arg5[%add3A_96] : memref<4194304xf32, #tpu.memory_space<hbm>> -> memref<8192xf32, #tpu.memory_space<hbm>>
    tpu.enqueue_dma source(%dma_start3A_100 : memref<8192xf32, #tpu.memory_space<hbm>>) target(%arg14 : memref<8192xf32, #tpu.memory_space<vmem>>) target_semaphore(%arg27 : memref<!tpu.dma_semaphore, #tpu.memory_space<semaphore_mem>>)
    %scan3A_101 = arith.constant 0 : i32
    %scan3A_102 = arith.constant 4 : i32
    %scan3A_103 = arith.addi %scan3A_101, %scan3A_102 : i32
    %scan3A_104 = arith.constant 1 : i32
    %scan3A_105:3 = scf.for %scan3A_154 = %scan3A_101 to %scan3A_103 step %scan3A_104 iter_args(%scan3A_155 = %broadcast_in_dim3A_5, %scan3A_156 = %broadcast_in_dim3A_5, %scan3A_157 = %broadcast_in_dim3A_5) -> (vector<16xf32>, vector<16xf32>, vector<16xf32>)  : i32 {
      %mul3A_158 = arith.constant 4 : i32
      %mul3A_159 = arith.muli %scan3A_154, %mul3A_158 : i32
      %add3A_160 = arith.constant 0 : i32
      %add3A_161 = arith.addi %mul3A_159, %add3A_160 : i32
      %mul3A_162 = arith.constant 8192 : i32
      %mul3A_163 = arith.muli %add3A_161, %mul3A_162 : i32
      %add3A_164 = arith.addi %mul3A_2, %mul3A_163 : i32
      %dma_wait3A = tpu.memref_slice %arg4[%add3A_164] : memref<4194304xf32, #tpu.memory_space<hbm>> -> memref<8192xf32, #tpu.memory_space<hbm>>
      %dma_wait3A_165 = tpu.memref_slice %arg4[%add3A_164] : memref<4194304xf32, #tpu.memory_space<hbm>> -> memref<8192xf32, #tpu.memory_space<hbm>>
      tpu.wait_dma2 semaphore(%arg22 : memref<!tpu.dma_semaphore, #tpu.memory_space<semaphore_mem>>) src(%dma_wait3A_165 : memref<8192xf32, #tpu.memory_space<hbm>>) dst(%arg9 : memref<8192xf32, #tpu.memory_space<vmem>>)
      %dma_wait3A_166 = tpu.memref_slice %arg5[%add3A_164] : memref<4194304xf32, #tpu.memory_space<hbm>> -> memref<8192xf32, #tpu.memory_space<hbm>>
      %dma_wait3A_167 = tpu.memref_slice %arg5[%add3A_164] : memref<4194304xf32, #tpu.memory_space<hbm>> -> memref<8192xf32, #tpu.memory_space<hbm>>
      tpu.wait_dma2 semaphore(%arg23 : memref<!tpu.dma_semaphore, #tpu.memory_space<semaphore_mem>>) src(%dma_wait3A_167 : memref<8192xf32, #tpu.memory_space<hbm>>) dst(%arg10 : memref<8192xf32, #tpu.memory_space<vmem>>)
      %add3A_168 = arith.constant 4 : i32
      %add3A_169 = arith.addi %add3A_161, %add3A_168 : i32
      %sub3A_170 = arith.constant 1 : i32
      %sub3A_171 = arith.subi %add3A_169, %sub3A_170 : i32
      %lt3A = arith.constant 16 : i32
      %lt3A_172 = arith.cmpi slt, %sub3A_171, %lt3A : i32
      %convert_element_type3A = arith.extui %lt3A_172 : i1 to i32
      %cond3A = arith.constant 0 : i32
      %cond3A_173 = arith.cmpi ne, %convert_element_type3A, %cond3A : i32
      scf.if %cond3A_173 {
        %add3A_258 = arith.constant 4 : i32
        %add3A_259 = arith.addi %add3A_161, %add3A_258 : i32
        %sub3A_260 = arith.constant 1 : i32
        %sub3A_261 = arith.subi %add3A_259, %sub3A_260 : i32
        %mul3A_262 = arith.constant 8192 : i32
        %mul3A_263 = arith.muli %sub3A_261, %mul3A_262 : i32
        %add3A_264 = arith.addi %mul3A_2, %mul3A_263 : i32
        %dma_start3A_265 = tpu.memref_slice %arg4[%add3A_264] : memref<4194304xf32, #tpu.memory_space<hbm>> -> memref<8192xf32, #tpu.memory_space<hbm>>
        %dma_start3A_266 = tpu.memref_slice %arg4[%add3A_264] : memref<4194304xf32, #tpu.memory_space<hbm>> -> memref<8192xf32, #tpu.memory_space<hbm>>
        tpu.enqueue_dma source(%dma_start3A_266 : memref<8192xf32, #tpu.memory_space<hbm>>) target(%arg15 : memref<8192xf32, #tpu.memory_space<vmem>>) target_semaphore(%arg28 : memref<!tpu.dma_semaphore, #tpu.memory_space<semaphore_mem>>)
        %dma_start3A_267 = tpu.memref_slice %arg5[%add3A_264] : memref<4194304xf32, #tpu.memory_space<hbm>> -> memref<8192xf32, #tpu.memory_space<hbm>>
        %dma_start3A_268 = tpu.memref_slice %arg5[%add3A_264] : memref<4194304xf32, #tpu.memory_space<hbm>> -> memref<8192xf32, #tpu.memory_space<hbm>>
        tpu.enqueue_dma source(%dma_start3A_268 : memref<8192xf32, #tpu.memory_space<hbm>>) target(%arg16 : memref<8192xf32, #tpu.memory_space<vmem>>) target_semaphore(%arg29 : memref<!tpu.dma_semaphore, #tpu.memory_space<semaphore_mem>>)
      } else {
      }
      %scan3A_174 = arith.constant 0 : i32
      %scan3A_175 = arith.constant 64 : i32
      %scan3A_176 = arith.addi %scan3A_174, %scan3A_175 : i32
      %scan3A_177 = arith.constant 1 : i32
      %scan3A_178:3 = scf.for %scan3A_258 = %scan3A_174 to %scan3A_176 step %scan3A_177 iter_args(%scan3A_259 = %scan3A_155, %scan3A_260 = %scan3A_156, %scan3A_261 = %scan3A_157) -> (vector<16xf32>, vector<16xf32>, vector<16xf32>)  : i32 {
        %mul3A_262 = arith.constant 8 : i32
        %mul3A_263 = arith.muli %scan3A_258, %mul3A_262 : i32
        %add3A_264 = arith.addf %broadcast_in_dim3A_3, %broadcast_in_dim3A_3 : vector<16xf32>
        %add3A_265 = arith.addf %broadcast_in_dim3A_3, %broadcast_in_dim3A_3 : vector<16xf32>
        %add3A_266 = arith.addf %broadcast_in_dim3A_3, %broadcast_in_dim3A_3 : vector<16xf32>
        %add3A_267 = arith.addf %broadcast_in_dim3A_3, %broadcast_in_dim3A_3 : vector<16xf32>
        %add3A_268 = arith.addf %add3A_264, %add3A_265 : vector<16xf32>
        %add3A_269 = arith.addf %add3A_266, %add3A_267 : vector<16xf32>
        %add3A_270 = arith.addf %add3A_268, %add3A_269 : vector<16xf32>
        %add3A_271 = arith.addf %scan3A_259, %add3A_270 : vector<16xf32>
        %add3A_272 = arith.addf %broadcast_in_dim3A_3, %broadcast_in_dim3A_3 : vector<16xf32>
        %add3A_273 = arith.addf %broadcast_in_dim3A_3, %broadcast_in_dim3A_3 : vector<16xf32>
        %add3A_274 = arith.addf %broadcast_in_dim3A_3, %broadcast_in_dim3A_3 : vector<16xf32>
        %add3A_275 = arith.addf %broadcast_in_dim3A_3, %broadcast_in_dim3A_3 : vector<16xf32>
        %add3A_276 = arith.addf %add3A_272, %add3A_273 : vector<16xf32>
        %add3A_277 = arith.addf %add3A_274, %add3A_275 : vector<16xf32>
        %add3A_278 = arith.addf %add3A_276, %add3A_277 : vector<16xf32>
        %add3A_279 = arith.addf %scan3A_260, %add3A_278 : vector<16xf32>
        %add3A_280 = arith.addf %broadcast_in_dim3A_3, %broadcast_in_dim3A_3 : vector<16xf32>
        %add3A_281 = arith.addf %broadcast_in_dim3A_3, %broadcast_in_dim3A_3 : vector<16xf32>
        %add3A_282 = arith.addf %broadcast_in_dim3A_3, %broadcast_in_dim3A_3 : vector<16xf32>
        %add3A_283 = arith.addf %broadcast_in_dim3A_3, %broadcast_in_dim3A_3 : vector<16xf32>
        %add3A_284 = arith.addf %add3A_280, %add3A_281 : vector<16xf32>
        %add3A_285 = arith.addf %add3A_282, %add3A_283 : vector<16xf32>
        %add3A_286 = arith.addf %add3A_284, %add3A_285 : vector<16xf32>
        %add3A_287 = arith.addf %scan3A_261, %add3A_286 : vector<16xf32>
        scf.yield %add3A_271, %add3A_279, %add3A_287 : vector<16xf32>, vector<16xf32>, vector<16xf32>
      }
      %scan3A_179 = arith.constant 64 : i32
      %mul3A_180 = arith.constant 4 : i32
      %mul3A_181 = arith.muli %scan3A_154, %mul3A_180 : i32
      %add3A_182 = arith.constant 1 : i32
      %add3A_183 = arith.addi %mul3A_181, %add3A_182 : i32
      %mul3A_184 = arith.constant 8192 : i32
      %mul3A_185 = arith.muli %add3A_183, %mul3A_184 : i32
      %add3A_186 = arith.addi %mul3A_2, %mul3A_185 : i32
      %dma_wait3A_187 = tpu.memref_slice %arg4[%add3A_186] : memref<4194304xf32, #tpu.memory_space<hbm>> -> memref<8192xf32, #tpu.memory_space<hbm>>
      %dma_wait3A_188 = tpu.memref_slice %arg4[%add3A_186] : memref<4194304xf32, #tpu.memory_space<hbm>> -> memref<8192xf32, #tpu.memory_space<hbm>>
      tpu.wait_dma2 semaphore(%arg24 : memref<!tpu.dma_semaphore, #tpu.memory_space<semaphore_mem>>) src(%dma_wait3A_188 : memref<8192xf32, #tpu.memory_space<hbm>>) dst(%arg11 : memref<8192xf32, #tpu.memory_space<vmem>>)
      %dma_wait3A_189 = tpu.memref_slice %arg5[%add3A_186] : memref<4194304xf32, #tpu.memory_space<hbm>> -> memref<8192xf32, #tpu.memory_space<hbm>>
      %dma_wait3A_190 = tpu.memref_slice %arg5[%add3A_186] : memref<4194304xf32, #tpu.memory_space<hbm>> -> memref<8192xf32, #tpu.memory_space<hbm>>
      tpu.wait_dma2 semaphore(%arg25 : memref<!tpu.dma_semaphore, #tpu.memory_space<semaphore_mem>>) src(%dma_wait3A_190 : memref<8192xf32, #tpu.memory_space<hbm>>) dst(%arg12 : memref<8192xf32, #tpu.memory_space<vmem>>)
      %add3A_191 = arith.constant 4 : i32
      %add3A_192 = arith.addi %add3A_183, %add3A_191 : i32
      %sub3A_193 = arith.constant 1 : i32
      %sub3A_194 = arith.subi %add3A_192, %sub3A_193 : i32
      %lt3A_195 = arith.constant 16 : i32
      %lt3A_196 = arith.cmpi slt, %sub3A_194, %lt3A_195 : i32
      %convert_element_type3A_197 = arith.extui %lt3A_196 : i1 to i32
      %cond3A_198 = arith.constant 0 : i32
      %cond3A_199 = arith.cmpi ne, %convert_element_type3A_197, %cond3A_198 : i32
      scf.if %cond3A_199 {
        %add3A_258 = arith.constant 4 : i32
        %add3A_259 = arith.addi %add3A_183, %add3A_258 : i32
        %sub3A_260 = arith.constant 1 : i32
        %sub3A_261 = arith.subi %add3A_259, %sub3A_260 : i32
        %mul3A_262 = arith.constant 8192 : i32
        %mul3A_263 = arith.muli %sub3A_261, %mul3A_262 : i32
        %add3A_264 = arith.addi %mul3A_2, %mul3A_263 : i32
        %dma_start3A_265 = tpu.memref_slice %arg4[%add3A_264] : memref<4194304xf32, #tpu.memory_space<hbm>> -> memref<8192xf32, #tpu.memory_space<hbm>>
        %dma_start3A_266 = tpu.memref_slice %arg4[%add3A_264] : memref<4194304xf32, #tpu.memory_space<hbm>> -> memref<8192xf32, #tpu.memory_space<hbm>>
        tpu.enqueue_dma source(%dma_start3A_266 : memref<8192xf32, #tpu.memory_space<hbm>>) target(%arg9 : memref<8192xf32, #tpu.memory_space<vmem>>) target_semaphore(%arg22 : memref<!tpu.dma_semaphore, #tpu.memory_space<semaphore_mem>>)
        %dma_start3A_267 = tpu.memref_slice %arg5[%add3A_264] : memref<4194304xf32, #tpu.memory_space<hbm>> -> memref<8192xf32, #tpu.memory_space<hbm>>
        %dma_start3A_268 = tpu.memref_slice %arg5[%add3A_264] : memref<4194304xf32, #tpu.memory_space<hbm>> -> memref<8192xf32, #tpu.memory_space<hbm>>
        tpu.enqueue_dma source(%dma_start3A_268 : memref<8192xf32, #tpu.memory_space<hbm>>) target(%arg10 : memref<8192xf32, #tpu.memory_space<vmem>>) target_semaphore(%arg23 : memref<!tpu.dma_semaphore, #tpu.memory_space<semaphore_mem>>)
      } else {
      }
      %scan3A_200 = arith.constant 0 : i32
      %scan3A_201 = arith.constant 64 : i32
      %scan3A_202 = arith.addi %scan3A_200, %scan3A_201 : i32
      %scan3A_203 = arith.constant 1 : i32
      %scan3A_204:3 = scf.for %scan3A_258 = %scan3A_200 to %scan3A_202 step %scan3A_203 iter_args(%scan3A_259 = %scan3A_178#0, %scan3A_260 = %scan3A_178#1, %scan3A_261 = %scan3A_178#2) -> (vector<16xf32>, vector<16xf32>, vector<16xf32>)  : i32 {
        %mul3A_262 = arith.constant 8 : i32
        %mul3A_263 = arith.muli %scan3A_258, %mul3A_262 : i32
        %add3A_264 = arith.addf %broadcast_in_dim3A_3, %broadcast_in_dim3A_3 : vector<16xf32>
        %add3A_265 = arith.addf %broadcast_in_dim3A_3, %broadcast_in_dim3A_3 : vector<16xf32>
        %add3A_266 = arith.addf %broadcast_in_dim3A_3, %broadcast_in_dim3A_3 : vector<16xf32>
        %add3A_267 = arith.addf %broadcast_in_dim3A_3, %broadcast_in_dim3A_3 : vector<16xf32>
        %add3A_268 = arith.addf %add3A_264, %add3A_265 : vector<16xf32>
        %add3A_269 = arith.addf %add3A_266, %add3A_267 : vector<16xf32>
        %add3A_270 = arith.addf %add3A_268, %add3A_269 : vector<16xf32>
        %add3A_271 = arith.addf %scan3A_259, %add3A_270 : vector<16xf32>
        %add3A_272 = arith.addf %broadcast_in_dim3A_3, %broadcast_in_dim3A_3 : vector<16xf32>
        %add3A_273 = arith.addf %broadcast_in_dim3A_3, %broadcast_in_dim3A_3 : vector<16xf32>
        %add3A_274 = arith.addf %broadcast_in_dim3A_3, %broadcast_in_dim3A_3 : vector<16xf32>
        %add3A_275 = arith.addf %broadcast_in_dim3A_3, %broadcast_in_dim3A_3 : vector<16xf32>
        %add3A_276 = arith.addf %add3A_272, %add3A_273 : vector<16xf32>
        %add3A_277 = arith.addf %add3A_274, %add3A_275 : vector<16xf32>
        %add3A_278 = arith.addf %add3A_276, %add3A_277 : vector<16xf32>
        %add3A_279 = arith.addf %scan3A_260, %add3A_278 : vector<16xf32>
        %add3A_280 = arith.addf %broadcast_in_dim3A_3, %broadcast_in_dim3A_3 : vector<16xf32>
        %add3A_281 = arith.addf %broadcast_in_dim3A_3, %broadcast_in_dim3A_3 : vector<16xf32>
        %add3A_282 = arith.addf %broadcast_in_dim3A_3, %broadcast_in_dim3A_3 : vector<16xf32>
        %add3A_283 = arith.addf %broadcast_in_dim3A_3, %broadcast_in_dim3A_3 : vector<16xf32>
        %add3A_284 = arith.addf %add3A_280, %add3A_281 : vector<16xf32>
        %add3A_285 = arith.addf %add3A_282, %add3A_283 : vector<16xf32>
        %add3A_286 = arith.addf %add3A_284, %add3A_285 : vector<16xf32>
        %add3A_287 = arith.addf %scan3A_261, %add3A_286 : vector<16xf32>
        scf.yield %add3A_271, %add3A_279, %add3A_287 : vector<16xf32>, vector<16xf32>, vector<16xf32>
      }
      %scan3A_205 = arith.constant 64 : i32
      %mul3A_206 = arith.constant 4 : i32
      %mul3A_207 = arith.muli %scan3A_154, %mul3A_206 : i32
      %add3A_208 = arith.constant 2 : i32
      %add3A_209 = arith.addi %mul3A_207, %add3A_208 : i32
      %mul3A_210 = arith.constant 8192 : i32
      %mul3A_211 = arith.muli %add3A_209, %mul3A_210 : i32
      %add3A_212 = arith.addi %mul3A_2, %mul3A_211 : i32
      %dma_wait3A_213 = tpu.memref_slice %arg4[%add3A_212] : memref<4194304xf32, #tpu.memory_space<hbm>> -> memref<8192xf32, #tpu.memory_space<hbm>>
      %dma_wait3A_214 = tpu.memref_slice %arg4[%add3A_212] : memref<4194304xf32, #tpu.memory_space<hbm>> -> memref<8192xf32, #tpu.memory_space<hbm>>
      tpu.wait_dma2 semaphore(%arg26 : memref<!tpu.dma_semaphore, #tpu.memory_space<semaphore_mem>>) src(%dma_wait3A_214 : memref<8192xf32, #tpu.memory_space<hbm>>) dst(%arg13 : memref<8192xf32, #tpu.memory_space<vmem>>)
      %dma_wait3A_215 = tpu.memref_slice %arg5[%add3A_212] : memref<4194304xf32, #tpu.memory_space<hbm>> -> memref<8192xf32, #tpu.memory_space<hbm>>
      %dma_wait3A_216 = tpu.memref_slice %arg5[%add3A_212] : memref<4194304xf32, #tpu.memory_space<hbm>> -> memref<8192xf32, #tpu.memory_space<hbm>>
      tpu.wait_dma2 semaphore(%arg27 : memref<!tpu.dma_semaphore, #tpu.memory_space<semaphore_mem>>) src(%dma_wait3A_216 : memref<8192xf32, #tpu.memory_space<hbm>>) dst(%arg14 : memref<8192xf32, #tpu.memory_space<vmem>>)
      %add3A_217 = arith.constant 4 : i32
      %add3A_218 = arith.addi %add3A_209, %add3A_217 : i32
      %sub3A_219 = arith.constant 1 : i32
      %sub3A_220 = arith.subi %add3A_218, %sub3A_219 : i32
      %lt3A_221 = arith.constant 16 : i32
      %lt3A_222 = arith.cmpi slt, %sub3A_220, %lt3A_221 : i32
      %convert_element_type3A_223 = arith.extui %lt3A_222 : i1 to i32
      %cond3A_224 = arith.constant 0 : i32
      %cond3A_225 = arith.cmpi ne, %convert_element_type3A_223, %cond3A_224 : i32
      scf.if %cond3A_225 {
        %add3A_258 = arith.constant 4 : i32
        %add3A_259 = arith.addi %add3A_209, %add3A_258 : i32
        %sub3A_260 = arith.constant 1 : i32
        %sub3A_261 = arith.subi %add3A_259, %sub3A_260 : i32
        %mul3A_262 = arith.constant 8192 : i32
        %mul3A_263 = arith.muli %sub3A_261, %mul3A_262 : i32
        %add3A_264 = arith.addi %mul3A_2, %mul3A_263 : i32
        %dma_start3A_265 = tpu.memref_slice %arg4[%add3A_264] : memref<4194304xf32, #tpu.memory_space<hbm>> -> memref<8192xf32, #tpu.memory_space<hbm>>
        %dma_start3A_266 = tpu.memref_slice %arg4[%add3A_264] : memref<4194304xf32, #tpu.memory_space<hbm>> -> memref<8192xf32, #tpu.memory_space<hbm>>
        tpu.enqueue_dma source(%dma_start3A_266 : memref<8192xf32, #tpu.memory_space<hbm>>) target(%arg11 : memref<8192xf32, #tpu.memory_space<vmem>>) target_semaphore(%arg24 : memref<!tpu.dma_semaphore, #tpu.memory_space<semaphore_mem>>)
        %dma_start3A_267 = tpu.memref_slice %arg5[%add3A_264] : memref<4194304xf32, #tpu.memory_space<hbm>> -> memref<8192xf32, #tpu.memory_space<hbm>>
        %dma_start3A_268 = tpu.memref_slice %arg5[%add3A_264] : memref<4194304xf32, #tpu.memory_space<hbm>> -> memref<8192xf32, #tpu.memory_space<hbm>>
        tpu.enqueue_dma source(%dma_start3A_268 : memref<8192xf32, #tpu.memory_space<hbm>>) target(%arg12 : memref<8192xf32, #tpu.memory_space<vmem>>) target_semaphore(%arg25 : memref<!tpu.dma_semaphore, #tpu.memory_space<semaphore_mem>>)
      } else {
      }
      %scan3A_226 = arith.constant 0 : i32
      %scan3A_227 = arith.constant 64 : i32
      %scan3A_228 = arith.addi %scan3A_226, %scan3A_227 : i32
      %scan3A_229 = arith.constant 1 : i32
      %scan3A_230:3 = scf.for %scan3A_258 = %scan3A_226 to %scan3A_228 step %scan3A_229 iter_args(%scan3A_259 = %scan3A_204#0, %scan3A_260 = %scan3A_204#1, %scan3A_261 = %scan3A_204#2) -> (vector<16xf32>, vector<16xf32>, vector<16xf32>)  : i32 {
        %mul3A_262 = arith.constant 8 : i32
        %mul3A_263 = arith.muli %scan3A_258, %mul3A_262 : i32
        %add3A_264 = arith.addf %broadcast_in_dim3A_3, %broadcast_in_dim3A_3 : vector<16xf32>
        %add3A_265 = arith.addf %broadcast_in_dim3A_3, %broadcast_in_dim3A_3 : vector<16xf32>
        %add3A_266 = arith.addf %broadcast_in_dim3A_3, %broadcast_in_dim3A_3 : vector<16xf32>
        %add3A_267 = arith.addf %broadcast_in_dim3A_3, %broadcast_in_dim3A_3 : vector<16xf32>
        %add3A_268 = arith.addf %add3A_264, %add3A_265 : vector<16xf32>
        %add3A_269 = arith.addf %add3A_266, %add3A_267 : vector<16xf32>
        %add3A_270 = arith.addf %add3A_268, %add3A_269 : vector<16xf32>
        %add3A_271 = arith.addf %scan3A_259, %add3A_270 : vector<16xf32>
        %add3A_272 = arith.addf %broadcast_in_dim3A_3, %broadcast_in_dim3A_3 : vector<16xf32>
        %add3A_273 = arith.addf %broadcast_in_dim3A_3, %broadcast_in_dim3A_3 : vector<16xf32>
        %add3A_274 = arith.addf %broadcast_in_dim3A_3, %broadcast_in_dim3A_3 : vector<16xf32>
        %add3A_275 = arith.addf %broadcast_in_dim3A_3, %broadcast_in_dim3A_3 : vector<16xf32>
        %add3A_276 = arith.addf %add3A_272, %add3A_273 : vector<16xf32>
        %add3A_277 = arith.addf %add3A_274, %add3A_275 : vector<16xf32>
        %add3A_278 = arith.addf %add3A_276, %add3A_277 : vector<16xf32>
        %add3A_279 = arith.addf %scan3A_260, %add3A_278 : vector<16xf32>
        %add3A_280 = arith.addf %broadcast_in_dim3A_3, %broadcast_in_dim3A_3 : vector<16xf32>
        %add3A_281 = arith.addf %broadcast_in_dim3A_3, %broadcast_in_dim3A_3 : vector<16xf32>
        %add3A_282 = arith.addf %broadcast_in_dim3A_3, %broadcast_in_dim3A_3 : vector<16xf32>
        %add3A_283 = arith.addf %broadcast_in_dim3A_3, %broadcast_in_dim3A_3 : vector<16xf32>
        %add3A_284 = arith.addf %add3A_280, %add3A_281 : vector<16xf32>
        %add3A_285 = arith.addf %add3A_282, %add3A_283 : vector<16xf32>
        %add3A_286 = arith.addf %add3A_284, %add3A_285 : vector<16xf32>
        %add3A_287 = arith.addf %scan3A_261, %add3A_286 : vector<16xf32>
        scf.yield %add3A_271, %add3A_279, %add3A_287 : vector<16xf32>, vector<16xf32>, vector<16xf32>
      }
      %scan3A_231 = arith.constant 64 : i32
      %mul3A_232 = arith.constant 4 : i32
      %mul3A_233 = arith.muli %scan3A_154, %mul3A_232 : i32
      %add3A_234 = arith.constant 3 : i32
      %add3A_235 = arith.addi %mul3A_233, %add3A_234 : i32
      %mul3A_236 = arith.constant 8192 : i32
      %mul3A_237 = arith.muli %add3A_235, %mul3A_236 : i32
      %add3A_238 = arith.addi %mul3A_2, %mul3A_237 : i32
      %dma_wait3A_239 = tpu.memref_slice %arg4[%add3A_238] : memref<4194304xf32, #tpu.memory_space<hbm>> -> memref<8192xf32, #tpu.memory_space<hbm>>
      %dma_wait3A_240 = tpu.memref_slice %arg4[%add3A_238] : memref<4194304xf32, #tpu.memory_space<hbm>> -> memref<8192xf32, #tpu.memory_space<hbm>>
      tpu.wait_dma2 semaphore(%arg28 : memref<!tpu.dma_semaphore, #tpu.memory_space<semaphore_mem>>) src(%dma_wait3A_240 : memref<8192xf32, #tpu.memory_space<hbm>>) dst(%arg15 : memref<8192xf32, #tpu.memory_space<vmem>>)
      %dma_wait3A_241 = tpu.memref_slice %arg5[%add3A_238] : memref<4194304xf32, #tpu.memory_space<hbm>> -> memref<8192xf32, #tpu.memory_space<hbm>>
      %dma_wait3A_242 = tpu.memref_slice %arg5[%add3A_238] : memref<4194304xf32, #tpu.memory_space<hbm>> -> memref<8192xf32, #tpu.memory_space<hbm>>
      tpu.wait_dma2 semaphore(%arg29 : memref<!tpu.dma_semaphore, #tpu.memory_space<semaphore_mem>>) src(%dma_wait3A_242 : memref<8192xf32, #tpu.memory_space<hbm>>) dst(%arg16 : memref<8192xf32, #tpu.memory_space<vmem>>)
      %add3A_243 = arith.constant 4 : i32
      %add3A_244 = arith.addi %add3A_235, %add3A_243 : i32
      %sub3A_245 = arith.constant 1 : i32
      %sub3A_246 = arith.subi %add3A_244, %sub3A_245 : i32
      %lt3A_247 = arith.constant 16 : i32
      %lt3A_248 = arith.cmpi slt, %sub3A_246, %lt3A_247 : i32
      %convert_element_type3A_249 = arith.extui %lt3A_248 : i1 to i32
      %cond3A_250 = arith.constant 0 : i32
      %cond3A_251 = arith.cmpi ne, %convert_element_type3A_249, %cond3A_250 : i32
      scf.if %cond3A_251 {
        %add3A_258 = arith.constant 4 : i32
        %add3A_259 = arith.addi %add3A_235, %add3A_258 : i32
        %sub3A_260 = arith.constant 1 : i32
        %sub3A_261 = arith.subi %add3A_259, %sub3A_260 : i32
        %mul3A_262 = arith.constant 8192 : i32
        %mul3A_263 = arith.muli %sub3A_261, %mul3A_262 : i32
        %add3A_264 = arith.addi %mul3A_2, %mul3A_263 : i32
        %dma_start3A_265 = tpu.memref_slice %arg4[%add3A_264] : memref<4194304xf32, #tpu.memory_space<hbm>> -> memref<8192xf32, #tpu.memory_space<hbm>>
        %dma_start3A_266 = tpu.memref_slice %arg4[%add3A_264] : memref<4194304xf32, #tpu.memory_space<hbm>> -> memref<8192xf32, #tpu.memory_space<hbm>>
        tpu.enqueue_dma source(%dma_start3A_266 : memref<8192xf32, #tpu.memory_space<hbm>>) target(%arg13 : memref<8192xf32, #tpu.memory_space<vmem>>) target_semaphore(%arg26 : memref<!tpu.dma_semaphore, #tpu.memory_space<semaphore_mem>>)
        %dma_start3A_267 = tpu.memref_slice %arg5[%add3A_264] : memref<4194304xf32, #tpu.memory_space<hbm>> -> memref<8192xf32, #tpu.memory_space<hbm>>
        %dma_start3A_268 = tpu.memref_slice %arg5[%add3A_264] : memref<4194304xf32, #tpu.memory_space<hbm>> -> memref<8192xf32, #tpu.memory_space<hbm>>
        tpu.enqueue_dma source(%dma_start3A_268 : memref<8192xf32, #tpu.memory_space<hbm>>) target(%arg14 : memref<8192xf32, #tpu.memory_space<vmem>>) target_semaphore(%arg27 : memref<!tpu.dma_semaphore, #tpu.memory_space<semaphore_mem>>)
      } else {
      }
      %scan3A_252 = arith.constant 0 : i32
      %scan3A_253 = arith.constant 64 : i32
      %scan3A_254 = arith.addi %scan3A_252, %scan3A_253 : i32
      %scan3A_255 = arith.constant 1 : i32
      %scan3A_256:3 = scf.for %scan3A_258 = %scan3A_252 to %scan3A_254 step %scan3A_255 iter_args(%scan3A_259 = %scan3A_230#0, %scan3A_260 = %scan3A_230#1, %scan3A_261 = %scan3A_230#2) -> (vector<16xf32>, vector<16xf32>, vector<16xf32>)  : i32 {
        %mul3A_262 = arith.constant 8 : i32
        %mul3A_263 = arith.muli %scan3A_258, %mul3A_262 : i32
        %add3A_264 = arith.addf %broadcast_in_dim3A_3, %broadcast_in_dim3A_3 : vector<16xf32>
        %add3A_265 = arith.addf %broadcast_in_dim3A_3, %broadcast_in_dim3A_3 : vector<16xf32>
        %add3A_266 = arith.addf %broadcast_in_dim3A_3, %broadcast_in_dim3A_3 : vector<16xf32>
        %add3A_267 = arith.addf %broadcast_in_dim3A_3, %broadcast_in_dim3A_3 : vector<16xf32>
        %add3A_268 = arith.addf %add3A_264, %add3A_265 : vector<16xf32>
        %add3A_269 = arith.addf %add3A_266, %add3A_267 : vector<16xf32>
        %add3A_270 = arith.addf %add3A_268, %add3A_269 : vector<16xf32>
        %add3A_271 = arith.addf %scan3A_259, %add3A_270 : vector<16xf32>
        %add3A_272 = arith.addf %broadcast_in_dim3A_3, %broadcast_in_dim3A_3 : vector<16xf32>
        %add3A_273 = arith.addf %broadcast_in_dim3A_3, %broadcast_in_dim3A_3 : vector<16xf32>
        %add3A_274 = arith.addf %broadcast_in_dim3A_3, %broadcast_in_dim3A_3 : vector<16xf32>
        %add3A_275 = arith.addf %broadcast_in_dim3A_3, %broadcast_in_dim3A_3 : vector<16xf32>
        %add3A_276 = arith.addf %add3A_272, %add3A_273 : vector<16xf32>
        %add3A_277 = arith.addf %add3A_274, %add3A_275 : vector<16xf32>
        %add3A_278 = arith.addf %add3A_276, %add3A_277 : vector<16xf32>
        %add3A_279 = arith.addf %scan3A_260, %add3A_278 : vector<16xf32>
        %add3A_280 = arith.addf %broadcast_in_dim3A_3, %broadcast_in_dim3A_3 : vector<16xf32>
        %add3A_281 = arith.addf %broadcast_in_dim3A_3, %broadcast_in_dim3A_3 : vector<16xf32>
        %add3A_282 = arith.addf %broadcast_in_dim3A_3, %broadcast_in_dim3A_3 : vector<16xf32>
        %add3A_283 = arith.addf %broadcast_in_dim3A_3, %broadcast_in_dim3A_3 : vector<16xf32>
        %add3A_284 = arith.addf %add3A_280, %add3A_281 : vector<16xf32>
        %add3A_285 = arith.addf %add3A_282, %add3A_283 : vector<16xf32>
        %add3A_286 = arith.addf %add3A_284, %add3A_285 : vector<16xf32>
        %add3A_287 = arith.addf %scan3A_261, %add3A_286 : vector<16xf32>
        scf.yield %add3A_271, %add3A_279, %add3A_287 : vector<16xf32>, vector<16xf32>, vector<16xf32>
      }
      %scan3A_257 = arith.constant 64 : i32
      scf.yield %scan3A_256#0, %scan3A_256#1, %scan3A_256#2 : vector<16xf32>, vector<16xf32>, vector<16xf32>
    }
    %scan3A_106 = arith.constant 4 : i32
    %scan3A_107 = arith.constant 0 : i32
    %scan3A_108 = arith.constant 0 : i32
    %scan3A_109 = arith.constant 32 : i32
    %scan3A_110 = arith.addi %scan3A_108, %scan3A_109 : i32
    %scan3A_111 = arith.constant 1 : i32
    %scan3A_112 = scf.for %scan3A_154 = %scan3A_108 to %scan3A_110 step %scan3A_111 iter_args(%scan3A_155 = %scan3A_107) -> (i32)  : i32 {
      %mul3A_156 = arith.constant 16 : i32
      %mul3A_157 = arith.muli %scan3A_154, %mul3A_156 : i32
      %add3A_158 = arith.constant 0 : i32
      %add3A_159 = arith.addi %add3A_158, %mul3A_157 : i32
      %get3A = arith.index_cast %add3A_159 : i32 to index
      %get3A_160 = tpu.vector_load %arg17[%get3A] {strides = array<i32>} : memref<8192xf32, #tpu.memory_space<vmem>>, vector<16xf32>,
      %add3A_161 = arith.addf %broadcast_in_dim3A_5, %get3A_160 : vector<16xf32>
      %mul3A_162 = arith.constant 16 : i32
      %mul3A_163 = arith.muli %scan3A_154, %mul3A_162 : i32
      %add3A_164 = arith.constant 0 : i32
      %add3A_165 = arith.addi %add3A_164, %mul3A_163 : i32
      %get3A_166 = arith.index_cast %add3A_165 : i32 to index
      %get3A_167 = tpu.vector_load %arg18[%get3A_166] {strides = array<i32>} : memref<8192xf32, #tpu.memory_space<vmem>>, vector<16xf32>,
      %add3A_168 = arith.addf %broadcast_in_dim3A_5, %get3A_167 : vector<16xf32>
      %mul3A_169 = arith.constant 16 : i32
      %mul3A_170 = arith.muli %scan3A_154, %mul3A_169 : i32
      %add3A_171 = arith.constant 512 : i32
      %add3A_172 = arith.addi %add3A_171, %mul3A_170 : i32
      %get3A_173 = arith.index_cast %add3A_172 : i32 to index
      %get3A_174 = tpu.vector_load %arg17[%get3A_173] {strides = array<i32>} : memref<8192xf32, #tpu.memory_space<vmem>>, vector<16xf32>,
      %add3A_175 = arith.addf %add3A_161, %get3A_174 : vector<16xf32>
      %mul3A_176 = arith.constant 16 : i32
      %mul3A_177 = arith.muli %scan3A_154, %mul3A_176 : i32
      %add3A_178 = arith.constant 512 : i32
      %add3A_179 = arith.addi %add3A_178, %mul3A_177 : i32
      %get3A_180 = arith.index_cast %add3A_179 : i32 to index
      %get3A_181 = tpu.vector_load %arg18[%get3A_180] {strides = array<i32>} : memref<8192xf32, #tpu.memory_space<vmem>>, vector<16xf32>,
      %add3A_182 = arith.addf %add3A_168, %get3A_181 : vector<16xf32>
      %mul3A_183 = arith.constant 16 : i32
      %mul3A_184 = arith.muli %scan3A_154, %mul3A_183 : i32
      %add3A_185 = arith.constant 1024 : i32
      %add3A_186 = arith.addi %add3A_185, %mul3A_184 : i32
      %get3A_187 = arith.index_cast %add3A_186 : i32 to index
      %get3A_188 = tpu.vector_load %arg17[%get3A_187] {strides = array<i32>} : memref<8192xf32, #tpu.memory_space<vmem>>, vector<16xf32>,
      %add3A_189 = arith.addf %add3A_175, %get3A_188 : vector<16xf32>
      %mul3A_190 = arith.constant 16 : i32
      %mul3A_191 = arith.muli %scan3A_154, %mul3A_190 : i32
      %add3A_192 = arith.constant 1024 : i32
      %add3A_193 = arith.addi %add3A_192, %mul3A_191 : i32
      %get3A_194 = arith.index_cast %add3A_193 : i32 to index
      %get3A_195 = tpu.vector_load %arg18[%get3A_194] {strides = array<i32>} : memref<8192xf32, #tpu.memory_space<vmem>>, vector<16xf32>,
      %add3A_196 = arith.addf %add3A_182, %get3A_195 : vector<16xf32>
      %mul3A_197 = arith.constant 16 : i32
      %mul3A_198 = arith.muli %scan3A_154, %mul3A_197 : i32
      %add3A_199 = arith.constant 1536 : i32
      %add3A_200 = arith.addi %add3A_199, %mul3A_198 : i32
      %get3A_201 = arith.index_cast %add3A_200 : i32 to index
      %get3A_202 = tpu.vector_load %arg17[%get3A_201] {strides = array<i32>} : memref<8192xf32, #tpu.memory_space<vmem>>, vector<16xf32>,
      %add3A_203 = arith.addf %add3A_189, %get3A_202 : vector<16xf32>
      %mul3A_204 = arith.constant 16 : i32
      %mul3A_205 = arith.muli %scan3A_154, %mul3A_204 : i32
      %add3A_206 = arith.constant 1536 : i32
      %add3A_207 = arith.addi %add3A_206, %mul3A_205 : i32
      %get3A_208 = arith.index_cast %add3A_207 : i32 to index
      %get3A_209 = tpu.vector_load %arg18[%get3A_208] {strides = array<i32>} : memref<8192xf32, #tpu.memory_space<vmem>>, vector<16xf32>,
      %add3A_210 = arith.addf %add3A_196, %get3A_209 : vector<16xf32>
      %mul3A_211 = arith.constant 16 : i32
      %mul3A_212 = arith.muli %scan3A_154, %mul3A_211 : i32
      %add3A_213 = arith.constant 2048 : i32
      %add3A_214 = arith.addi %add3A_213, %mul3A_212 : i32
      %get3A_215 = arith.index_cast %add3A_214 : i32 to index
      %get3A_216 = tpu.vector_load %arg17[%get3A_215] {strides = array<i32>} : memref<8192xf32, #tpu.memory_space<vmem>>, vector<16xf32>,
      %add3A_217 = arith.addf %add3A_203, %get3A_216 : vector<16xf32>
      %mul3A_218 = arith.constant 16 : i32
      %mul3A_219 = arith.muli %scan3A_154, %mul3A_218 : i32
      %add3A_220 = arith.constant 2048 : i32
      %add3A_221 = arith.addi %add3A_220, %mul3A_219 : i32
      %get3A_222 = arith.index_cast %add3A_221 : i32 to index
      %get3A_223 = tpu.vector_load %arg18[%get3A_222] {strides = array<i32>} : memref<8192xf32, #tpu.memory_space<vmem>>, vector<16xf32>,
      %add3A_224 = arith.addf %add3A_210, %get3A_223 : vector<16xf32>
      %mul3A_225 = arith.constant 16 : i32
      %mul3A_226 = arith.muli %scan3A_154, %mul3A_225 : i32
      %add3A_227 = arith.constant 2560 : i32
      %add3A_228 = arith.addi %add3A_227, %mul3A_226 : i32
      %get3A_229 = arith.index_cast %add3A_228 : i32 to index
      %get3A_230 = tpu.vector_load %arg17[%get3A_229] {strides = array<i32>} : memref<8192xf32, #tpu.memory_space<vmem>>, vector<16xf32>,
      %add3A_231 = arith.addf %add3A_217, %get3A_230 : vector<16xf32>
      %mul3A_232 = arith.constant 16 : i32
      %mul3A_233 = arith.muli %scan3A_154, %mul3A_232 : i32
      %add3A_234 = arith.constant 2560 : i32
      %add3A_235 = arith.addi %add3A_234, %mul3A_233 : i32
      %get3A_236 = arith.index_cast %add3A_235 : i32 to index
      %get3A_237 = tpu.vector_load %arg18[%get3A_236] {strides = array<i32>} : memref<8192xf32, #tpu.memory_space<vmem>>, vector<16xf32>,
      %add3A_238 = arith.addf %add3A_224, %get3A_237 : vector<16xf32>
      %mul3A_239 = arith.constant 16 : i32
      %mul3A_240 = arith.muli %scan3A_154, %mul3A_239 : i32
      %add3A_241 = arith.constant 3072 : i32
      %add3A_242 = arith.addi %add3A_241, %mul3A_240 : i32
      %get3A_243 = arith.index_cast %add3A_242 : i32 to index
      %get3A_244 = tpu.vector_load %arg17[%get3A_243] {strides = array<i32>} : memref<8192xf32, #tpu.memory_space<vmem>>, vector<16xf32>,
      %add3A_245 = arith.addf %add3A_231, %get3A_244 : vector<16xf32>
      %mul3A_246 = arith.constant 16 : i32
      %mul3A_247 = arith.muli %scan3A_154, %mul3A_246 : i32
      %add3A_248 = arith.constant 3072 : i32
      %add3A_249 = arith.addi %add3A_248, %mul3A_247 : i32
      %get3A_250 = arith.index_cast %add3A_249 : i32 to index
      %get3A_251 = tpu.vector_load %arg18[%get3A_250] {strides = array<i32>} : memref<8192xf32, #tpu.memory_space<vmem>>, vector<16xf32>,
      %add3A_252 = arith.addf %add3A_238, %get3A_251 : vector<16xf32>
      %mul3A_253 = arith.constant 16 : i32
      %mul3A_254 = arith.muli %scan3A_154, %mul3A_253 : i32
      %add3A_255 = arith.constant 3584 : i32
      %add3A_256 = arith.addi %add3A_255, %mul3A_254 : i32
      %get3A_257 = arith.index_cast %add3A_256 : i32 to index
      %get3A_258 = tpu.vector_load %arg17[%get3A_257] {strides = array<i32>} : memref<8192xf32, #tpu.memory_space<vmem>>, vector<16xf32>,
      %add3A_259 = arith.addf %add3A_245, %get3A_258 : vector<16xf32>
      %mul3A_260 = arith.constant 16 : i32
      %mul3A_261 = arith.muli %scan3A_154, %mul3A_260 : i32
      %add3A_262 = arith.constant 3584 : i32
      %add3A_263 = arith.addi %add3A_262, %mul3A_261 : i32
      %get3A_264 = arith.index_cast %add3A_263 : i32 to index
      %get3A_265 = tpu.vector_load %arg18[%get3A_264] {strides = array<i32>} : memref<8192xf32, #tpu.memory_space<vmem>>, vector<16xf32>,
      %add3A_266 = arith.addf %add3A_252, %get3A_265 : vector<16xf32>
      %mul3A_267 = arith.constant 16 : i32
      %mul3A_268 = arith.muli %scan3A_154, %mul3A_267 : i32
      %add3A_269 = arith.constant 4096 : i32
      %add3A_270 = arith.addi %add3A_269, %mul3A_268 : i32
      %get3A_271 = arith.index_cast %add3A_270 : i32 to index
      %get3A_272 = tpu.vector_load %arg17[%get3A_271] {strides = array<i32>} : memref<8192xf32, #tpu.memory_space<vmem>>, vector<16xf32>,
      %add3A_273 = arith.addf %add3A_259, %get3A_272 : vector<16xf32>
      %mul3A_274 = arith.constant 16 : i32
      %mul3A_275 = arith.muli %scan3A_154, %mul3A_274 : i32
      %add3A_276 = arith.constant 4096 : i32
      %add3A_277 = arith.addi %add3A_276, %mul3A_275 : i32
      %get3A_278 = arith.index_cast %add3A_277 : i32 to index
      %get3A_279 = tpu.vector_load %arg18[%get3A_278] {strides = array<i32>} : memref<8192xf32, #tpu.memory_space<vmem>>, vector<16xf32>,
      %add3A_280 = arith.addf %add3A_266, %get3A_279 : vector<16xf32>
      %mul3A_281 = arith.constant 16 : i32
      %mul3A_282 = arith.muli %scan3A_154, %mul3A_281 : i32
      %add3A_283 = arith.constant 4608 : i32
      %add3A_284 = arith.addi %add3A_283, %mul3A_282 : i32
      %get3A_285 = arith.index_cast %add3A_284 : i32 to index
      %get3A_286 = tpu.vector_load %arg17[%get3A_285] {strides = array<i32>} : memref<8192xf32, #tpu.memory_space<vmem>>, vector<16xf32>,
      %add3A_287 = arith.addf %add3A_273, %get3A_286 : vector<16xf32>
      %mul3A_288 = arith.constant 16 : i32
      %mul3A_289 = arith.muli %scan3A_154, %mul3A_288 : i32
      %add3A_290 = arith.constant 4608 : i32
      %add3A_291 = arith.addi %add3A_290, %mul3A_289 : i32
      %get3A_292 = arith.index_cast %add3A_291 : i32 to index
      %get3A_293 = tpu.vector_load %arg18[%get3A_292] {strides = array<i32>} : memref<8192xf32, #tpu.memory_space<vmem>>, vector<16xf32>,
      %add3A_294 = arith.addf %add3A_280, %get3A_293 : vector<16xf32>
      %mul3A_295 = arith.constant 16 : i32
      %mul3A_296 = arith.muli %scan3A_154, %mul3A_295 : i32
      %add3A_297 = arith.constant 5120 : i32
      %add3A_298 = arith.addi %add3A_297, %mul3A_296 : i32
      %get3A_299 = arith.index_cast %add3A_298 : i32 to index
      %get3A_300 = tpu.vector_load %arg17[%get3A_299] {strides = array<i32>} : memref<8192xf32, #tpu.memory_space<vmem>>, vector<16xf32>,
      %add3A_301 = arith.addf %add3A_287, %get3A_300 : vector<16xf32>
      %mul3A_302 = arith.constant 16 : i32
      %mul3A_303 = arith.muli %scan3A_154, %mul3A_302 : i32
      %add3A_304 = arith.constant 5120 : i32
      %add3A_305 = arith.addi %add3A_304, %mul3A_303 : i32
      %get3A_306 = arith.index_cast %add3A_305 : i32 to index
      %get3A_307 = tpu.vector_load %arg18[%get3A_306] {strides = array<i32>} : memref<8192xf32, #tpu.memory_space<vmem>>, vector<16xf32>,
      %add3A_308 = arith.addf %add3A_294, %get3A_307 : vector<16xf32>
      %mul3A_309 = arith.constant 16 : i32
      %mul3A_310 = arith.muli %scan3A_154, %mul3A_309 : i32
      %add3A_311 = arith.constant 5632 : i32
      %add3A_312 = arith.addi %add3A_311, %mul3A_310 : i32
      %get3A_313 = arith.index_cast %add3A_312 : i32 to index
      %get3A_314 = tpu.vector_load %arg17[%get3A_313] {strides = array<i32>} : memref<8192xf32, #tpu.memory_space<vmem>>, vector<16xf32>,
      %add3A_315 = arith.addf %add3A_301, %get3A_314 : vector<16xf32>
      %mul3A_316 = arith.constant 16 : i32
      %mul3A_317 = arith.muli %scan3A_154, %mul3A_316 : i32
      %add3A_318 = arith.constant 5632 : i32
      %add3A_319 = arith.addi %add3A_318, %mul3A_317 : i32
      %get3A_320 = arith.index_cast %add3A_319 : i32 to index
      %get3A_321 = tpu.vector_load %arg18[%get3A_320] {strides = array<i32>} : memref<8192xf32, #tpu.memory_space<vmem>>, vector<16xf32>,
      %add3A_322 = arith.addf %add3A_308, %get3A_321 : vector<16xf32>
      %mul3A_323 = arith.constant 16 : i32
      %mul3A_324 = arith.muli %scan3A_154, %mul3A_323 : i32
      %add3A_325 = arith.constant 6144 : i32
      %add3A_326 = arith.addi %add3A_325, %mul3A_324 : i32
      %get3A_327 = arith.index_cast %add3A_326 : i32 to index
      %get3A_328 = tpu.vector_load %arg17[%get3A_327] {strides = array<i32>} : memref<8192xf32, #tpu.memory_space<vmem>>, vector<16xf32>,
      %add3A_329 = arith.addf %add3A_315, %get3A_328 : vector<16xf32>
      %mul3A_330 = arith.constant 16 : i32
      %mul3A_331 = arith.muli %scan3A_154, %mul3A_330 : i32
      %add3A_332 = arith.constant 6144 : i32
      %add3A_333 = arith.addi %add3A_332, %mul3A_331 : i32
      %get3A_334 = arith.index_cast %add3A_333 : i32 to index
      %get3A_335 = tpu.vector_load %arg18[%get3A_334] {strides = array<i32>} : memref<8192xf32, #tpu.memory_space<vmem>>, vector<16xf32>,
      %add3A_336 = arith.addf %add3A_322, %get3A_335 : vector<16xf32>
      %mul3A_337 = arith.constant 16 : i32
      %mul3A_338 = arith.muli %scan3A_154, %mul3A_337 : i32
      %add3A_339 = arith.constant 6656 : i32
      %add3A_340 = arith.addi %add3A_339, %mul3A_338 : i32
      %get3A_341 = arith.index_cast %add3A_340 : i32 to index
      %get3A_342 = tpu.vector_load %arg17[%get3A_341] {strides = array<i32>} : memref<8192xf32, #tpu.memory_space<vmem>>, vector<16xf32>,
      %add3A_343 = arith.addf %add3A_329, %get3A_342 : vector<16xf32>
      %mul3A_344 = arith.constant 16 : i32
      %mul3A_345 = arith.muli %scan3A_154, %mul3A_344 : i32
      %add3A_346 = arith.constant 6656 : i32
      %add3A_347 = arith.addi %add3A_346, %mul3A_345 : i32
      %get3A_348 = arith.index_cast %add3A_347 : i32 to index
      %get3A_349 = tpu.vector_load %arg18[%get3A_348] {strides = array<i32>} : memref<8192xf32, #tpu.memory_space<vmem>>, vector<16xf32>,
      %add3A_350 = arith.addf %add3A_336, %get3A_349 : vector<16xf32>
      %mul3A_351 = arith.constant 16 : i32
      %mul3A_352 = arith.muli %scan3A_154, %mul3A_351 : i32
      %add3A_353 = arith.constant 7168 : i32
      %add3A_354 = arith.addi %add3A_353, %mul3A_352 : i32
      %get3A_355 = arith.index_cast %add3A_354 : i32 to index
      %get3A_356 = tpu.vector_load %arg17[%get3A_355] {strides = array<i32>} : memref<8192xf32, #tpu.memory_space<vmem>>, vector<16xf32>,
      %add3A_357 = arith.addf %add3A_343, %get3A_356 : vector<16xf32>
      %mul3A_358 = arith.constant 16 : i32
      %mul3A_359 = arith.muli %scan3A_154, %mul3A_358 : i32
      %add3A_360 = arith.constant 7168 : i32
      %add3A_361 = arith.addi %add3A_360, %mul3A_359 : i32
      %get3A_362 = arith.index_cast %add3A_361 : i32 to index
      %get3A_363 = tpu.vector_load %arg18[%get3A_362] {strides = array<i32>} : memref<8192xf32, #tpu.memory_space<vmem>>, vector<16xf32>,
      %add3A_364 = arith.addf %add3A_350, %get3A_363 : vector<16xf32>
      %mul3A_365 = arith.constant 16 : i32
      %mul3A_366 = arith.muli %scan3A_154, %mul3A_365 : i32
      %add3A_367 = arith.constant 7680 : i32
      %add3A_368 = arith.addi %add3A_367, %mul3A_366 : i32
      %get3A_369 = arith.index_cast %add3A_368 : i32 to index
      %get3A_370 = tpu.vector_load %arg17[%get3A_369] {strides = array<i32>} : memref<8192xf32, #tpu.memory_space<vmem>>, vector<16xf32>,
      %add3A_371 = arith.addf %add3A_357, %get3A_370 : vector<16xf32>
      %mul3A_372 = arith.constant 16 : i32
      %mul3A_373 = arith.muli %scan3A_154, %mul3A_372 : i32
      %add3A_374 = arith.constant 7680 : i32
      %add3A_375 = arith.addi %add3A_374, %mul3A_373 : i32
      %get3A_376 = arith.index_cast %add3A_375 : i32 to index
      %get3A_377 = tpu.vector_load %arg18[%get3A_376] {strides = array<i32>} : memref<8192xf32, #tpu.memory_space<vmem>>, vector<16xf32>,
      %add3A_378 = arith.addf %add3A_364, %get3A_377 : vector<16xf32>
      %mul3A_379 = arith.constant 16 : i32
      %mul3A_380 = arith.muli %scan3A_154, %mul3A_379 : i32
      %swap3A_381 = arith.index_cast %mul3A_380 : i32 to index
      %swap3A_382 = tpu.vector_load %arg19[%swap3A_381] {strides = array<i32>} : memref<512xf32, #tpu.memory_space<vmem>>, vector<16xf32>,
      tpu.vector_store %arg19[%swap3A_381], %add3A_371 {strides = array<i32>} : memref<512xf32, #tpu.memory_space<vmem>>, vector<16xf32>,
      %mul3A_383 = arith.constant 16 : i32
      %mul3A_384 = arith.muli %scan3A_154, %mul3A_383 : i32
      %swap3A_385 = arith.index_cast %mul3A_384 : i32 to index
      %swap3A_386 = tpu.vector_load %arg20[%swap3A_385] {strides = array<i32>} : memref<512xf32, #tpu.memory_space<vmem>>, vector<16xf32>,
      tpu.vector_store %arg20[%swap3A_385], %add3A_378 {strides = array<i32>} : memref<512xf32, #tpu.memory_space<vmem>>, vector<16xf32>,
      %scan3A_387 = arith.constant 0 : i32
      scf.yield %scan3A_387 : i32
    }
    %scan3A_113 = arith.constant 32 : i32
    %reduce_sum3A_114 = arith.constant true
    %reduce_sum3A_115 = vector.broadcast %reduce_sum3A_114 : i1 to vector<16xi1>
    %reduce_sum3A_116 = tpu.scan <sum>, %scan3A_105#0 masked %reduce_sum3A_115 : vector<16xf32>, vector<16xi1> -> vector<16xf32>
    %reduce_sum3A_117 = vector.extract %reduce_sum3A_116[15] : f32 from vector<16xf32>
    %reduce_sum3A_118 = arith.constant true
    %reduce_sum3A_119 = vector.broadcast %reduce_sum3A_118 : i1 to vector<16xi1>
    %reduce_sum3A_120 = tpu.scan <sum>, %scan3A_105#1 masked %reduce_sum3A_119 : vector<16xf32>, vector<16xi1> -> vector<16xf32>
    %reduce_sum3A_121 = vector.extract %reduce_sum3A_120[15] : f32 from vector<16xf32>
    %reduce_sum3A_122 = arith.constant true
    %reduce_sum3A_123 = vector.broadcast %reduce_sum3A_122 : i1 to vector<16xi1>
    %reduce_sum3A_124 = tpu.scan <sum>, %scan3A_105#2 masked %reduce_sum3A_123 : vector<16xf32>, vector<16xi1> -> vector<16xf32>
    %reduce_sum3A_125 = vector.extract %reduce_sum3A_124[15] : f32 from vector<16xf32>
    %sub3A_126 = arith.subf %reduce_sum3A_125, %reduce_sum3A_121 : f32
    %eq3A_127 = arith.constant 0 : i32
    %eq3A_128 = vector.broadcast %eq3A_127 : i32 to vector<16xi32>
    %eq3A_129 = arith.cmpi eq, %iota3A, %eq3A_128 : vector<16xi32>
    %jit3A_130 = arith.constant 0.000000e+00 : f32
    %broadcast_in_dim3A_131 = vector.broadcast %reduce_sum3A_117 : f32 to vector<16xf32>
    %broadcast_in_dim3A_132 = vector.broadcast %jit3A_130 : f32 to vector<16xf32>
    %select_n3A_133 = arith.select %eq3A_129, %broadcast_in_dim3A_131, %broadcast_in_dim3A_132 : vector<16xi1>, vector<16xf32>
    %eq3A_134 = arith.constant 1 : i32
    %eq3A_135 = vector.broadcast %eq3A_134 : i32 to vector<16xi32>
    %eq3A_136 = arith.cmpi eq, %iota3A, %eq3A_135 : vector<16xi32>
    %jit3A_137 = arith.constant 0.000000e+00 : f32
    %broadcast_in_dim3A_138 = vector.broadcast %reduce_sum3A_121 : f32 to vector<16xf32>
    %broadcast_in_dim3A_139 = vector.broadcast %jit3A_137 : f32 to vector<16xf32>
    %select_n3A_140 = arith.select %eq3A_136, %broadcast_in_dim3A_138, %broadcast_in_dim3A_139 : vector<16xi1>, vector<16xf32>
    %add3A_141 = arith.addf %select_n3A_133, %select_n3A_140 : vector<16xf32>
    %eq3A_142 = arith.constant 2 : i32
    %eq3A_143 = vector.broadcast %eq3A_142 : i32 to vector<16xi32>
    %eq3A_144 = arith.cmpi eq, %iota3A, %eq3A_143 : vector<16xi32>
    %jit3A_145 = arith.constant 0.000000e+00 : f32
    %broadcast_in_dim3A_146 = vector.broadcast %sub3A_126 : f32 to vector<16xf32>
    %broadcast_in_dim3A_147 = vector.broadcast %jit3A_145 : f32 to vector<16xf32>
    %select_n3A_148 = arith.select %eq3A_144, %broadcast_in_dim3A_146, %broadcast_in_dim3A_147 : vector<16xi1>, vector<16xf32>
    %add3A_149 = arith.addf %add3A_141, %select_n3A_148 : vector<16xf32>
    %swap3A_150 = arith.constant 0 : index
    %swap3A_151 = tpu.vector_load %arg21[%swap3A_150] {strides = array<i32>} : memref<16xf32, #tpu.memory_space<vmem>>, vector<16xf32>,
    tpu.vector_store %arg21[%swap3A_150], %add3A_149 {strides = array<i32>} : memref<16xf32, #tpu.memory_space<vmem>>, vector<16xf32>,
    %add3A_152 = arith.constant 32 : i32
    %add3A_153 = arith.addi %add3A_152, %add3A : i32
    "tpu.region"() ({
      %run_scoped3A = tpu.sem_alloc : memref<!tpu.dma_semaphore, #tpu.memory_space<semaphore_mem>>
      %dma_start3A_154 = arith.constant 0 : i32
      %dma_start3A_155 = tpu.memref_slice %arg6[%add3A_153, %dma_start3A_154] : memref<64x512xf32, #tpu.memory_space<hbm>> -> memref<1x512xf32, #tpu.memory_space<hbm>>
      %dma_start3A_156 = tpu.memref_squeeze %dma_start3A_155 : memref<1x512xf32, #tpu.memory_space<hbm>> -> memref<512xf32, #tpu.memory_space<hbm>>
      %dma_start3A_157 = arith.constant 0 : i32
      %dma_start3A_158 = tpu.memref_slice %arg6[%add3A_153, %dma_start3A_157] : memref<64x512xf32, #tpu.memory_space<hbm>> -> memref<1x512xf32, #tpu.memory_space<hbm>>
      %dma_start3A_159 = tpu.memref_squeeze %dma_start3A_158 : memref<1x512xf32, #tpu.memory_space<hbm>> -> memref<512xf32, #tpu.memory_space<hbm>>
      tpu.enqueue_dma source(%arg19 : memref<512xf32, #tpu.memory_space<vmem>>) target(%dma_start3A_159 : memref<512xf32, #tpu.memory_space<hbm>>) target_semaphore(%run_scoped3A : memref<!tpu.dma_semaphore, #tpu.memory_space<semaphore_mem>>)
      %dma_wait3A = arith.constant 0 : i32
      %dma_wait3A_160 = tpu.memref_slice %arg6[%add3A_153, %dma_wait3A] : memref<64x512xf32, #tpu.memory_space<hbm>> -> memref<1x512xf32, #tpu.memory_space<hbm>>
      %dma_wait3A_161 = tpu.memref_squeeze %dma_wait3A_160 : memref<1x512xf32, #tpu.memory_space<hbm>> -> memref<512xf32, #tpu.memory_space<hbm>>
      %dma_wait3A_162 = arith.constant 0 : i32
      %dma_wait3A_163 = tpu.memref_slice %arg6[%add3A_153, %dma_wait3A_162] : memref<64x512xf32, #tpu.memory_space<hbm>> -> memref<1x512xf32, #tpu.memory_space<hbm>>
      %dma_wait3A_164 = tpu.memref_squeeze %dma_wait3A_163 : memref<1x512xf32, #tpu.memory_space<hbm>> -> memref<512xf32, #tpu.memory_space<hbm>>
      tpu.wait_dma2 semaphore(%run_scoped3A : memref<!tpu.dma_semaphore, #tpu.memory_space<semaphore_mem>>) src(%arg19 : memref<512xf32, #tpu.memory_space<vmem>>) dst(%dma_wait3A_164 : memref<512xf32, #tpu.memory_space<hbm>>)
      tpu.yield
    }) : () -> ()
    "tpu.region"() ({
      %run_scoped3A = tpu.sem_alloc : memref<!tpu.dma_semaphore, #tpu.memory_space<semaphore_mem>>
      %dma_start3A_154 = arith.constant 0 : i32
      %dma_start3A_155 = tpu.memref_slice %arg7[%add3A_153, %dma_start3A_154] : memref<64x512xf32, #tpu.memory_space<hbm>> -> memref<1x512xf32, #tpu.memory_space<hbm>>
      %dma_start3A_156 = tpu.memref_squeeze %dma_start3A_155 : memref<1x512xf32, #tpu.memory_space<hbm>> -> memref<512xf32, #tpu.memory_space<hbm>>
      %dma_start3A_157 = arith.constant 0 : i32
      %dma_start3A_158 = tpu.memref_slice %arg7[%add3A_153, %dma_start3A_157] : memref<64x512xf32, #tpu.memory_space<hbm>> -> memref<1x512xf32, #tpu.memory_space<hbm>>
      %dma_start3A_159 = tpu.memref_squeeze %dma_start3A_158 : memref<1x512xf32, #tpu.memory_space<hbm>> -> memref<512xf32, #tpu.memory_space<hbm>>
      tpu.enqueue_dma source(%arg20 : memref<512xf32, #tpu.memory_space<vmem>>) target(%dma_start3A_159 : memref<512xf32, #tpu.memory_space<hbm>>) target_semaphore(%run_scoped3A : memref<!tpu.dma_semaphore, #tpu.memory_space<semaphore_mem>>)
      %dma_wait3A = arith.constant 0 : i32
      %dma_wait3A_160 = tpu.memref_slice %arg7[%add3A_153, %dma_wait3A] : memref<64x512xf32, #tpu.memory_space<hbm>> -> memref<1x512xf32, #tpu.memory_space<hbm>>
      %dma_wait3A_161 = tpu.memref_squeeze %dma_wait3A_160 : memref<1x512xf32, #tpu.memory_space<hbm>> -> memref<512xf32, #tpu.memory_space<hbm>>
      %dma_wait3A_162 = arith.constant 0 : i32
      %dma_wait3A_163 = tpu.memref_slice %arg7[%add3A_153, %dma_wait3A_162] : memref<64x512xf32, #tpu.memory_space<hbm>> -> memref<1x512xf32, #tpu.memory_space<hbm>>
      %dma_wait3A_164 = tpu.memref_squeeze %dma_wait3A_163 : memref<1x512xf32, #tpu.memory_space<hbm>> -> memref<512xf32, #tpu.memory_space<hbm>>
      tpu.wait_dma2 semaphore(%run_scoped3A : memref<!tpu.dma_semaphore, #tpu.memory_space<semaphore_mem>>) src(%arg20 : memref<512xf32, #tpu.memory_space<vmem>>) dst(%dma_wait3A_164 : memref<512xf32, #tpu.memory_space<hbm>>)
      tpu.yield
    }) : () -> ()
    "tpu.region"() ({
      %run_scoped3A = tpu.sem_alloc : memref<!tpu.dma_semaphore, #tpu.memory_space<semaphore_mem>>
      %dma_start3A_154 = arith.constant 0 : i32
      %dma_start3A_155 = tpu.memref_slice %arg8[%add3A_153, %dma_start3A_154] : memref<64x16xf32, #tpu.memory_space<hbm>> -> memref<1x16xf32, #tpu.memory_space<hbm>>
      %dma_start3A_156 = tpu.memref_squeeze %dma_start3A_155 : memref<1x16xf32, #tpu.memory_space<hbm>> -> memref<16xf32, #tpu.memory_space<hbm>>
      %dma_start3A_157 = arith.constant 0 : i32
      %dma_start3A_158 = tpu.memref_slice %arg8[%add3A_153, %dma_start3A_157] : memref<64x16xf32, #tpu.memory_space<hbm>> -> memref<1x16xf32, #tpu.memory_space<hbm>>
      %dma_start3A_159 = tpu.memref_squeeze %dma_start3A_158 : memref<1x16xf32, #tpu.memory_space<hbm>> -> memref<16xf32, #tpu.memory_space<hbm>>
      tpu.enqueue_dma source(%arg21 : memref<16xf32, #tpu.memory_space<vmem>>) target(%dma_start3A_159 : memref<16xf32, #tpu.memory_space<hbm>>) target_semaphore(%run_scoped3A : memref<!tpu.dma_semaphore, #tpu.memory_space<semaphore_mem>>)
      %dma_wait3A = arith.constant 0 : i32
      %dma_wait3A_160 = tpu.memref_slice %arg8[%add3A_153, %dma_wait3A] : memref<64x16xf32, #tpu.memory_space<hbm>> -> memref<1x16xf32, #tpu.memory_space<hbm>>
      %dma_wait3A_161 = tpu.memref_squeeze %dma_wait3A_160 : memref<1x16xf32, #tpu.memory_space<hbm>> -> memref<16xf32, #tpu.memory_space<hbm>>
      %dma_wait3A_162 = arith.constant 0 : i32
      %dma_wait3A_163 = tpu.memref_slice %arg8[%add3A_153, %dma_wait3A_162] : memref<64x16xf32, #tpu.memory_space<hbm>> -> memref<1x16xf32, #tpu.memory_space<hbm>>
      %dma_wait3A_164 = tpu.memref_squeeze %dma_wait3A_163 : memref<1x16xf32, #tpu.memory_space<hbm>> -> memref<16xf32, #tpu.memory_space<hbm>>
      tpu.wait_dma2 semaphore(%run_scoped3A : memref<!tpu.dma_semaphore, #tpu.memory_space<semaphore_mem>>) src(%arg21 : memref<16xf32, #tpu.memory_space<vmem>>) dst(%dma_wait3A_164 : memref<16xf32, #tpu.memory_space<hbm>>)
      tpu.yield
    }) : () -> ()
    return
  }
}

</mosaic_0001>

<sc_bundles>
// kernel: kernel.3.cloned.1.call-start
scs
__scs_entry_jumppad:
0x0: {  	(pc) =	sbr.rel $0x88, $3  }
0x1: {  	(tag) =	ssettag $0x0;
	lr =	simm.s32 $0x1  }
0x2: {  	[smem:$0x3F9D] =	sst lr;
	_ =	strace $0xD0000000  }
0x3: {  	_ = 	snop  }
0x4: {  	_ = 	snop  }
0x5: {  	_ = 	snop  }
0x6: {  	_ = 	snop  }
0x7: {  	_ = 	snop  }
__scs_overlays_trampoline_lowered:
0x8: {  	[smem:$0x3FAC] =	sst s0  }
0x9: {  	[smem:$0x3FAD] =	sst s1  }
0xa: {  	[smem:$0x3FAE] =	sst s2  }
0xb: {  	[smem:$0x3FAF] =	sst s3  }
0xc: {  	[smem:$0x3FB0] =	sst s4  }
0xd: {  	[smem:$0x3FB1] =	sst s5  }
0xe: {  	[smem:$0x3FB2] =	sst s6  }
0xf: {  	[smem:$0x3FB3] =	sst s7  }
0x10: {  	[smem:$0x3FB4] =	sst s8  }
0x11: {  	[smem:$0x3FB5] =	sst s9;
	s0 =	simm.s32 @!p0 $0x0  }
0x12: {  	s1 =	sld [smem:$0x3F9B];
	s0 =	simm.s32 @p0 $0x1  }
0x13: {  	[smem:$0x3FB6] =	sst s0;
	s0 =	simm.s32 @!p1 $0x0  }
0x14: {  	s2 =	sld [smem:$0x3F9A];
	s0 =	simm.s32 @p1 $0x1  }
0x15: {  	[smem:$0x3FB7] =	sst s0;
	s0 =	simm.s32 @!p2 $0x0  }
0x16: {  	s3 =	sld [smem:$0x3FDB];
	s0 =	simm.s32 @p2 $0x1  }
0x17: {  	s4 =	simm.s32 $0x1BF5;
	[smem:$0x3FB9] =	sst s0  }
0x18: {  	s0 =	sld [smem:$0x3F9C];
	_ =	swait.ge [sflag:s4], $0x0  }
0x19: {  	s7 =	sld [smem:$0x3F9D]  }
0x1a: {  	s8 =	sadd.s32 $0xFFFFE003, lr  }
0x1b: {  	s9 =	sadd.s32 $0xFFFFFEF7, lr;
	s5 =	simm.s32 $0xFFFFFFFF;
	p2 =	slt.u32 s8, $0xFFFFF086  }
0x1c: {  	p1 =	slt.u32 s9, $0xF7A;
	s5 =	simm.s32 @!p2 $0x0  }
0x1d: {  	s5 =	simm.s32 @p1 $0x1;
	p0 =	seq.s32 s7, s2  }
0x1e: {  	s7 =	smul.u32 @!p0 $0xF7A, s2;
	p2 =	seq.s32 @!p0 s5, $0x0  }
0x1f: {  	s9 =	smul.u32 $0xF7A, s1;
	s8 =	simm.s32 @!p0 $0x1BF5;
	p2 =	por !p2, p0  }
0x20: {  	[sflag:s8] =	ssyncset.s32 @!p0 $0xFFFFF086;
	s6 =	sadd.s32 @!p0 s3, s7;
	s7 =	simm.s32 @!p0 $0x108  }
0x21: {  	s3 =	sadd.s32 s3, s9;
	s6 =	sadd.s32 @!p0 $0x88, s6;
	s7 =	simm.s32 @p2 $0x1082  }
0x22: {  	[simem:s7], [sflag:s8] =	dma.local @!p0 [hbm:s6], $0xF7A  }
0x23: {  	s9 =	sor.u32 $0xD0000000, s2;
	s6 =	simm.s32 $0x108;
	_ =	swait.ge @!p0 [sflag:s8], $0x0  }
0x24: {  	s3 =	sadd.s32 $0x88, s3;
	s6 =	simm.s32 @!p1 $0x1082;
	[sflag:s4] =	ssyncset.s32 $0xFFFFF086  }
0x25: {  	[simem:s6], [sflag:s4] =	dma.local [hbm:s3], $0xF7A  }
0x26: {  	[smem:$0x3F9D] =	sst s1;
	(tag) =	ssettag s2;
	_ =	strace s9  }
0x27: {  	s1 =	sld [smem:$0x3FAD]  }
0x28: {  	s2 =	sld [smem:$0x3FAE]  }
0x29: {  	s4 =	sld [smem:$0x3FB0]  }
0x2a: {  	p0 =	seq.s32 s5, $0x0;
	s5 =	sld [smem:$0x3FB1]  }
0x2b: {  	s6 =	sld [smem:$0x3FB2]  }
0x2c: {  	s7 =	sld [smem:$0x3FB3]  }
0x2d: {  	s3 =	simm.s32 $0x108;
	s8 =	sld [smem:$0x3FB4]  }
0x2e: {  	s3 =	simm.s32 @!p0 $0x1082;
	s9 =	sld [smem:$0x3FB5]  }
0x2f: {  	lr =	sadd.s32 s0, s3;
	s0 =	sld [smem:$0x3FAC]  }
0x30: {  	s3 =	sld [smem:$0x3FAF]  }
0x31: {  	[smem:$0x3FB8] =	sst s10  }
0x32: {  	s10 =	sld [smem:$0x3FB6];
	_ =	sdelay $0x3  }
0x33: {  	p0 =	seq.s32 s10, $0x1;
	s10 =	sld [smem:$0x3FB8];
	_ =	sdelay $0x3  }
0x34: {  	[smem:$0x3FB8] =	sst s10  }
0x35: {  	s10 =	sld [smem:$0x3FB7];
	_ =	sdelay $0x3  }
0x36: {  	p1 =	seq.s32 s10, $0x1;
	s10 =	sld [smem:$0x3FB8];
	_ =	sdelay $0x3  }
0x37: {  	[smem:$0x3FB8] =	sst s10  }
0x38: {  	s10 =	sld [smem:$0x3FB9]  }
0x39: {  	_ = 	snop;
	(pc) =	sbr.ind lr, $3  }
0x3a: {  	_ = 	snop  }
0x3b: {  	_ = 	snop  }
0x3c: {  	p2 =	seq.s32 s10, $0x1;
	s10 =	sld [smem:$0x3FB8]  }
0x3d: {  	_ =	shalt  }
0x3e: {  	_ =	shalt  }
0x3f: {  	_ =	shalt  }
0x40: {  	_ =	shalt  }
0x41: {  	_ =	shalt  }
0x42: {  	_ =	shalt  }
0x43: {  	_ =	shalt  }
0x44: {  	_ =	shalt  }
0x45: {  	_ =	shalt  }
0x46: {  	_ =	shalt  }
0x47: {  	_ =	shalt  }
0x48: {  	_ =	shalt  }
0x49: {  	_ =	shalt  }
0x4a: {  	_ =	shalt  }
0x4b: {  	_ =	shalt  }
0x4c: {  	_ =	shalt  }
0x4d: {  	_ =	shalt  }
0x4e: {  	_ =	shalt  }
0x4f: {  	_ =	shalt  }
0x50: {  	_ =	shalt  }
0x51: {  	_ =	shalt  }
0x52: {  	_ =	shalt  }
0x53: {  	_ =	shalt  }
0x54: {  	_ =	shalt  }
0x55: {  	_ =	shalt  }
0x56: {  	_ =	shalt  }
0x57: {  	_ =	shalt  }
0x58: {  	_ =	shalt  }
0x59: {  	_ =	shalt  }
0x5a: {  	_ =	shalt  }
0x5b: {  	_ =	shalt  }
0x5c: {  	_ =	shalt  }
0x5d: {  	_ =	shalt  }
0x5e: {  	_ =	shalt  }
0x5f: {  	_ =	shalt  }
0x60: {  	_ =	shalt  }
0x61: {  	_ =	shalt  }
0x62: {  	_ =	shalt  }
0x63: {  	_ =	shalt  }
0x64: {  	_ =	shalt  }
0x65: {  	_ =	shalt  }
0x66: {  	_ =	shalt  }
0x67: {  	_ =	shalt  }
0x68: {  	_ =	shalt  }
0x69: {  	_ =	shalt  }
0x6a: {  	_ =	shalt  }
0x6b: {  	_ =	shalt  }
0x6c: {  	_ =	shalt  }
0x6d: {  	_ =	shalt  }
0x6e: {  	_ =	shalt  }
0x6f: {  	_ =	shalt  }
0x70: {  	_ =	shalt  }
0x71: {  	_ =	shalt  }
0x72: {  	_ =	shalt  }
0x73: {  	_ =	shalt  }
0x74: {  	_ =	shalt  }
0x75: {  	_ =	shalt  }
0x76: {  	_ =	shalt  }
0x77: {  	_ =	shalt  }
0x78: {  	_ =	shalt  }
0x79: {  	_ =	shalt  }
0x7a: {  	_ =	shalt  }
0x7b: {  	_ =	shalt  }
0x7c: {  	_ =	shalt  }
0x7d: {  	_ =	shalt  }
0x7e: {  	_ =	shalt  }
0x7f: {  	_ =	shalt  }
0x80: {  	_ =	shalt  }
0x81: {  	_ =	shalt  }
0x82: {  	_ =	shalt  }
0x83: {  	_ =	shalt  }
0x84: {  	_ =	shalt  }
0x85: {  	_ =	shalt  }
0x86: {  	_ =	shalt  }
0x87: {  	_ =	shalt  }
.Lfunc_end0:
.L_simem_size_0:
called_computation_lowered:
.L_overlay_start_0:
0x88: {  	s2 =	sld [smem:$0x3FD9]  }
0x89: {  	s3 =	sld [smem:$0x3FFE];
	_ =	sdelay $0x1  }
0x8a: {  	s1 =	srdreg.scid  }
0x8b: {  	s0 =	sand.u32 $0x1, s1  }
0x8c: {  	s16 =	sshll.u32 s0, $0xA;
	s2 =	sadd.s32 s3, s2  }
0x8d: {  	s2 =	sadd.s32 s2, s16  }
0x8e: {  	[smem:$0x3FC4] =	sst s2  }
0x8f: {  	_ = 	snop  }
0x90: {  	(tm) =	ssettm $0x1  }
0x91: {  	s17 =	sld [smem:$0x3FFB];
	_ =	sdelay $0x3  }
0x92: {  	_ =	strace s17  }
0x93: {  	s2 =	sld [smem:$0x3FFC];
	_ =	sdelay $0x3  }
0x94: {  	_ =	strace s2  }
0x95: {  	s2 =	sld [smem:$0x3FFD];
	_ =	sdelay $0x3  }
0x96: {  	_ =	strace s2  }
0x97: {  	_ =	strace $0x8FFFFFFF  }
0x98: {  	s18 =	sld [smem:$0x3FDB];
	_ =	sdelay $0x1  }
0x99: {  	s19 =	simm.s32 $_scs_section_size  }
0x9a: {  	s4 =	simm.s32 $_size__tile_overlayer_lowered;
	s5 =	simm.s32 $_tile_overlayer_lowered  }
0x9b: {  	s22 =	simm.s32 $0x1BFF;
	s21 =	sshll.u32 s5, $0x1;
	s2 =	sadd.s32 s19, s18  }
0x9c: {  	s6 =	simm.s32 $0x0;
	s20 =	sshll.u32 s4, $0x1;
	s4 =	sadd.s32 s21, s2  }
0x9d: {  	[timem:s6], [sflag:s22] =	dma.local [hbm:s4], s20  }
0x9e: {  	_ =	swait.ge [sflag:s22], s20  }
0x9f: {  	s3 =	ssub.s32 $0x0, s20;
	[sflag:s22] =	ssyncset.done $0x0  }
0xa0: {  	[sflag:s22] =	ssyncadd.s32 s3;
	_ =	sdelay $0x1  }
0xa1: {  	s23 =	simm.s32 $0x1B8B  }
0xa2: {  	_ =	swait.ge [sflag:s23], $0x1  }
0xa3: {  	[sflag:s23] =	ssyncset.done $0x0  }
0xa4: {  	s25 =	simm.s32 $0x1B8E;
	s24 =	sld [smem:$0x3FFE];
	[sflag:s23] =	ssyncadd.s32 $0xFFFFFFFF  }
0xa5: {  	s26 =	simm.s32 $execute0_lowered;
	[smem:$0x3FD2] =	sst s25  }
0xa6: {  	s4 =	sshll.u32 s26, $0x1;
	_ =	strace $0x80000046;
	[dreg:$0x1] =	wrdreg $0xFFFFFFFF  }
0xa7: {  	s28 =	simm.s32 $_size_execute0_lowered;
	s2 =	sadd.s32 s2, s4;
	[dreg:$0x0] =	wrdreg $0x0  }
0xa8: {  	s4 =	sshll.u32 s28, $0x1;
	[dreg:$0x2] =	wrdreg s2  }
0xa9: {  	[dreg:$0x3] =	wrdreg s4  }
0xaa: {  	[dreg:$0x4] =	wrdreg $0xC0  }
0xab: {  	_ =	task [dreg:s6], $0x5FFFF  }
0xac: {  	[dreg:$0x1] =	wrdreg $0xFFFFFFFF  }
0xad: {  	[dreg:$0x0] =	wrdreg $0x60  }
0xae: {  	[dreg:$0x2] =	wrdreg s24  }
0xaf: {  	[dreg:$0x3] =	wrdreg $0x9  }
0xb0: {  	_ =	task.clear_ibuf [dreg:s6], $0x4FFFF;
	_ =	strace $0x90000046  }
0xb1: {  	s29 =	simm.s32 $0x9;
	_ =	strace $0x80000048  }
0xb2: {  	_ =	swait.ge [sflag:s29], $0x1  }
0xb3: {  	[sflag:s29] =	ssyncadd.s32 $0xFFFFFFFF  }
0xb4: {  	_ =	strace $0x90000048  }
0xb5: {  	_ =	sfence  }
0xb6: {  	s30 =	sld [smem:$0x0];
	_ =	sdelay $0x2  }
0xb7: {  	s31 =	sshll.u32 s1, $0xD;
	s1 =	sshrl.u32 s1, $0x2  }
0xb8: {  	s3 =	sand.u32 $0x4000, s31;
	s1 =	sadd.s32 s1, s30  }
0xb9: {  	s0 =	sor.u32 s3, s0;
	s1 =	sshll.u32 s1, $0x11  }
0xba: {  	s0 =	sor.u32 s1, s0  }
0xbb: {  	s0 =	sadd.s32 $0x8F2B, s0  }
0xbc: {  	[sflag:s0] =	ssyncadd.remote.s32 $0x1  }
0xbd: {  	_ =	sfence.sel $0xFFFF  }
0xbe: {  	[dreg:$0x0] =	wrdreg $0xFFFFFFFF;
	(pc) =	sbr.abs _section_cstart, $3  }
0xbf: {  	[dreg:$0x1] =	wrdreg $0xFFFFFFFF  }
0xc0: {  	_ =	task.clear_ibuf [dreg:s6], $0x2FFFF;
	_ =	strace $0x9FFFFFFF  }
0xc1: {  	(tm) =	ssettm $0x7FFFFFFF  }
tec
execute0_lowered:
.L_overlay_start_1:
0x0: {  	(tag) =	ssettag $0x1  }
0x1: {  	s0 =	rddreg [dreg:$0x0];
	s1 =	simm.s32 $0x0;
	s3 =	srdreg.scid  }
0x2: {  	s14 =	stileid.u32;
	s31 =	simm.s32 $0x4;
	[smem:$0x7FF] =	sst s1  }
0x3: {  	s2 =	sadd.s32 $0x1A00, s0;
	s4 =	sadd.s32 $0x81A00, s0;
	s5 =	sadd.s32 $0x101A00, s0  }
0x4: {  	s6 =	sadd.s32 $0x181A00, s0;
	s3 =	sand.u32 $0x1, s3;
	s8 =	sadd.s32 $0x202E00, s0  }
0x5: {  	s9 =	sshll.u32 s14, $0x1;
	s10 =	sadd.s32 $0x201E00, s0;
	s0 =	sadd.s32 $0x201A00, s0  }
0x6: {  	s14 =	sshrl.u32 s14, $0x2;
	_ =	strace $0x80000047;
	s7 =	ssub.s32 $0x2, s3  }
0x7: {  	s3 =	sor.u32 s3, s9;
	s24 =	sshll.u32 s14, $0xC;
	s25 =	sor.u32 $0x4, s14  }
0x8: {  	s14 =	sshll.u32 s14, $0xA;
	s11 =	sshrl.u32 s7, $0x1;
	s21 =	sshll.u32 s3, $0xE  }
0x9: {  	s17 =	sshll.u32 s25, $0xC;
	s9 =	ssub.s32 s7, s11;
	s7 =	sshll.u32 s3, $0x11  }
0xa: {  	s12 =	sadd.s32 s2, s21;
	s13 =	sadd.s32 s4, s21;
	s3 =	sshll.u32 s3, $0x7  }
0xb: {  	s20 =	sadd.s32 s5, s21;
	s11 =	simm.s32 $0x2;
	[dreg:$0x2] =	wrdreg s12  }
0xc: {  	s12 =	sor.u32 $0x400, s21;
	[dreg:$0x3] =	wrdreg s13;
	s13 =	sor.u32 $0x800, s21  }
0xd: {  	s3 =	sand.u32 $0x380, s3;
	[dreg:$0xd] =	wrdreg s20;
	s21 =	sadd.s32 s6, s21  }
0xe: {  	s28 =	sor.u32 $0x8000, s7;
	s29 =	sor.u32 $0xA000, s7;
	s30 =	sor.u32 $0xC000, s7  }
0xf: {  	s20 =	simm.s32 $0x14400;
	s22 =	sadd.s32 s2, s12;
	[dreg:$0xe] =	wrdreg s21  }
0x10: {  	s23 =	sadd.s32 s4, s12;
	s15 =	sadd.s32 s2, s13;
	[dreg:$0x4] =	wrdreg s22  }
0x11: {  	s16 =	sadd.s32 s4, s13;
	s14 =	sor.u32 s14, s3;
	[dreg:$0x5] =	wrdreg s23  }
0x12: {  	s17 =	sor.u32 s17, s3;
	s21 =	simm.s32 $0x0;
	[dreg:$0x6] =	wrdreg s15  }
0x13: {  	[dreg:$0x7] =	wrdreg s16;
	s15 =	sor.u32 s24, s3;
	s16 =	sshll.u32 s25, $0xA  }
0x14: {  	s14 =	sshrl.u32 s14, $0x3;
	s18 =	sshrl.u32 s17, $0x3;
	s22 =	sadd.s32 s5, s12  }
0x15: {  	s23 =	sadd.s32 s6, s12;
	s24 =	sadd.s32 s5, s13;
	s25 =	sadd.s32 s6, s13  }
0x16: {  	s12 =	simm.s32 $0xC000;
	s13 =	simm.s32 $0xE000;
	[dreg:$0x10] =	wrdreg s22  }
0x17: {  	s17 =	simm.s32 $0x400;
	s15 =	sshrl.u32 s15, $0x3;
	[dreg:$0x11] =	wrdreg s23  }
0x18: {  	s3 =	sor.u32 s16, s3;
	s14 =	sadd.s32 s0, s14;
	[dreg:$0x12] =	wrdreg s24  }
0x19: {  	s19 =	sadd.s32 s10, s18;
	[dreg:$0x13] =	wrdreg s25;
	s16 =	simm.s32 $0x7  }
0x1a: {  	s26 =	sadd.s32 s8, s15;
	s15 =	sadd.s32 s10, s15;
	[dreg:$0xa] =	wrdreg s14  }
0x1b: {  	s8 =	sadd.s32 s8, s18;
	[dreg:$0xc] =	wrdreg s19;
	s3 =	sshrl.u32 s3, $0x3  }
0x1c: {  	s10 =	simm.s32 $0x1;
	s14 =	simm.s32 $0x3;
	[dreg:$0x8] =	wrdreg s26  }
0x1d: {  	s18 =	simm.s32 $0x9;
	s19 =	simm.s32 $0x14200;
	[dreg:$0x9] =	wrdreg s15  }
0x1e: {  	[dreg:$0xb] =	wrdreg s8;
	s0 =	sadd.s32 s0, s3;
	s26 =	smax.u32 s9, $0x1  }
0x1f: {  	v0 =	vimm.f32 $0.0e+00;
	s15 =	simm.s32 $0x5;
	s3 =	simm.s32 $0x8;
	[dreg:$0xf] =	wrdreg s0  }
0x20: {  	vm0 =	vmmov $0x1;
	vm1 =	vcmask $0x704;
	vm2 =	vcmask $0xB08;
	s8 =	simm.s32 $0x80;
	[dreg:$0x14] =	wrdreg s26;
	s0 =	simm.s32 $0x6  }
.LBB2_1:
0x21: {  	s22 =	simm.s32 $0xFFFFFE00;
	s23 =	simm.s32 $0xFFFFF840  }
.LBB2_2:
0x22: {  	p0 =	sne.s32 s23, $0xFFFFFFC0;
	[tilespmem:s22+$0x14000] =	vst v0  }
0x23: {  	[tilespmem:s22+$0x10200] =	vst v0  }
0x24: {  	[tilespmem:s22+$0x12200] =	vst v0  }
0x25: {  	[tilespmem:s22+$0x10400] =	vst v0  }
0x26: {  	[tilespmem:s22+$0x12400] =	vst v0  }
0x27: {  	[tilespmem:s22+$0x10600] =	vst v0  }
0x28: {  	[tilespmem:s22+$0x12600] =	vst v0  }
0x29: {  	[tilespmem:s22+$0x10800] =	vst v0  }
0x2a: {  	[tilespmem:s22+$0x12800] =	vst v0  }
0x2b: {  	[tilespmem:s22+$0x10A00] =	vst v0  }
0x2c: {  	[tilespmem:s22+$0x12A00] =	vst v0  }
0x2d: {  	[tilespmem:s22+$0x10C00] =	vst v0  }
0x2e: {  	[tilespmem:s22+$0x12C00] =	vst v0  }
0x2f: {  	[tilespmem:s22+$0x10E00] =	vst v0  }
0x30: {  	[tilespmem:s22+$0x12E00] =	vst v0  }
0x31: {  	[tilespmem:s22+$0x11000] =	vst v0  }
0x32: {  	[tilespmem:s22+$0x13000] =	vst v0  }
0x33: {  	[tilespmem:s22+$0x11200] =	vst v0  }
0x34: {  	[tilespmem:s22+$0x13200] =	vst v0  }
0x35: {  	[tilespmem:s22+$0x11400] =	vst v0  }
0x36: {  	[tilespmem:s22+$0x13400] =	vst v0  }
0x37: {  	[tilespmem:s22+$0x11600] =	vst v0  }
0x38: {  	[tilespmem:s22+$0x13600] =	vst v0  }
0x39: {  	[tilespmem:s22+$0x11800] =	vst v0  }
0x3a: {  	[tilespmem:s22+$0x13800] =	vst v0  }
0x3b: {  	[tilespmem:s22+$0x11A00] =	vst v0  }
0x3c: {  	[tilespmem:s22+$0x13A00] =	vst v0  }
.Ltmp0:
0x3d: {  	[tilespmem:s22+$0x11C00] =	vst v0;
	(pc) =	sbr.rel @p0 .LBB2_2-.Ltmp0, $4  }
0x3e: {  	[tilespmem:s22+$0x13C00] =	vst v0  }
0x3f: {  	[tilespmem:s22+$0x11E00] =	vst v0  }
0x40: {  	[tilespmem:s22+$0x13E00] =	vst v0  }
0x41: {  	[tilespmem:s22+$0x12000] =	vst v0;
	s22 =	sshra.s32 s23, $0x2;
	s23 =	sadd.s32 $0x40, s23  }
0x42: {  	[tilespmem:s22+$0x14000] =	vst v0  }
0x43: {  	[tilespmem:s22+$0x10200] =	vst v0  }
0x44: {  	[tilespmem:s22+$0x12200] =	vst v0  }
0x45: {  	[tilespmem:s22+$0x10400] =	vst v0  }
0x46: {  	[tilespmem:s22+$0x12400] =	vst v0  }
0x47: {  	[tilespmem:s22+$0x10600] =	vst v0  }
0x48: {  	[tilespmem:s22+$0x12600] =	vst v0  }
0x49: {  	[tilespmem:s22+$0x10800] =	vst v0  }
0x4a: {  	[tilespmem:s22+$0x12800] =	vst v0  }
0x4b: {  	[tilespmem:s22+$0x10A00] =	vst v0  }
0x4c: {  	[tilespmem:s22+$0x12A00] =	vst v0  }
0x4d: {  	[tilespmem:s22+$0x10C00] =	vst v0  }
0x4e: {  	[tilespmem:s22+$0x12C00] =	vst v0  }
0x4f: {  	[tilespmem:s22+$0x10E00] =	vst v0  }
0x50: {  	[tilespmem:s22+$0x12E00] =	vst v0  }
0x51: {  	[tilespmem:s22+$0x11000] =	vst v0  }
0x52: {  	[tilespmem:s22+$0x13000] =	vst v0  }
0x53: {  	[tilespmem:s22+$0x11200] =	vst v0  }
0x54: {  	[tilespmem:s22+$0x13200] =	vst v0  }
0x55: {  	[tilespmem:s22+$0x11400] =	vst v0  }
0x56: {  	[tilespmem:s22+$0x13400] =	vst v0  }
0x57: {  	[tilespmem:s22+$0x11600] =	vst v0  }
0x58: {  	[tilespmem:s22+$0x13600] =	vst v0  }
0x59: {  	[tilespmem:s22+$0x11800] =	vst v0  }
0x5a: {  	[tilespmem:s22+$0x13800] =	vst v0  }
0x5b: {  	[tilespmem:s22+$0x11A00] =	vst v0  }
0x5c: {  	[tilespmem:s22+$0x13A00] =	vst v0  }
0x5d: {  	[tilespmem:s22+$0x11C00] =	vst v0  }
0x5e: {  	[tilespmem:s22+$0x13C00] =	vst v0  }
0x5f: {  	[tilespmem:s22+$0x11E00] =	vst v0  }
0x60: {  	[tilespmem:s22+$0x13E00] =	vst v0  }
0x61: {  	[tilespmem:s22+$0x12000] =	vst v0;
	s22 =	simm.s32 $0x0;
	s9 =	rddreg [dreg:$0x2]  }
0x62: {  	[tilespmem:s22], [sflag:$0x1] =	stream.linear.gather [hbm4b:s9+s22], $0x2000, $0x38;
	[tilespmem:$0x14480] =	vst v63  }
0x63: {  	s26 =	rddreg [dreg:$0x3];
	s23 =	simm.s32 $0x2000  }
0x64: {  	[tilespmem:s23], [sflag:$0x2] =	stream.linear.gather [hbm4b:s26+s22], $0x2000, $0x38;
	[tilespmem:$0x14480] =	vst v63  }
0x65: {  	s24 =	simm.s32 $0x4000;
	s23 =	rddreg [dreg:$0x4]  }
0x66: {  	[tilespmem:s24], [sflag:$0x3] =	stream.linear.gather [hbm4b:s23+s22], $0x2000, $0x38;
	[tilespmem:$0x14480] =	vst v63  }
0x67: {  	s25 =	rddreg [dreg:$0x5];
	s26 =	simm.s32 $0x6000  }
0x68: {  	[tilespmem:s26], [sflag:$0x4] =	stream.linear.gather [hbm4b:s25+s22], $0x2000, $0x38;
	[tilespmem:$0x14480] =	vst v63  }
0x69: {  	s23 =	rddreg [dreg:$0x6];
	s24 =	simm.s32 $0x8000  }
0x6a: {  	[tilespmem:s24], [sflag:$0x5] =	stream.linear.gather [hbm4b:s23+s22], $0x2000, $0x38;
	[tilespmem:$0x14480] =	vst v63  }
0x6b: {  	s25 =	rddreg [dreg:$0x7];
	s26 =	simm.s32 $0xA000  }
0x6c: {  	v1 =	vimm.f32 $0.0e+00;
	v2 =	vimm.f32 $0.0e+00;
	v3 =	vimm.f32 $0.0e+00;
	[tilespmem:s26], [sflag:$0x6] =	stream.linear.gather [hbm4b:s25+s22], $0x2000, $0x38;
	[tilespmem:$0x14480] =	vst v63  }
.LBB2_4:
0x6d: {  	_ =	swait.ge [sflag:s10], $0x2000  }
0x6e: {  	s23 =	sshll.u32 s22, $0xF;
	[sflag:s10] =	ssyncset.done $0x0  }
0x6f: {  	s24 =	sor.u32 s23, s7;
	[sflag:s10] =	ssyncadd.s32 $0xFFFFE000  }
0x70: {  	s24 =	sshrl.u32 s24, $0x3;
	_ =	swait.ge [sflag:s11], $0x2000  }
0x71: {  	s24 =	sor.u32 $0xC00, s24;
	[sflag:s11] =	ssyncset.done $0x0  }
0x72: {  	s25 =	sadd.s32 s2, s24;
	[sflag:s11] =	ssyncadd.s32 $0xFFFFE000  }
0x73: {  	[tilespmem:s12], [sflag:$0x7] =	stream.linear.gather [hbm4b:s25+s1], $0x2000, $0x38;
	[tilespmem:$0x14480] =	vst v63  }
0x74: {  	s24 =	sadd.s32 s4, s24  }
0x75: {  	[tilespmem:s13], [sflag:$0x8] =	stream.linear.gather [hbm4b:s24+s1], $0x2000, $0x38;
	[tilespmem:$0x14480] =	vst v63  }
0x76: {  	v3 =	vadd.f32 $8.000000000e+00, v3;
	s24 =	simm.s32 $0x3F  }
.LBB2_5:
0x77: {  	p0 =	sne.s32 s24, $0x1;
	s24 =	sadd.s32 $0xFFFFFFFF, s24;
	v2 =	vadd.f32 $8.000000000e+00, v2;
	v1 =	vadd.f32 $8.000000000e+00, v1  }
.Ltmp1:
0x78: {  	(pc) =	sbr.rel @p0 .LBB2_5-.Ltmp1, $2  }
0x79: {  	_ =	sdelay $0x2  }
0x7a: {  	v3 =	vadd.f32 $8.000000000e+00, v3  }
0x7b: {  	_ =	swait.ge [sflag:s14], $0x2000  }
0x7c: {  	[sflag:s14] =	ssyncset.done $0x0  }
0x7d: {  	p0 =	seq.s32 s22, $0x3;
	[sflag:s14] =	ssyncadd.s32 $0xFFFFE000  }
0x7e: {  	s24 =	sadd.s32 @!p0 s23, s28;
	_ =	swait.ge [sflag:s31], $0x2000  }
0x7f: {  	s24 =	sshrl.u32 @!p0 s24, $0x3;
	[sflag:s31] =	ssyncset.done $0x0  }
0x80: {  	s26 =	simm.s32 @!p0 $0x0;
	s25 =	sadd.s32 @!p0 s2, s24;
	[sflag:s31] =	ssyncadd.s32 $0xFFFFE000  }
0x81: {  	[tilespmem:s26], [sflag:$0x1] =	stream.linear.gather @!p0 [hbm4b:s25+s26], $0x2000, $0x38;
	[tilespmem:$0x14480] =	vst v63  }
0x82: {  	s24 =	sadd.s32 @!p0 s4, s24;
	s25 =	simm.s32 @!p0 $0x2000  }
0x83: {  	v2 =	vadd.f32 $8.000000000e+00, v2;
	v1 =	vadd.f32 $8.000000000e+00, v1;
	[tilespmem:s25], [sflag:$0x2] =	stream.linear.gather @!p0 [hbm4b:s24+s26], $0x2000, $0x38;
	[tilespmem:$0x14480] =	vst v63  }
0x84: {  	v3 =	vadd.f32 $8.000000000e+00, v3;
	s24 =	simm.s32 $0x3F  }
.LBB2_7:
0x85: {  	p1 =	sne.s32 s24, $0x1;
	s24 =	sadd.s32 $0xFFFFFFFF, s24;
	v2 =	vadd.f32 $8.000000000e+00, v2;
	v1 =	vadd.f32 $8.000000000e+00, v1  }
.Ltmp2:
0x86: {  	(pc) =	sbr.rel @p1 .LBB2_7-.Ltmp2, $2  }
0x87: {  	_ =	sdelay $0x2  }
0x88: {  	v3 =	vadd.f32 $8.000000000e+00, v3  }
0x89: {  	_ =	swait.ge [sflag:s15], $0x2000  }
0x8a: {  	[sflag:s15] =	ssyncset.done $0x0  }
0x8b: {  	[sflag:s15] =	ssyncadd.s32 $0xFFFFE000  }
0x8c: {  	s24 =	sadd.s32 @!p0 s23, s29;
	_ =	swait.ge [sflag:s0], $0x2000  }
0x8d: {  	s26 =	simm.s32 @!p0 $0x0;
	s24 =	sshrl.u32 @!p0 s24, $0x3;
	[sflag:s0] =	ssyncset.done $0x0  }
0x8e: {  	s9 =	simm.s32 @!p0 $0x4000;
	s25 =	sadd.s32 @!p0 s2, s24;
	[sflag:s0] =	ssyncadd.s32 $0xFFFFE000  }
0x8f: {  	[tilespmem:s9], [sflag:$0x3] =	stream.linear.gather @!p0 [hbm4b:s25+s26], $0x2000, $0x38;
	[tilespmem:$0x14480] =	vst v63  }
0x90: {  	s9 =	sadd.s32 @!p0 s4, s24;
	s24 =	simm.s32 @!p0 $0x6000  }
0x91: {  	v2 =	vadd.f32 $8.000000000e+00, v2;
	v1 =	vadd.f32 $8.000000000e+00, v1;
	[tilespmem:s24], [sflag:$0x4] =	stream.linear.gather @!p0 [hbm4b:s9+s26], $0x2000, $0x38;
	[tilespmem:$0x14480] =	vst v63  }
0x92: {  	v3 =	vadd.f32 $8.000000000e+00, v3;
	s24 =	simm.s32 $0x3F  }
.LBB2_9:
0x93: {  	p1 =	sne.s32 s24, $0x1;
	s24 =	sadd.s32 $0xFFFFFFFF, s24;
	v2 =	vadd.f32 $8.000000000e+00, v2;
	v1 =	vadd.f32 $8.000000000e+00, v1  }
.Ltmp3:
0x94: {  	(pc) =	sbr.rel @p1 .LBB2_9-.Ltmp3, $2  }
0x95: {  	_ =	sdelay $0x2  }
0x96: {  	v3 =	vadd.f32 $8.000000000e+00, v3  }
0x97: {  	_ =	swait.ge [sflag:s16], $0x2000  }
0x98: {  	[sflag:s16] =	ssyncset.done $0x0  }
0x99: {  	[sflag:s16] =	ssyncadd.s32 $0xFFFFE000  }
0x9a: {  	s9 =	sadd.s32 @!p0 s23, s30;
	_ =	swait.ge [sflag:s3], $0x2000  }
0x9b: {  	s24 =	simm.s32 @!p0 $0x0;
	s9 =	sshrl.u32 @!p0 s9, $0x3;
	[sflag:s3] =	ssyncset.done $0x0  }
0x9c: {  	s25 =	simm.s32 @!p0 $0x8000;
	s23 =	sadd.s32 @!p0 s2, s9;
	[sflag:s3] =	ssyncadd.s32 $0xFFFFE000  }
0x9d: {  	[tilespmem:s25], [sflag:$0x5] =	stream.linear.gather @!p0 [hbm4b:s23+s24], $0x2000, $0x38;
	[tilespmem:$0x14480] =	vst v63  }
0x9e: {  	s9 =	sadd.s32 @!p0 s4, s9;
	s23 =	simm.s32 @!p0 $0xA000  }
0x9f: {  	v2 =	vadd.f32 $8.000000000e+00, v2;
	v1 =	vadd.f32 $8.000000000e+00, v1;
	[tilespmem:s23], [sflag:$0x6] =	stream.linear.gather @!p0 [hbm4b:s9+s24], $0x2000, $0x38;
	[tilespmem:$0x14480] =	vst v63  }
0xa0: {  	v3 =	vadd.f32 $8.000000000e+00, v3;
	s23 =	simm.s32 $0x3F  }
.LBB2_11:
0xa1: {  	p0 =	sne.s32 s23, $0x1;
	s23 =	sadd.s32 $0xFFFFFFFF, s23;
	v2 =	vadd.f32 $8.000000000e+00, v2;
	v1 =	vadd.f32 $8.000000000e+00, v1  }
.Ltmp4:
0xa2: {  	(pc) =	sbr.rel @p0 .LBB2_11-.Ltmp4, $2  }
0xa3: {  	_ =	sdelay $0x2  }
0xa4: {  	v3 =	vadd.f32 $8.000000000e+00, v3  }
0xa5: {  	s22 =	sadd.s32 $0x1, s22  }
0xa6: {  	p0 =	sne.s32 s22, $0x4  }
.Ltmp5:
0xa7: {  	_ = 	snop;
	(pc) =	sbr.rel @p0 .LBB2_4-.Ltmp5, $2  }
0xa8: {  	_ =	sdelay $0x1  }
0xa9: {  	v2 =	vadd.f32 $8.000000000e+00, v2;
	v1 =	vadd.f32 $8.000000000e+00, v1;
	_ =	sdelay $0x1  }
0xaa: {  	s22 =	simm.s32 $0x0  }
0xab: {  	v4 =	vld [tilespmem:s22+$0x12000]  }
0xac: {  	v5 =	vld [tilespmem:s22+$0x10000]  }
0xad: {  	v6 =	vld [tilespmem:s22+$0x12200]  }
0xae: {  	v7 =	vld [tilespmem:s22+$0x10200]  }
0xaf: {  	v8 =	vld [tilespmem:s22+$0x12400]  }
0xb0: {  	v9 =	vld [tilespmem:s22+$0x10400];
	v4 =	vadd.f32 $0.0e+00, v4  }
0xb1: {  	v10 =	vld [tilespmem:s22+$0x12600];
	v5 =	vadd.f32 $0.0e+00, v5  }
0xb2: {  	v4 =	vadd.f32 v6, v4;
	v6 =	vld [tilespmem:s22+$0x10600]  }
0xb3: {  	v11 =	vld [tilespmem:s22+$0x12800];
	v5 =	vadd.f32 v7, v5  }
0xb4: {  	v7 =	vld [tilespmem:s22+$0x10800];
	v4 =	vadd.f32 v8, v4  }
0xb5: {  	v8 =	vld [tilespmem:s22+$0x12A00];
	v5 =	vadd.f32 v9, v5  }
0xb6: {  	v9 =	vld [tilespmem:s22+$0x10A00];
	v4 =	vadd.f32 v10, v4  }
0xb7: {  	v10 =	vld [tilespmem:s22+$0x12C00];
	v5 =	vadd.f32 v6, v5  }
0xb8: {  	v6 =	vld [tilespmem:s22+$0x10C00];
	v4 =	vadd.f32 v11, v4  }
0xb9: {  	v11 =	vld [tilespmem:s22+$0x12E00];
	v5 =	vadd.f32 v7, v5  }
0xba: {  	v7 =	vld [tilespmem:s22+$0x10E00];
	v4 =	vadd.f32 v8, v4  }
0xbb: {  	v8 =	vld [tilespmem:s22+$0x13000];
	v5 =	vadd.f32 v9, v5  }
0xbc: {  	v9 =	vld [tilespmem:s22+$0x11000];
	v4 =	vadd.f32 v10, v4  }
0xbd: {  	v10 =	vld [tilespmem:s22+$0x13200];
	v5 =	vadd.f32 v6, v5  }
0xbe: {  	v6 =	vld [tilespmem:s22+$0x11200];
	v4 =	vadd.f32 v11, v4  }
0xbf: {  	v11 =	vld [tilespmem:s22+$0x13400];
	v5 =	vadd.f32 v7, v5  }
0xc0: {  	v7 =	vld [tilespmem:s22+$0x11400];
	v4 =	vadd.f32 v8, v4  }
0xc1: {  	v8 =	vld [tilespmem:s22+$0x13600];
	v5 =	vadd.f32 v9, v5  }
0xc2: {  	v9 =	vld [tilespmem:s22+$0x11600];
	v4 =	vadd.f32 v10, v4  }
0xc3: {  	v10 =	vld [tilespmem:s22+$0x13800];
	v5 =	vadd.f32 v6, v5  }
0xc4: {  	v4 =	vadd.f32 v11, v4;
	v11 =	vld [tilespmem:s22+$0x11800]  }
0xc5: {  	v12 =	vld [tilespmem:s22+$0x13A00];
	v6 =	vadd.f32 v7, v5  }
0xc6: {  	v7 =	vadd.f32 v8, v4;
	v4 =	vld [tilespmem:s22+$0x11A00]  }
0xc7: {  	v5 =	vld [tilespmem:s22+$0x13C00];
	v8 =	vadd.f32 v9, v6  }
0xc8: {  	v6 =	vld [tilespmem:s22+$0x11C00];
	v10 =	vadd.f32 v10, v7  }
0xc9: {  	v7 =	vld [tilespmem:s22+$0x13E00];
	v9 =	vadd.f32 v11, v8  }
0xca: {  	s23 =	simm.s32 $0x10;
	s24 =	simm.s32 $0x80;
	v8 =	vld [tilespmem:s22+$0x11E00];
	v10 =	vadd.f32 v12, v10  }
.LBB2_14:
0xcb: {  	p0 =	sne.s32 s24, $0x7C0;
	v11 =	vld [tilespmem:s23+$0x12000];
	v4 =	vadd.f32 v4, v9  }
0xcc: {  	v9 =	vld [tilespmem:s23+$0x10000];
	v5 =	vadd.f32 v5, v10  }
0xcd: {  	v10 =	vld [tilespmem:s23+$0x12200];
	v4 =	vadd.f32 v6, v4  }
0xce: {  	v6 =	vld [tilespmem:s23+$0x10200];
	v5 =	vadd.f32 v7, v5  }
0xcf: {  	v7 =	vld [tilespmem:s23+$0x12400];
	v4 =	vadd.f32 v8, v4  }
0xd0: {  	v8 =	vadd.f32 $0.0e+00, v11;
	v11 =	vld [tilespmem:s23+$0x10400];
	[tilespmem:s22+$0x14200] =	vst v5  }
0xd1: {  	v5 =	vadd.f32 $0.0e+00, v9;
	v9 =	vld [tilespmem:s23+$0x12600];
	[tilespmem:s22+$0x14000] =	vst v4;
	s22 =	smov.u32 s23  }
0xd2: {  	v4 =	vadd.f32 v10, v8;
	v8 =	vld [tilespmem:s22+$0x10600]  }
0xd3: {  	v5 =	vadd.f32 v6, v5;
	v6 =	vld [tilespmem:s22+$0x12800]  }
0xd4: {  	v4 =	vadd.f32 v7, v4;
	v7 =	vld [tilespmem:s22+$0x10800]  }
0xd5: {  	v5 =	vadd.f32 v11, v5;
	v10 =	vld [tilespmem:s22+$0x12A00]  }
0xd6: {  	v4 =	vadd.f32 v9, v4;
	v9 =	vld [tilespmem:s22+$0x10A00]  }
0xd7: {  	v5 =	vadd.f32 v8, v5;
	v8 =	vld [tilespmem:s22+$0x12C00]  }
0xd8: {  	v4 =	vadd.f32 v6, v4;
	v6 =	vld [tilespmem:s22+$0x10C00]  }
0xd9: {  	v5 =	vadd.f32 v7, v5;
	v7 =	vld [tilespmem:s22+$0x12E00]  }
0xda: {  	v4 =	vadd.f32 v10, v4;
	v10 =	vld [tilespmem:s22+$0x10E00]  }
0xdb: {  	v5 =	vadd.f32 v9, v5;
	v9 =	vld [tilespmem:s22+$0x13000]  }
0xdc: {  	v4 =	vadd.f32 v8, v4;
	v8 =	vld [tilespmem:s22+$0x11000]  }
0xdd: {  	v5 =	vadd.f32 v6, v5;
	v6 =	vld [tilespmem:s22+$0x13200]  }
0xde: {  	v4 =	vadd.f32 v7, v4;
	v7 =	vld [tilespmem:s22+$0x11200]  }
0xdf: {  	v5 =	vadd.f32 v10, v5;
	v10 =	vld [tilespmem:s22+$0x13400]  }
0xe0: {  	v4 =	vadd.f32 v9, v4;
	v9 =	vld [tilespmem:s22+$0x11400]  }
0xe1: {  	v5 =	vadd.f32 v8, v5;
	v8 =	vld [tilespmem:s22+$0x13600]  }
0xe2: {  	v4 =	vadd.f32 v6, v4;
	v6 =	vld [tilespmem:s22+$0x11600]  }
0xe3: {  	v5 =	vadd.f32 v7, v5;
	v7 =	vld [tilespmem:s22+$0x13800]  }
0xe4: {  	v4 =	vadd.f32 v10, v4;
	v10 =	vld [tilespmem:s22+$0x11800]  }
0xe5: {  	v5 =	vadd.f32 v9, v5;
	v11 =	vld [tilespmem:s22+$0x13A00]  }
.Ltmp6:
0xe6: {  	v8 =	vadd.f32 v8, v4;
	v4 =	vld [tilespmem:s22+$0x11A00];
	(pc) =	sbr.rel @p0 .LBB2_14-.Ltmp6, $4  }
0xe7: {  	v9 =	vadd.f32 v6, v5;
	v5 =	vld [tilespmem:s22+$0x13C00]  }
0xe8: {  	v8 =	vadd.f32 v7, v8;
	v6 =	vld [tilespmem:s22+$0x11C00]  }
0xe9: {  	v9 =	vadd.f32 v10, v9;
	v7 =	vld [tilespmem:s22+$0x13E00]  }
0xea: {  	s23 =	sshra.s32 s24, $0x2;
	s24 =	sadd.s32 $0x40, s24;
	v10 =	vadd.f32 v11, v8;
	v8 =	vld [tilespmem:s22+$0x11E00]  }
0xeb: {  	v11 =	vld [tilespmem:s23+$0x12000];
	v4 =	vadd.f32 v4, v9  }
0xec: {  	v12 =	vld [tilespmem:s23+$0x10000];
	v5 =	vadd.f32 v5, v10  }
0xed: {  	v35 =	vld [tilespmem:s23+$0x12200];
	v4 =	vadd.f32 v6, v4  }
0xee: {  	v36 =	vld [tilespmem:s23+$0x10200];
	v5 =	vadd.f32 v7, v5  }
0xef: {  	v37 =	vld [tilespmem:s23+$0x12400];
	(xrf2) =	vadd.scan.msk.f32 $0xffff, v3;
	v4 =	vadd.f32 v8, v4  }
0xf0: {  	v38 =	vld [tilespmem:s23+$0x10400];
	(xrf2) =	vadd.scan.msk.f32 $0xffff, v2;
	[tilespmem:s22+$0x14200] =	vst v5;
	v3 =	vadd.f32 $0.0e+00, v11  }
0xf1: {  	(xrf2) =	vadd.scan.msk.f32 $0xffff, v1;
	v2 =	vadd.f32 $0.0e+00, v12;
	v5 =	vld [tilespmem:s23+$0x12600];
	[tilespmem:s22+$0x14000] =	vst v4  }
0xf2: {  	v1 =	vadd.f32 v35, v3;
	v3 =	vld [tilespmem:s23+$0x10600]  }
0xf3: {  	v2 =	vadd.f32 v36, v2;
	v4 =	vld [tilespmem:s23+$0x12800]  }
0xf4: {  	v39 =	vld [tilespmem:s23+$0x10800];
	v1 =	vadd.f32 v37, v1  }
0xf5: {  	v40 =	vld [tilespmem:s23+$0x12A00];
	v2 =	vadd.f32 v38, v2  }
0xf6: {  	v41 =	vld [tilespmem:s23+$0x10A00];
	v1 =	vadd.f32 v5, v1  }
0xf7: {  	v2 =	vadd.f32 v3, v2;
	v3 =	vld [tilespmem:s23+$0x12C00]  }
0xf8: {  	v42 =	vld [tilespmem:s23+$0x10C00];
	v1 =	vadd.f32 v4, v1  }
0xf9: {  	v44 =	vld [tilespmem:s23+$0x12E00];
	v43, _, _ =	vpop (xrf2);
	v2 =	vadd.f32 v39, v2  }
0xfa: {  	v46 =	vld [tilespmem:s23+$0x10E00];
	v45, _, _ =	vpop (xrf2);
	v1 =	vadd.f32 v40, v1  }
0xfb: {  	v47 =	vld [tilespmem:s23+$0x13000];
	(v2sf) =	vpush v45, $0xF;
	v48, _, _ =	vpop (xrf2);
	v2 =	vadd.f32 v41, v2  }
0xfc: {  	(v2sf) =	vpush v48, $0xF;
	v1 =	vadd.f32 v3, v1;
	v3 =	vld [tilespmem:s23+$0x11000]  }
0xfd: {  	v49 =	vld [tilespmem:s23+$0x13200];
	v2 =	vadd.f32 v42, v2  }
0xfe: {  	v50 =	vld [tilespmem:s23+$0x11200];
	v1 =	vadd.f32 v44, v1  }
0xff: {  	v51 =	vld [tilespmem:s23+$0x13400];
	v2 =	vadd.f32 v46, v2  }
0x100: {  	v52 =	vld [tilespmem:s23+$0x11400];
	v1 =	vadd.f32 v47, v1  }
0x101: {  	v2 =	vadd.f32 v3, v2;
	v3 =	vld [tilespmem:s23+$0x13600]  }
0x102: {  	v53 =	vld [tilespmem:s23+$0x11600];
	v1 =	vadd.f32 v49, v1  }
0x103: {  	v54 =	vld [tilespmem:s23+$0x13800];
	v2 =	vadd.f32 v50, v2  }
0x104: {  	v55 =	vld [tilespmem:s23+$0x11800];
	v1 =	vadd.f32 v51, v1  }
0x105: {  	v56 =	vld [tilespmem:s23+$0x13A00];
	v2 =	vadd.f32 v52, v2  }
0x106: {  	v1 =	vadd.f32 v3, v1;
	v3 =	vld [tilespmem:s23+$0x11A00]  }
0x107: {  	v57 =	vld [tilespmem:s23+$0x13C00];
	v2 =	vadd.f32 v53, v2  }
0x108: {  	v58 =	vld [tilespmem:s23+$0x11C00];
	v1 =	vadd.f32 v54, v1  }
0x109: {  	v59 =	vld [tilespmem:s23+$0x13E00];
	v2 =	vadd.f32 v55, v2  }
0x10a: {  	v60 =	vld [tilespmem:s23+$0x11E00];
	s9 =	spop (v2sf);
	v1 =	vadd.f32 v56, v1  }
0x10b: {  	v61 =	vbroadcast v45, $0xF;
	s26 =	spop (v2sf);
	v2 =	vadd.f32 v3, v2;
	v3 =	vbroadcast v43, $0xF  }
0x10c: {  	s9 =	ssub.f32 s26, s9;
	v1 =	vadd.f32 v57, v1  }
0x10d: {  	v62 =	vnsel vm1, $0x0, v61;
	v2 =	vadd.f32 v58, v2;
	v3 =	vnsel vm0, $0x0, v3  }
0x10e: {  	v63 =	vmov s9;
	v1 =	vadd.f32 v59, v1;
	v3 =	vadd.f32 v62, v3  }
0x10f: {  	v4 =	vnsel vm2, $0x0, v63;
	v2 =	vadd.f32 v60, v2  }
0x110: {  	[tilespmem:s23+$0x14200] =	vst v1;
	v1 =	vadd.f32 v4, v3  }
0x111: {  	[tilespmem:s23+$0x14000] =	vst v2  }
0x112: {  	s24 =	simm.s32 $0x14000;
	s23 =	rddreg [dreg:$0x8];
	[tilespmem:$0x14400] =	vst v1  }
0x113: {  	[hbm4b:s23+s8] =	stream.strided.scatter [tilespmem:s24], [sflag:$0x9], $0x200, s17, s8, $0x38;
	[tilespmem:$0x14480] =	vst v63  }
0x114: {  	_ =	swait.ge [sflag:s18], $0x200  }
0x115: {  	[sflag:s18] =	ssyncset.done $0x0  }
0x116: {  	s25 =	rddreg [dreg:$0x9];
	[sflag:s18] =	ssyncadd.s32 $0xFFFFFE00  }
0x117: {  	[hbm4b:s25+s8] =	stream.strided.scatter [tilespmem:s19], [sflag:$0x9], $0x200, s17, s8, $0x38;
	[tilespmem:$0x14480] =	vst v63  }
0x118: {  	_ =	swait.ge [sflag:s18], $0x200  }
0x119: {  	[sflag:s18] =	ssyncset.done $0x0  }
0x11a: {  	s26 =	rddreg [dreg:$0xa];
	[sflag:s18] =	ssyncadd.s32 $0xFFFFFE00  }
0x11b: {  	[hbm4b:s26+s1] =	stream.linear.scatter [tilespmem:s20], [sflag:$0x9], $0x80, $0x38;
	[tilespmem:$0x14480] =	vst v63  }
0x11c: {  	_ =	swait.ge [sflag:s18], $0x80  }
0x11d: {  	[sflag:s18] =	ssyncset.done $0x0  }
0x11e: {  	s22 =	simm.s32 $0xFFFFFE00;
	s23 =	simm.s32 $0xFFFFF840;
	[sflag:s18] =	ssyncadd.s32 $0xFFFFFF80  }
.LBB2_16:
0x11f: {  	p0 =	sne.s32 s23, $0xFFFFFFC0;
	[tilespmem:s22+$0x14000] =	vst v0  }
0x120: {  	[tilespmem:s22+$0x10200] =	vst v0  }
0x121: {  	[tilespmem:s22+$0x12200] =	vst v0  }
0x122: {  	[tilespmem:s22+$0x10400] =	vst v0  }
0x123: {  	[tilespmem:s22+$0x12400] =	vst v0  }
0x124: {  	[tilespmem:s22+$0x10600] =	vst v0  }
0x125: {  	[tilespmem:s22+$0x12600] =	vst v0  }
0x126: {  	[tilespmem:s22+$0x10800] =	vst v0  }
0x127: {  	[tilespmem:s22+$0x12800] =	vst v0  }
0x128: {  	[tilespmem:s22+$0x10A00] =	vst v0  }
0x129: {  	[tilespmem:s22+$0x12A00] =	vst v0  }
0x12a: {  	[tilespmem:s22+$0x10C00] =	vst v0  }
0x12b: {  	[tilespmem:s22+$0x12C00] =	vst v0  }
0x12c: {  	[tilespmem:s22+$0x10E00] =	vst v0  }
0x12d: {  	[tilespmem:s22+$0x12E00] =	vst v0  }
0x12e: {  	[tilespmem:s22+$0x11000] =	vst v0  }
0x12f: {  	[tilespmem:s22+$0x13000] =	vst v0  }
0x130: {  	[tilespmem:s22+$0x11200] =	vst v0  }
0x131: {  	[tilespmem:s22+$0x13200] =	vst v0  }
0x132: {  	[tilespmem:s22+$0x11400] =	vst v0  }
0x133: {  	[tilespmem:s22+$0x13400] =	vst v0  }
0x134: {  	[tilespmem:s22+$0x11600] =	vst v0  }
0x135: {  	[tilespmem:s22+$0x13600] =	vst v0  }
0x136: {  	[tilespmem:s22+$0x11800] =	vst v0  }
0x137: {  	[tilespmem:s22+$0x13800] =	vst v0  }
0x138: {  	[tilespmem:s22+$0x11A00] =	vst v0  }
0x139: {  	[tilespmem:s22+$0x13A00] =	vst v0  }
.Ltmp7:
0x13a: {  	[tilespmem:s22+$0x11C00] =	vst v0;
	(pc) =	sbr.rel @p0 .LBB2_16-.Ltmp7, $4  }
0x13b: {  	[tilespmem:s22+$0x13C00] =	vst v0  }
0x13c: {  	[tilespmem:s22+$0x11E00] =	vst v0  }
0x13d: {  	[tilespmem:s22+$0x13E00] =	vst v0  }
0x13e: {  	[tilespmem:s22+$0x12000] =	vst v0;
	s22 =	sshra.s32 s23, $0x2;
	s23 =	sadd.s32 $0x40, s23  }
0x13f: {  	[tilespmem:s22+$0x14000] =	vst v0  }
0x140: {  	[tilespmem:s22+$0x10200] =	vst v0  }
0x141: {  	[tilespmem:s22+$0x12200] =	vst v0  }
0x142: {  	[tilespmem:s22+$0x10400] =	vst v0  }
0x143: {  	[tilespmem:s22+$0x12400] =	vst v0  }
0x144: {  	[tilespmem:s22+$0x10600] =	vst v0  }
0x145: {  	[tilespmem:s22+$0x12600] =	vst v0  }
0x146: {  	[tilespmem:s22+$0x10800] =	vst v0  }
0x147: {  	[tilespmem:s22+$0x12800] =	vst v0  }
0x148: {  	[tilespmem:s22+$0x10A00] =	vst v0  }
0x149: {  	[tilespmem:s22+$0x12A00] =	vst v0  }
0x14a: {  	[tilespmem:s22+$0x10C00] =	vst v0  }
0x14b: {  	[tilespmem:s22+$0x12C00] =	vst v0  }
0x14c: {  	[tilespmem:s22+$0x10E00] =	vst v0  }
0x14d: {  	[tilespmem:s22+$0x12E00] =	vst v0  }
0x14e: {  	[tilespmem:s22+$0x11000] =	vst v0  }
0x14f: {  	[tilespmem:s22+$0x13000] =	vst v0  }
0x150: {  	[tilespmem:s22+$0x11200] =	vst v0  }
0x151: {  	[tilespmem:s22+$0x13200] =	vst v0  }
0x152: {  	[tilespmem:s22+$0x11400] =	vst v0  }
0x153: {  	[tilespmem:s22+$0x13400] =	vst v0  }
0x154: {  	[tilespmem:s22+$0x11600] =	vst v0  }
0x155: {  	[tilespmem:s22+$0x13600] =	vst v0  }
0x156: {  	[tilespmem:s22+$0x11800] =	vst v0  }
0x157: {  	[tilespmem:s22+$0x13800] =	vst v0  }
0x158: {  	[tilespmem:s22+$0x11A00] =	vst v0  }
0x159: {  	[tilespmem:s22+$0x13A00] =	vst v0  }
0x15a: {  	[tilespmem:s22+$0x11C00] =	vst v0  }
0x15b: {  	[tilespmem:s22+$0x13C00] =	vst v0  }
0x15c: {  	[tilespmem:s22+$0x11E00] =	vst v0  }
0x15d: {  	[tilespmem:s22+$0x13E00] =	vst v0  }
0x15e: {  	[tilespmem:s22+$0x12000] =	vst v0;
	s22 =	simm.s32 $0x0;
	s9 =	rddreg [dreg:$0xd]  }
0x15f: {  	[tilespmem:s22], [sflag:$0x1] =	stream.linear.gather [hbm4b:s9+s22], $0x2000, $0x38;
	[tilespmem:$0x14480] =	vst v63  }
0x160: {  	s26 =	rddreg [dreg:$0xe];
	s23 =	simm.s32 $0x2000  }
0x161: {  	[tilespmem:s23], [sflag:$0x2] =	stream.linear.gather [hbm4b:s26+s22], $0x2000, $0x38;
	[tilespmem:$0x14480] =	vst v63  }
0x162: {  	s24 =	simm.s32 $0x4000;
	s23 =	rddreg [dreg:$0x10]  }
0x163: {  	[tilespmem:s24], [sflag:$0x3] =	stream.linear.gather [hbm4b:s23+s22], $0x2000, $0x38;
	[tilespmem:$0x14480] =	vst v63  }
0x164: {  	s25 =	rddreg [dreg:$0x11];
	s26 =	simm.s32 $0x6000  }
0x165: {  	[tilespmem:s26], [sflag:$0x4] =	stream.linear.gather [hbm4b:s25+s22], $0x2000, $0x38;
	[tilespmem:$0x14480] =	vst v63  }
0x166: {  	s23 =	rddreg [dreg:$0x12];
	s24 =	simm.s32 $0x8000  }
0x167: {  	[tilespmem:s24], [sflag:$0x5] =	stream.linear.gather [hbm4b:s23+s22], $0x2000, $0x38;
	[tilespmem:$0x14480] =	vst v63  }
0x168: {  	s25 =	rddreg [dreg:$0x13];
	s26 =	simm.s32 $0xA000  }
0x169: {  	v1 =	vimm.f32 $0.0e+00;
	v2 =	vimm.f32 $0.0e+00;
	v3 =	vimm.f32 $0.0e+00;
	[tilespmem:s26], [sflag:$0x6] =	stream.linear.gather [hbm4b:s25+s22], $0x2000, $0x38;
	[tilespmem:$0x14480] =	vst v63  }
.LBB2_18:
0x16a: {  	_ =	swait.ge [sflag:s10], $0x2000  }
0x16b: {  	s23 =	sshll.u32 s22, $0xF;
	[sflag:s10] =	ssyncset.done $0x0  }
0x16c: {  	s9 =	sor.u32 s23, s7;
	[sflag:s10] =	ssyncadd.s32 $0xFFFFE000  }
0x16d: {  	s9 =	sshrl.u32 s9, $0x3;
	_ =	swait.ge [sflag:s11], $0x2000  }
0x16e: {  	s9 =	sor.u32 $0xC00, s9;
	[sflag:s11] =	ssyncset.done $0x0  }
0x16f: {  	s24 =	sadd.s32 s5, s9;
	[sflag:s11] =	ssyncadd.s32 $0xFFFFE000  }
0x170: {  	[tilespmem:s12], [sflag:$0x7] =	stream.linear.gather [hbm4b:s24+s1], $0x2000, $0x38;
	[tilespmem:$0x14480] =	vst v63  }
0x171: {  	s9 =	sadd.s32 s6, s9;
	s24 =	simm.s32 $0x3F  }
0x172: {  	v3 =	vadd.f32 $8.000000000e+00, v3;
	[tilespmem:s13], [sflag:$0x8] =	stream.linear.gather [hbm4b:s9+s1], $0x2000, $0x38;
	[tilespmem:$0x14480] =	vst v63  }
.LBB2_19:
0x173: {  	p0 =	sne.s32 s24, $0x1;
	s24 =	sadd.s32 $0xFFFFFFFF, s24;
	v2 =	vadd.f32 $8.000000000e+00, v2;
	v1 =	vadd.f32 $8.000000000e+00, v1  }
.Ltmp8:
0x174: {  	(pc) =	sbr.rel @p0 .LBB2_19-.Ltmp8, $2  }
0x175: {  	_ =	sdelay $0x2  }
0x176: {  	v3 =	vadd.f32 $8.000000000e+00, v3  }
0x177: {  	_ =	swait.ge [sflag:s14], $0x2000  }
0x178: {  	[sflag:s14] =	ssyncset.done $0x0  }
0x179: {  	p0 =	seq.s32 s22, $0x3;
	[sflag:s14] =	ssyncadd.s32 $0xFFFFE000  }
0x17a: {  	s9 =	sadd.s32 @!p0 s23, s28;
	_ =	swait.ge [sflag:s31], $0x2000  }
0x17b: {  	s9 =	sshrl.u32 @!p0 s9, $0x3;
	[sflag:s31] =	ssyncset.done $0x0  }
0x17c: {  	s25 =	simm.s32 @!p0 $0x0;
	s24 =	sadd.s32 @!p0 s5, s9;
	[sflag:s31] =	ssyncadd.s32 $0xFFFFE000  }
0x17d: {  	[tilespmem:s25], [sflag:$0x1] =	stream.linear.gather @!p0 [hbm4b:s24+s25], $0x2000, $0x38;
	[tilespmem:$0x14480] =	vst v63  }
0x17e: {  	s9 =	sadd.s32 @!p0 s6, s9;
	s24 =	simm.s32 @!p0 $0x2000  }
0x17f: {  	v2 =	vadd.f32 $8.000000000e+00, v2;
	v1 =	vadd.f32 $8.000000000e+00, v1;
	[tilespmem:s24], [sflag:$0x2] =	stream.linear.gather @!p0 [hbm4b:s9+s25], $0x2000, $0x38;
	[tilespmem:$0x14480] =	vst v63  }
0x180: {  	v3 =	vadd.f32 $8.000000000e+00, v3;
	s24 =	simm.s32 $0x3F  }
.LBB2_21:
0x181: {  	p1 =	sne.s32 s24, $0x1;
	s24 =	sadd.s32 $0xFFFFFFFF, s24;
	v2 =	vadd.f32 $8.000000000e+00, v2;
	v1 =	vadd.f32 $8.000000000e+00, v1  }
.Ltmp9:
0x182: {  	(pc) =	sbr.rel @p1 .LBB2_21-.Ltmp9, $2  }
0x183: {  	_ =	sdelay $0x2  }
0x184: {  	v3 =	vadd.f32 $8.000000000e+00, v3  }
0x185: {  	_ =	swait.ge [sflag:s15], $0x2000  }
0x186: {  	[sflag:s15] =	ssyncset.done $0x0  }
0x187: {  	[sflag:s15] =	ssyncadd.s32 $0xFFFFE000  }
0x188: {  	s9 =	sadd.s32 @!p0 s23, s29;
	_ =	swait.ge [sflag:s0], $0x2000  }
0x189: {  	s25 =	simm.s32 @!p0 $0x0;
	s9 =	sshrl.u32 @!p0 s9, $0x3;
	[sflag:s0] =	ssyncset.done $0x0  }
0x18a: {  	s26 =	simm.s32 @!p0 $0x4000;
	s24 =	sadd.s32 @!p0 s5, s9;
	[sflag:s0] =	ssyncadd.s32 $0xFFFFE000  }
0x18b: {  	[tilespmem:s26], [sflag:$0x3] =	stream.linear.gather @!p0 [hbm4b:s24+s25], $0x2000, $0x38;
	[tilespmem:$0x14480] =	vst v63  }
0x18c: {  	s9 =	sadd.s32 @!p0 s6, s9;
	s24 =	simm.s32 @!p0 $0x6000  }
0x18d: {  	v2 =	vadd.f32 $8.000000000e+00, v2;
	v1 =	vadd.f32 $8.000000000e+00, v1;
	[tilespmem:s24], [sflag:$0x4] =	stream.linear.gather @!p0 [hbm4b:s9+s25], $0x2000, $0x38;
	[tilespmem:$0x14480] =	vst v63  }
0x18e: {  	v3 =	vadd.f32 $8.000000000e+00, v3;
	s24 =	simm.s32 $0x3F  }
.LBB2_23:
0x18f: {  	p1 =	sne.s32 s24, $0x1;
	s24 =	sadd.s32 $0xFFFFFFFF, s24;
	v2 =	vadd.f32 $8.000000000e+00, v2;
	v1 =	vadd.f32 $8.000000000e+00, v1  }
.Ltmp10:
0x190: {  	(pc) =	sbr.rel @p1 .LBB2_23-.Ltmp10, $2  }
0x191: {  	_ =	sdelay $0x2  }
0x192: {  	v3 =	vadd.f32 $8.000000000e+00, v3  }
0x193: {  	_ =	swait.ge [sflag:s16], $0x2000  }
0x194: {  	[sflag:s16] =	ssyncset.done $0x0  }
0x195: {  	[sflag:s16] =	ssyncadd.s32 $0xFFFFE000  }
0x196: {  	s9 =	sadd.s32 @!p0 s23, s30;
	_ =	swait.ge [sflag:s3], $0x2000  }
0x197: {  	s24 =	simm.s32 @!p0 $0x0;
	s9 =	sshrl.u32 @!p0 s9, $0x3;
	[sflag:s3] =	ssyncset.done $0x0  }
0x198: {  	s25 =	simm.s32 @!p0 $0x8000;
	s23 =	sadd.s32 @!p0 s5, s9;
	[sflag:s3] =	ssyncadd.s32 $0xFFFFE000  }
0x199: {  	[tilespmem:s25], [sflag:$0x5] =	stream.linear.gather @!p0 [hbm4b:s23+s24], $0x2000, $0x38;
	[tilespmem:$0x14480] =	vst v63  }
0x19a: {  	s9 =	sadd.s32 @!p0 s6, s9;
	s23 =	simm.s32 @!p0 $0xA000  }
0x19b: {  	v2 =	vadd.f32 $8.000000000e+00, v2;
	v1 =	vadd.f32 $8.000000000e+00, v1;
	[tilespmem:s23], [sflag:$0x6] =	stream.linear.gather @!p0 [hbm4b:s9+s24], $0x2000, $0x38;
	[tilespmem:$0x14480] =	vst v63  }
0x19c: {  	v3 =	vadd.f32 $8.000000000e+00, v3;
	s23 =	simm.s32 $0x3F  }
.LBB2_25:
0x19d: {  	p0 =	sne.s32 s23, $0x1;
	s23 =	sadd.s32 $0xFFFFFFFF, s23;
	v2 =	vadd.f32 $8.000000000e+00, v2;
	v1 =	vadd.f32 $8.000000000e+00, v1  }
.Ltmp11:
0x19e: {  	(pc) =	sbr.rel @p0 .LBB2_25-.Ltmp11, $2  }
0x19f: {  	_ =	sdelay $0x2  }
0x1a0: {  	v3 =	vadd.f32 $8.000000000e+00, v3  }
0x1a1: {  	s22 =	sadd.s32 $0x1, s22  }
0x1a2: {  	p0 =	sne.s32 s22, $0x4  }
.Ltmp12:
0x1a3: {  	_ = 	snop;
	(pc) =	sbr.rel @p0 .LBB2_18-.Ltmp12, $2  }
0x1a4: {  	_ =	sdelay $0x1  }
0x1a5: {  	v2 =	vadd.f32 $8.000000000e+00, v2;
	v1 =	vadd.f32 $8.000000000e+00, v1;
	_ =	sdelay $0x1  }
0x1a6: {  	s22 =	simm.s32 $0x0  }
0x1a7: {  	v4 =	vld [tilespmem:s22+$0x12000]  }
0x1a8: {  	v5 =	vld [tilespmem:s22+$0x10000]  }
0x1a9: {  	v6 =	vld [tilespmem:s22+$0x12200]  }
0x1aa: {  	v7 =	vld [tilespmem:s22+$0x10200]  }
0x1ab: {  	v8 =	vld [tilespmem:s22+$0x12400]  }
0x1ac: {  	v9 =	vld [tilespmem:s22+$0x10400];
	v4 =	vadd.f32 $0.0e+00, v4  }
0x1ad: {  	v10 =	vld [tilespmem:s22+$0x12600];
	v5 =	vadd.f32 $0.0e+00, v5  }
0x1ae: {  	v4 =	vadd.f32 v6, v4;
	v6 =	vld [tilespmem:s22+$0x10600]  }
0x1af: {  	v11 =	vld [tilespmem:s22+$0x12800];
	v5 =	vadd.f32 v7, v5  }
0x1b0: {  	v7 =	vld [tilespmem:s22+$0x10800];
	v4 =	vadd.f32 v8, v4  }
0x1b1: {  	v8 =	vld [tilespmem:s22+$0x12A00];
	v5 =	vadd.f32 v9, v5  }
0x1b2: {  	v9 =	vld [tilespmem:s22+$0x10A00];
	v4 =	vadd.f32 v10, v4  }
0x1b3: {  	v10 =	vld [tilespmem:s22+$0x12C00];
	v5 =	vadd.f32 v6, v5  }
0x1b4: {  	v6 =	vld [tilespmem:s22+$0x10C00];
	v4 =	vadd.f32 v11, v4  }
0x1b5: {  	v11 =	vld [tilespmem:s22+$0x12E00];
	v5 =	vadd.f32 v7, v5  }
0x1b6: {  	v7 =	vld [tilespmem:s22+$0x10E00];
	v4 =	vadd.f32 v8, v4  }
0x1b7: {  	v8 =	vld [tilespmem:s22+$0x13000];
	v5 =	vadd.f32 v9, v5  }
0x1b8: {  	v9 =	vld [tilespmem:s22+$0x11000];
	v4 =	vadd.f32 v10, v4  }
0x1b9: {  	v10 =	vld [tilespmem:s22+$0x13200];
	v5 =	vadd.f32 v6, v5  }
0x1ba: {  	v6 =	vld [tilespmem:s22+$0x11200];
	v4 =	vadd.f32 v11, v4  }
0x1bb: {  	v11 =	vld [tilespmem:s22+$0x13400];
	v5 =	vadd.f32 v7, v5  }
0x1bc: {  	v7 =	vld [tilespmem:s22+$0x11400];
	v4 =	vadd.f32 v8, v4  }
0x1bd: {  	v8 =	vld [tilespmem:s22+$0x13600];
	v5 =	vadd.f32 v9, v5  }
0x1be: {  	v9 =	vld [tilespmem:s22+$0x11600];
	v4 =	vadd.f32 v10, v4  }
0x1bf: {  	v10 =	vld [tilespmem:s22+$0x13800];
	v5 =	vadd.f32 v6, v5  }
0x1c0: {  	v4 =	vadd.f32 v11, v4;
	v11 =	vld [tilespmem:s22+$0x11800]  }
0x1c1: {  	v12 =	vld [tilespmem:s22+$0x13A00];
	v6 =	vadd.f32 v7, v5  }
0x1c2: {  	v7 =	vadd.f32 v8, v4;
	v4 =	vld [tilespmem:s22+$0x11A00]  }
0x1c3: {  	v5 =	vld [tilespmem:s22+$0x13C00];
	v8 =	vadd.f32 v9, v6  }
0x1c4: {  	v6 =	vld [tilespmem:s22+$0x11C00];
	v10 =	vadd.f32 v10, v7  }
0x1c5: {  	v7 =	vld [tilespmem:s22+$0x13E00];
	v9 =	vadd.f32 v11, v8  }
0x1c6: {  	s23 =	simm.s32 $0x10;
	s24 =	simm.s32 $0x80;
	v8 =	vld [tilespmem:s22+$0x11E00];
	v10 =	vadd.f32 v12, v10  }
.LBB2_28:
0x1c7: {  	p0 =	sne.s32 s24, $0x7C0;
	v11 =	vld [tilespmem:s23+$0x12000];
	v4 =	vadd.f32 v4, v9  }
0x1c8: {  	v9 =	vld [tilespmem:s23+$0x10000];
	v5 =	vadd.f32 v5, v10  }
0x1c9: {  	v10 =	vld [tilespmem:s23+$0x12200];
	v4 =	vadd.f32 v6, v4  }
0x1ca: {  	v6 =	vld [tilespmem:s23+$0x10200];
	v5 =	vadd.f32 v7, v5  }
0x1cb: {  	v7 =	vld [tilespmem:s23+$0x12400];
	v4 =	vadd.f32 v8, v4  }
0x1cc: {  	v8 =	vadd.f32 $0.0e+00, v11;
	v11 =	vld [tilespmem:s23+$0x10400];
	[tilespmem:s22+$0x14200] =	vst v5  }
0x1cd: {  	v5 =	vadd.f32 $0.0e+00, v9;
	v9 =	vld [tilespmem:s23+$0x12600];
	[tilespmem:s22+$0x14000] =	vst v4;
	s22 =	smov.u32 s23  }
0x1ce: {  	v4 =	vadd.f32 v10, v8;
	v8 =	vld [tilespmem:s22+$0x10600]  }
0x1cf: {  	v5 =	vadd.f32 v6, v5;
	v6 =	vld [tilespmem:s22+$0x12800]  }
0x1d0: {  	v4 =	vadd.f32 v7, v4;
	v7 =	vld [tilespmem:s22+$0x10800]  }
0x1d1: {  	v5 =	vadd.f32 v11, v5;
	v10 =	vld [tilespmem:s22+$0x12A00]  }
0x1d2: {  	v4 =	vadd.f32 v9, v4;
	v9 =	vld [tilespmem:s22+$0x10A00]  }
0x1d3: {  	v5 =	vadd.f32 v8, v5;
	v8 =	vld [tilespmem:s22+$0x12C00]  }
0x1d4: {  	v4 =	vadd.f32 v6, v4;
	v6 =	vld [tilespmem:s22+$0x10C00]  }
0x1d5: {  	v5 =	vadd.f32 v7, v5;
	v7 =	vld [tilespmem:s22+$0x12E00]  }
0x1d6: {  	v4 =	vadd.f32 v10, v4;
	v10 =	vld [tilespmem:s22+$0x10E00]  }
0x1d7: {  	v5 =	vadd.f32 v9, v5;
	v9 =	vld [tilespmem:s22+$0x13000]  }
0x1d8: {  	v4 =	vadd.f32 v8, v4;
	v8 =	vld [tilespmem:s22+$0x11000]  }
0x1d9: {  	v5 =	vadd.f32 v6, v5;
	v6 =	vld [tilespmem:s22+$0x13200]  }
0x1da: {  	v4 =	vadd.f32 v7, v4;
	v7 =	vld [tilespmem:s22+$0x11200]  }
0x1db: {  	v5 =	vadd.f32 v10, v5;
	v10 =	vld [tilespmem:s22+$0x13400]  }
0x1dc: {  	v4 =	vadd.f32 v9, v4;
	v9 =	vld [tilespmem:s22+$0x11400]  }
0x1dd: {  	v5 =	vadd.f32 v8, v5;
	v8 =	vld [tilespmem:s22+$0x13600]  }
0x1de: {  	v4 =	vadd.f32 v6, v4;
	v6 =	vld [tilespmem:s22+$0x11600]  }
0x1df: {  	v5 =	vadd.f32 v7, v5;
	v7 =	vld [tilespmem:s22+$0x13800]  }
0x1e0: {  	v4 =	vadd.f32 v10, v4;
	v10 =	vld [tilespmem:s22+$0x11800]  }
0x1e1: {  	v5 =	vadd.f32 v9, v5;
	v11 =	vld [tilespmem:s22+$0x13A00]  }
.Ltmp13:
0x1e2: {  	v8 =	vadd.f32 v8, v4;
	v4 =	vld [tilespmem:s22+$0x11A00];
	(pc) =	sbr.rel @p0 .LBB2_28-.Ltmp13, $4  }
0x1e3: {  	v9 =	vadd.f32 v6, v5;
	v5 =	vld [tilespmem:s22+$0x13C00]  }
0x1e4: {  	v8 =	vadd.f32 v7, v8;
	v6 =	vld [tilespmem:s22+$0x11C00]  }
0x1e5: {  	v9 =	vadd.f32 v10, v9;
	v7 =	vld [tilespmem:s22+$0x13E00]  }
0x1e6: {  	s23 =	sshra.s32 s24, $0x2;
	s24 =	sadd.s32 $0x40, s24;
	v10 =	vadd.f32 v11, v8;
	v8 =	vld [tilespmem:s22+$0x11E00]  }
0x1e7: {  	v11 =	vld [tilespmem:s23+$0x12000];
	v4 =	vadd.f32 v4, v9  }
0x1e8: {  	v12 =	vld [tilespmem:s23+$0x10000];
	v5 =	vadd.f32 v5, v10  }
0x1e9: {  	v35 =	vld [tilespmem:s23+$0x12200];
	v4 =	vadd.f32 v6, v4  }
0x1ea: {  	v36 =	vld [tilespmem:s23+$0x10200];
	v5 =	vadd.f32 v7, v5  }
0x1eb: {  	v37 =	vld [tilespmem:s23+$0x12400];
	(xrf2) =	vadd.scan.msk.f32 $0xffff, v3;
	v4 =	vadd.f32 v8, v4  }
0x1ec: {  	v38 =	vld [tilespmem:s23+$0x10400];
	(xrf2) =	vadd.scan.msk.f32 $0xffff, v2;
	[tilespmem:s22+$0x14200] =	vst v5;
	v3 =	vadd.f32 $0.0e+00, v11  }
0x1ed: {  	(xrf2) =	vadd.scan.msk.f32 $0xffff, v1;
	v2 =	vadd.f32 $0.0e+00, v12;
	v5 =	vld [tilespmem:s23+$0x12600];
	[tilespmem:s22+$0x14000] =	vst v4  }
0x1ee: {  	v1 =	vadd.f32 v35, v3;
	v3 =	vld [tilespmem:s23+$0x10600]  }
0x1ef: {  	v2 =	vadd.f32 v36, v2;
	v4 =	vld [tilespmem:s23+$0x12800]  }
0x1f0: {  	v39 =	vld [tilespmem:s23+$0x10800];
	v1 =	vadd.f32 v37, v1  }
0x1f1: {  	v40 =	vld [tilespmem:s23+$0x12A00];
	v2 =	vadd.f32 v38, v2  }
0x1f2: {  	v41 =	vld [tilespmem:s23+$0x10A00];
	v1 =	vadd.f32 v5, v1  }
0x1f3: {  	v2 =	vadd.f32 v3, v2;
	v3 =	vld [tilespmem:s23+$0x12C00]  }
0x1f4: {  	v42 =	vld [tilespmem:s23+$0x10C00];
	v1 =	vadd.f32 v4, v1  }
0x1f5: {  	v44 =	vld [tilespmem:s23+$0x12E00];
	v43, _, _ =	vpop (xrf2);
	v2 =	vadd.f32 v39, v2  }
0x1f6: {  	v46 =	vld [tilespmem:s23+$0x10E00];
	v45, _, _ =	vpop (xrf2);
	v1 =	vadd.f32 v40, v1  }
0x1f7: {  	v47 =	vld [tilespmem:s23+$0x13000];
	(v2sf) =	vpush v45, $0xF;
	v48, _, _ =	vpop (xrf2);
	v2 =	vadd.f32 v41, v2  }
0x1f8: {  	(v2sf) =	vpush v48, $0xF;
	v1 =	vadd.f32 v3, v1;
	v3 =	vld [tilespmem:s23+$0x11000]  }
0x1f9: {  	v49 =	vld [tilespmem:s23+$0x13200];
	v2 =	vadd.f32 v42, v2  }
0x1fa: {  	v50 =	vld [tilespmem:s23+$0x11200];
	v1 =	vadd.f32 v44, v1  }
0x1fb: {  	v51 =	vld [tilespmem:s23+$0x13400];
	v2 =	vadd.f32 v46, v2  }
0x1fc: {  	v52 =	vld [tilespmem:s23+$0x11400];
	v1 =	vadd.f32 v47, v1  }
0x1fd: {  	v2 =	vadd.f32 v3, v2;
	v3 =	vld [tilespmem:s23+$0x13600]  }
0x1fe: {  	v53 =	vld [tilespmem:s23+$0x11600];
	v1 =	vadd.f32 v49, v1  }
0x1ff: {  	v54 =	vld [tilespmem:s23+$0x13800];
	v2 =	vadd.f32 v50, v2  }
0x200: {  	v55 =	vld [tilespmem:s23+$0x11800];
	v1 =	vadd.f32 v51, v1  }
0x201: {  	v56 =	vld [tilespmem:s23+$0x13A00];
	v2 =	vadd.f32 v52, v2  }
0x202: {  	v1 =	vadd.f32 v3, v1;
	v3 =	vld [tilespmem:s23+$0x11A00]  }
0x203: {  	v57 =	vld [tilespmem:s23+$0x13C00];
	v2 =	vadd.f32 v53, v2  }
0x204: {  	v58 =	vld [tilespmem:s23+$0x11C00];
	v1 =	vadd.f32 v54, v1  }
0x205: {  	v59 =	vld [tilespmem:s23+$0x13E00];
	v2 =	vadd.f32 v55, v2  }
0x206: {  	v60 =	vld [tilespmem:s23+$0x11E00];
	s9 =	spop (v2sf);
	v1 =	vadd.f32 v56, v1  }
0x207: {  	v61 =	vbroadcast v45, $0xF;
	s26 =	spop (v2sf);
	v2 =	vadd.f32 v3, v2;
	v3 =	vbroadcast v43, $0xF  }
0x208: {  	s9 =	ssub.f32 s26, s9;
	v1 =	vadd.f32 v57, v1  }
0x209: {  	v62 =	vnsel vm1, $0x0, v61;
	v2 =	vadd.f32 v58, v2;
	v3 =	vnsel vm0, $0x0, v3  }
0x20a: {  	v63 =	vmov s9;
	v1 =	vadd.f32 v59, v1;
	v3 =	vadd.f32 v62, v3  }
0x20b: {  	v4 =	vnsel vm2, $0x0, v63;
	v2 =	vadd.f32 v60, v2  }
0x20c: {  	[tilespmem:s23+$0x14200] =	vst v1;
	v1 =	vadd.f32 v4, v3  }
0x20d: {  	[tilespmem:s23+$0x14000] =	vst v2  }
0x20e: {  	s22 =	rddreg [dreg:$0xb];
	s23 =	simm.s32 $0x14000;
	[tilespmem:$0x14400] =	vst v1  }
0x20f: {  	[hbm4b:s22+s8] =	stream.strided.scatter [tilespmem:s23], [sflag:$0x9], $0x200, s17, s8, $0x38;
	[tilespmem:$0x14480] =	vst v63  }
0x210: {  	_ =	swait.ge [sflag:s18], $0x200  }
0x211: {  	[sflag:s18] =	ssyncset.done $0x0  }
0x212: {  	s24 =	rddreg [dreg:$0xc];
	[sflag:s18] =	ssyncadd.s32 $0xFFFFFE00  }
0x213: {  	[hbm4b:s24+s8] =	stream.strided.scatter [tilespmem:s19], [sflag:$0x9], $0x200, s17, s8, $0x38;
	[tilespmem:$0x14480] =	vst v63  }
0x214: {  	_ =	swait.ge [sflag:s18], $0x200  }
0x215: {  	[sflag:s18] =	ssyncset.done $0x0  }
0x216: {  	s25 =	rddreg [dreg:$0xf];
	[sflag:s18] =	ssyncadd.s32 $0xFFFFFE00  }
0x217: {  	[hbm4b:s25+s1] =	stream.linear.scatter [tilespmem:s20], [sflag:$0x9], $0x80, $0x38;
	[tilespmem:$0x14480] =	vst v63  }
0x218: {  	_ =	swait.ge [sflag:s18], $0x80  }
0x219: {  	s21 =	sadd.s32 $0x1, s21;
	s26 =	rddreg [dreg:$0x14]  }
0x21a: {  	p0 =	sne.s32 s21, s26  }
.Ltmp14:
0x21b: {  	_ = 	snop;
	(pc) =	sbr.rel @p0 .LBB2_1-.Ltmp14, $3  }
0x21c: {  	_ =	sdelay $0x1  }
0x21d: {  	[sflag:s18] =	ssyncset.done $0x0  }
0x21e: {  	[sflag:s18] =	ssyncadd.s32 $0xFFFFFF80  }
0x21f: {  	_ =	sfence.sel $0x180000  }
0x220: {  	[bflag:$0x0] =	sbarrier.arrive $0xFFFF  }
0x221: {  	_ =	strace $0x90000047  }
0x222: {  	s0 =	stileid.u32;
	[bflag:$0x2] =	sbarrier.arrive $0xFFFF  }
0x223: {  	p0 =	sne.s32 s0, $0x0;
	s0 =	rddreg [dreg:$0x1]  }
0x224: {  	s0 =	sadd.s32 @!p0 $0x100000, s0  }
0x225: {  	[sflag:s0] =	ssyncadd.tile.s32 @!p0 $0x1;
	_ =	shalt  }
.Lfunc_end2:
_tile_overlayer_lowered:
.L_overlay_start_2:
0x226: {  	(tag) =	ssettag $0x2  }
0x227: {  	s0 =	rddreg [dreg:$0x0];
	s2 =	stileid.u32  }
0x228: {  	s1 =	rddreg [dreg:$0x1];
	p0 =	sne.s32 s2, $0x0  }
0x229: {  	s3 =	rddreg [dreg:$0x2];
	[bflag:$0x3] =	sbarrier.arrive $0xFFFF;
	s2 =	simm.s32 @!p0 $0x1C09  }
0x22a: {  	[timem:s3], [sflag:s2] =	dma.local @!p0 [hbm:s0], s1  }
0x22b: {  	s0 =	simm.s32 @!p0 $0x9  }
0x22c: {  	_ =	swait.ge @!p0 [sflag:s0], s1  }
0x22d: {  	s1 =	ssub.s32 @!p0 $0x0, s1;
	[sflag:s0] =	ssyncset.done @!p0 $0x0  }
0x22e: {  	[sflag:s0] =	ssyncadd.s32 @!p0 s1  }
0x22f: {  	[bflag:$0x3] =	sbarrier.arrive $0xFFFF  }
0x230: {  	_ =	shalt  }

</sc_bundles>
